<compile_context>
chip_gen: v7x
topology: tpu7x:2x2x1
jax: 0.10.2.dev20260603
libtpu: 0.0.44.dev20260713+nightly
codegen_flags: <defaults>
</compile_context>

<pallas_src>
import functools

import jax
import jax.numpy as jnp
from jax import lax
from jax.experimental import pallas as pl
from jax.experimental.pallas import tpu as pltpu
from jax.experimental.pallas import tpu_sc as plsc

_NP = 10240
_STRIPE = _NP // 16
_K = 128
_NCH = 80
_NW = 32
_EPAD = _NW * _NCH * _K
_ZR = 64
_D = 128
_G = 64

_mesh = plsc.VectorSubcoreMesh(core_axis_name="c", subcore_axis_name="s")


def _sc_edge_scatter(table, sd4, zeros):

    @functools.partial(
        pl.kernel,
        out_type=jax.ShapeDtypeStruct((2, _NP, _D), jnp.float32),
        mesh=_mesh,
        scratch_types=[
            pltpu.VMEM((2, 2, _K), jnp.int32),
            pltpu.VMEM((_K, _D), jnp.float32),
            pltpu.VMEM((_K, _D), jnp.float32),
            pltpu.VMEM((_ZR, _D), jnp.float32),
            pltpu.VMEM_SHARED((_NP, _D), jnp.float32),
            pltpu.SemaphoreType.DMA,
            pltpu.SemaphoreType.DMA,
        ],
    )
    def k(table_h, sd_h, zeros_h, out_h, idx_v, buf0, buf1, zbuf, acc,
          gsem, isem):
        c = lax.axis_index("c")
        s = lax.axis_index("s")
        wid = c * 16 + s
        r0 = s * _STRIPE
        pltpu.sync_copy(zeros_h, zbuf)
        for z in range(_STRIPE // _ZR):
            pltpu.sync_copy(zbuf, acc.at[pl.ds(r0 + z * _ZR, _ZR)])
        pltpu.sync_copy(sd_h.at[wid, 0], idx_v.at[0])
        pltpu.async_copy(sd_h.at[wid, 1], idx_v.at[1], isem)
        plsc.subcore_barrier()

        bufs = (buf0, buf1)
        pltpu.async_copy(table_h.at[idx_v.at[0, 0]], buf0, gsem)

        def body(i, carry):
            for b in range(2):
                j = 2 * i + b
                jn1 = jnp.minimum(j + 1, _NCH - 1)
                jn2 = jnp.minimum(j + 2, _NCH - 1)
                pltpu.make_async_copy(table_h.at[idx_v.at[0, 0]], bufs[b],
                                      gsem).wait()
                pltpu.make_async_copy(sd_h.at[wid, 0], idx_v.at[0],
                                      isem).wait()
                pltpu.async_copy(table_h.at[idx_v.at[1 - b, 0]], bufs[1 - b],
                                 gsem)
                pltpu.sync_copy(bufs[b], acc.at[idx_v.at[b, 1]], add=True)
                pltpu.async_copy(sd_h.at[wid, jn2], idx_v.at[b], isem)
            return carry

        lax.fori_loop(0, _NCH // 2, body, 0)
        pltpu.make_async_copy(table_h.at[idx_v.at[0, 0]], bufs[0],
                              gsem).wait()
        pltpu.make_async_copy(sd_h.at[wid, 0], idx_v.at[0], isem).wait()
        plsc.subcore_barrier()
        pltpu.sync_copy(acc.at[pl.ds(r0, _STRIPE)],
                        out_h.at[c, pl.ds(r0, _STRIPE)])

    return k(table, sd4, zeros)


def _sc_degree(dst2, zeros1d):

    @functools.partial(
        pl.kernel,
        out_type=jax.ShapeDtypeStruct((_NW, _NP), jnp.float32),
        mesh=_mesh,
        compiler_params=pltpu.CompilerParams(needs_layout_passes=False),
        scratch_types=[
            pltpu.VMEM((_NCH * _K,), jnp.int32),
            pltpu.VMEM((_NP,), jnp.float32),
        ],
    )
    def k(dst_h, zeros_h, out_h, dst_v, deg_v):
        c = lax.axis_index("c")
        s = lax.axis_index("s")
        wid = c * 16 + s
        pltpu.sync_copy(dst_h.at[wid], dst_v)
        pltpu.sync_copy(zeros_h, deg_v)
        ones = jnp.ones((16,), jnp.float32)

        def body(i, carry):
            d = dst_v[pl.ds(i * 16, 16)]
            plsc.addupdate_scatter(deg_v, [d], ones)
            return carry

        lax.fori_loop(0, (_NCH * _K) // 16, body, 0)
        pltpu.sync_copy(deg_v, out_h.at[wid])

    return k(dst2, zeros1d)


_BR = 1280


def _tc_scale(x, w, degp):

    def body(x_ref, w_ref, deg_ref, xs_ref, dinv_ref):
        deg = lax.dot_general(deg_ref[...], jnp.ones((_NW, 1), jnp.float32),
                              (((0,), (0,)), ((), ())),
                              preferred_element_type=jnp.float32)
        dinv = 1.0 / jnp.sqrt(deg + 1.0)
        xw = jnp.dot(x_ref[...], w_ref[...],
                     preferred_element_type=jnp.float32)
        xs_ref[...] = xw * dinv
        dinv_ref[...] = jnp.broadcast_to(dinv, (_BR, 8))

    return pl.pallas_call(
        body,
        grid=(_NP // _BR,),
        in_specs=[
            pl.BlockSpec((_BR, _D), lambda i: (i, 0)),
            pl.BlockSpec((_D, _D), lambda i: (0, 0)),
            pl.BlockSpec((_NW, _BR), lambda i: (0, i)),
        ],
        out_specs=(
            pl.BlockSpec((_BR, _D), lambda i: (i, 0)),
            pl.BlockSpec((_BR, 8), lambda i: (i, 0)),
        ),
        out_shape=(
            jax.ShapeDtypeStruct((_NP, _D), jnp.float32),
            jax.ShapeDtypeStruct((_NP, 8), jnp.float32),
        ),
    )(x, w, degp)


def _tc_mid(accp, xs, dinv8, b, w):

    def body(acc_ref, xs_ref, dinv_ref, b_ref, w_ref, o_ref):
        dinv = dinv_ref[:, 0:1]
        h = jnp.maximum(
            (acc_ref[0] + acc_ref[1] + xs_ref[...]) * dinv + b_ref[...], 0.0)
        o_ref[...] = jnp.dot(h, w_ref[...],
                             preferred_element_type=jnp.float32) * dinv

    return pl.pallas_call(
        body,
        grid=(_NP // _BR,),
        in_specs=[
            pl.BlockSpec((2, _BR, _D), lambda i: (0, i, 0)),
            pl.BlockSpec((_BR, _D), lambda i: (i, 0)),
            pl.BlockSpec((_BR, 8), lambda i: (i, 0)),
            pl.BlockSpec((1, _D), lambda i: (0, 0)),
            pl.BlockSpec((_D, _D), lambda i: (0, 0)),
        ],
        out_specs=pl.BlockSpec((_BR, _D), lambda i: (i, 0)),
        out_shape=jax.ShapeDtypeStruct((_NP, _D), jnp.float32),
    )(accp, xs, dinv8, b, w)


def _tc_head(accp, xs, dinv8, b, batch_p, fcW1, fcb1, fcW2, fcb2, fcW3, fcb3,
             fcW4, fcb4):

    d_out = fcW4.shape[1]

    def body(acc_ref, xs_ref, dinv_ref, b_ref, batch_ref, w1_ref, c1_ref,
             w2_ref, c2_ref, w3_ref, c3_ref, w4_ref, c4_ref, f_ref, y_ref,
             sums_ref, cnts_ref):
        i = pl.program_id(0)

        @pl.when(i == 0)
        def _():
            sums_ref[...] = jnp.zeros((_G, _D), jnp.float32)
            cnts_ref[...] = jnp.zeros((_G, 8), jnp.float32)

        dinv = dinv_ref[:, 0:1]
        h = (acc_ref[0] + acc_ref[1] + xs_ref[...]) * dinv + b_ref[...]
        ids = batch_ref[...]
        onehot = (ids == lax.broadcasted_iota(jnp.int32, (_BR, _G), 1)
                  ).astype(jnp.float32)
        dims = (((0,), (0,)), ((), ()))
        sums_ref[...] += lax.dot_general(onehot, h, dims,
                                         preferred_element_type=jnp.float32)
        cnts_ref[...] += lax.dot_general(
            onehot, jnp.ones((_BR, 8), jnp.float32), dims,
            preferred_element_type=jnp.float32)

        @pl.when(i == _NP // _BR - 1)
        def _():
            f = sums_ref[...] / jnp.maximum(cnts_ref[:, 0:1], 1.0)
            y = jnp.maximum(jnp.dot(f, w1_ref[...],
                                    preferred_element_type=jnp.float32)
                            + c1_ref[...], 0.0)
            y = jnp.maximum(jnp.dot(y, w2_ref[...],
                                    preferred_element_type=jnp.float32)
                            + c2_ref[...], 0.0)
            y = jnp.maximum(jnp.dot(y, w3_ref[...],
                                    preferred_element_type=jnp.float32)
                            + c3_ref[...], 0.0)
            y = jnp.dot(y, w4_ref[...],
                        preferred_element_type=jnp.float32) + c4_ref[...]
            f_ref[...] = f
            y_ref[...] = y

    return pl.pallas_call(
        body,
        grid=(_NP // _BR,),
        in_specs=[
            pl.BlockSpec((2, _BR, _D), lambda i: (0, i, 0)),
            pl.BlockSpec((_BR, _D), lambda i: (i, 0)),
            pl.BlockSpec((_BR, 8), lambda i: (i, 0)),
            pl.BlockSpec((1, _D), lambda i: (0, 0)),
            pl.BlockSpec((_BR, 1), lambda i: (i, 0)),
            pl.BlockSpec(fcW1.shape, lambda i: (0, 0)),
            pl.BlockSpec((1, fcW1.shape[1]), lambda i: (0, 0)),
            pl.BlockSpec(fcW2.shape, lambda i: (0, 0)),
            pl.BlockSpec((1, fcW2.shape[1]), lambda i: (0, 0)),
            pl.BlockSpec(fcW3.shape, lambda i: (0, 0)),
            pl.BlockSpec((1, fcW3.shape[1]), lambda i: (0, 0)),
            pl.BlockSpec(fcW4.shape, lambda i: (0, 0)),
            pl.BlockSpec((1, d_out), lambda i: (0, 0)),
        ],
        out_specs=(
            pl.BlockSpec((_G, _D), lambda i: (0, 0)),
            pl.BlockSpec((_G, d_out), lambda i: (0, 0)),
        ),
        out_shape=(
            jax.ShapeDtypeStruct((_G, _D), jnp.float32),
            jax.ShapeDtypeStruct((_G, d_out), jnp.float32),
        ),
        scratch_shapes=[
            pltpu.VMEM((_G, _D), jnp.float32),
            pltpu.VMEM((_G, 8), jnp.float32),
        ],
    )(accp, xs, dinv8, b, batch_p, fcW1, fcb1, fcW2, fcb2, fcW3, fcb3, fcW4,
      fcb4)


def kernel(x, edge_index, batch, W1, b1, W2, b2, W3, b3, fcW1, fcb1, fcW2,
           fcb2, fcW3, fcb3, fcW4, fcb4):
    n = x.shape[0]
    e = edge_index.shape[1]
    fill = n + jnp.arange(_EPAD - e, dtype=jnp.int32) % (_NP - n)
    ei_pad = jnp.concatenate(
        [edge_index, jnp.broadcast_to(fill, (2, _EPAD - e))], axis=1)
    sd4 = ei_pad.reshape(2, _NW, _NCH, _K).transpose(1, 2, 0, 3)
    dst2 = sd4[:, :, 1, :].reshape(_NW, _NCH * _K)
    x_p = jnp.pad(x, ((0, _NP - n), (0, 0)))
    batch_p = jnp.concatenate(
        [batch, jnp.full((_NP - n,), -1, jnp.int32)]).reshape(_NP, 1)
    zeros = jnp.zeros((_ZR, _D), jnp.float32)
    zeros1d = jnp.zeros((_NP,), jnp.float32)

    degp = _sc_degree(dst2, zeros1d)
    xs1, dinv8 = _tc_scale(x_p, W1, degp)
    acc1 = _sc_edge_scatter(xs1, sd4, zeros)
    xs2 = _tc_mid(acc1, xs1, dinv8, b1.reshape(1, -1), W2)
    acc2 = _sc_edge_scatter(xs2, sd4, zeros)
    xs3 = _tc_mid(acc2, xs2, dinv8, b2.reshape(1, -1), W3)
    acc3 = _sc_edge_scatter(xs3, sd4, zeros)
    f, y = _tc_head(acc3, xs3, dinv8, b3.reshape(1, -1), batch_p,
                    fcW1, fcb1.reshape(1, -1), fcW2, fcb2.reshape(1, -1),
                    fcW3, fcb3.reshape(1, -1), fcW4, fcb4.reshape(1, -1))
    return (f, y)

# --- scband reference (transcript-rebuilt; emitter-appended) ---
"""Pipeline reference for scband-tnetwork-17454747091444 (READ-ONLY COPY).

The authoritative reference and input builder live on the scoring server;
editing this copy changes nothing except your own understanding.
"""

import jax, jax.numpy as jnp
import numpy as np

N = 10000
E = 320000
D_IN = 128
D_H = 128
D_OUT = 32
G = 64


def setup_inputs(seed: int = 0):
    key = jax.random.key(seed)
    ks = jax.random.split(key, 16)
    s = 0.05
    return {
        "x": jax.random.normal(ks[0], (N, D_IN), dtype=jnp.float32),
        "edge_index": jax.random.randint(ks[1], (2, E), 0, N, dtype=jnp.int32),
        "batch": jnp.sort(jax.random.randint(ks[2], (N,), 0, G, dtype=jnp.int32)),
        "W1": jax.random.normal(ks[3], (D_IN, D_H), dtype=jnp.float32) * s,
        "b1": jnp.zeros((D_H,), dtype=jnp.float32),
        "W2": jax.random.normal(ks[4], (D_H, D_H), dtype=jnp.float32) * s,
        "b2": jnp.zeros((D_H,), dtype=jnp.float32),
        "W3": jax.random.normal(ks[5], (D_H, D_H), dtype=jnp.float32) * s,
        "b3": jnp.zeros((D_H,), dtype=jnp.float32),
        "fcW1": jax.random.normal(ks[6], (D_H, 4 * D_H), dtype=jnp.float32) * s,
        "fcb1": jnp.zeros((4 * D_H,), dtype=jnp.float32),
        "fcW2": jax.random.normal(ks[7], (4 * D_H, 2 * D_H), dtype=jnp.float32) * s,
        "fcb2": jnp.zeros((2 * D_H,), dtype=jnp.float32),
        "fcW3": jax.random.normal(ks[8], (2 * D_H, D_H), dtype=jnp.float32) * s,
        "fcb3": jnp.zeros((D_H,), dtype=jnp.float32),
        "fcW4": jax.random.normal(ks[9], (D_H, D_OUT), dtype=jnp.float32) * s,
        "fcb4": jnp.zeros((D_OUT,), dtype=jnp.float32),
    }


def _gcn(x, src, dst, W, b, n):
    # GCNConv: deg includes self-loops (added by caller), symmetric norm,
    # linear transform, scatter-add aggregation, bias after aggregation.
    xw = x @ W
    ones = jnp.ones((src.shape[0],), dtype=x.dtype)
    deg = jnp.zeros((n,), dtype=x.dtype).at[dst].add(ones)
    dinv = jnp.where(deg > 0, 1.0 / jnp.sqrt(deg), 0.0)
    norm = dinv[src] * dinv[dst]
    msg = xw[src] * norm[:, None]
    out = jnp.zeros((n, xw.shape[1]), dtype=x.dtype).at[dst].add(msg)
    return out + b


def reference(x, edge_index, batch, W1, b1, W2, b2, W3, b3, fcW1, fcb1, fcW2, fcb2, fcW3, fcb3, fcW4, fcb4):
    n = x.shape[0]
    loop = jnp.arange(n, dtype=edge_index.dtype)
    src = jnp.concatenate([edge_index[0], loop])
    dst = jnp.concatenate([edge_index[1], loop])
    h = jax.nn.relu(_gcn(x, src, dst, W1, b1, n))
    h = jax.nn.relu(_gcn(h, src, dst, W2, b2, n))
    h = _gcn(h, src, dst, W3, b3, n)
    sums = jax.ops.segment_sum(h, batch, num_segments=G)
    cnts = jax.ops.segment_sum(jnp.ones((n,), dtype=h.dtype), batch, num_segments=G)
    f = sums / jnp.maximum(cnts, 1.0)[:, None]
    y = jax.nn.relu(f @ fcW1 + fcb1)
    y = jax.nn.relu(y @ fcW2 + fcb2)
    y = jax.nn.relu(y @ fcW3 + fcb3)
    y = y @ fcW4 + fcb4
    return (f, y)

if __name__ == "__main__":
    import jax
    _d = setup_inputs()
    print(jax.jit(kernel)(*tuple(_d.values())))

</pallas_src>

<mosaic_0001>
#map = affine_map<(d0, d1) -> (0, 0)>
#map1 = affine_map<(d0, d1) -> (0, 0, 0, 0)>
#map2 = affine_map<(d0, d1) -> (0, 0, 0)>
module attributes {stable_mosaic.version = 14 : i64} {
  func.func @k(%arg0: i32, %arg1: i32, %arg2: memref<10240x128xf32, #tpu.memory_space<hbm>>, %arg3: memref<32x80x2x128xi32, #tpu.memory_space<hbm>>, %arg4: memref<64x128xf32, #tpu.memory_space<hbm>>, %arg5: memref<2x10240x128xf32, #tpu.memory_space<hbm>>, %arg6: memref<2x2x128xi32, #tpu.memory_space<vmem>>, %arg7: memref<128x128xf32, #tpu.memory_space<vmem>>, %arg8: memref<128x128xf32, #tpu.memory_space<vmem>>, %arg9: memref<64x128xf32, #tpu.memory_space<vmem>>, %arg10: memref<10240x128xf32, #tpu.memory_space<vmem_shared>>, %arg11: memref<!tpu.dma_semaphore, #tpu.memory_space<semaphore_mem>>, %arg12: memref<!tpu.dma_semaphore, #tpu.memory_space<semaphore_mem>>) attributes {dimension_semantics = [#tpu.dimension_semantics<core_parallel>, #tpu.dimension_semantics<subcore_parallel>], iteration_bounds = array<i64: 2, 16>, scalar_prefetch = 0 : i64, scratch_operands = 7 : i64, tpu.core_type = #tpu.core_type<sc_vector_subcore>, window_params = [{transform_indices = #map}, {transform_indices = #map1}, {transform_indices = #map}, {transform_indices = #map2}]} {
    %mul3A = arith.constant 16 : i32
    %mul3A_0 = arith.muli %arg0, %mul3A : i32
    %add3A = arith.addi %mul3A_0, %arg1 : i32
    %mul3A_1 = arith.constant 640 : i32
    %mul3A_2 = arith.muli %arg1, %mul3A_1 : i32
    "tpu.region"() ({
      %run_scoped3A_80 = tpu.sem_alloc : memref<!tpu.dma_semaphore, #tpu.memory_space<semaphore_mem>>
      tpu.enqueue_dma source(%arg4 : memref<64x128xf32, #tpu.memory_space<hbm>>) target(%arg9 : memref<64x128xf32, #tpu.memory_space<vmem>>) target_semaphore(%run_scoped3A_80 : memref<!tpu.dma_semaphore, #tpu.memory_space<semaphore_mem>>)
      tpu.wait_dma2 semaphore(%run_scoped3A_80 : memref<!tpu.dma_semaphore, #tpu.memory_space<semaphore_mem>>) src(%arg4 : memref<64x128xf32, #tpu.memory_space<hbm>>) dst(%arg9 : memref<64x128xf32, #tpu.memory_space<vmem>>)
      tpu.yield
    }) : () -> ()
    %add3A_3 = arith.constant 0 : i32
    %add3A_4 = arith.addi %mul3A_2, %add3A_3 : i32
    "tpu.region"() ({
      %run_scoped3A_80 = tpu.sem_alloc : memref<!tpu.dma_semaphore, #tpu.memory_space<semaphore_mem>>
      %dma_start3A_81 = arith.constant 0 : i32
      %dma_start3A_82 = tpu.memref_slice %arg10[%add3A_4, %dma_start3A_81] : memref<10240x128xf32, #tpu.memory_space<vmem_shared>> -> memref<64x128xf32, #tpu.memory_space<vmem_shared>>
      %dma_start3A_83 = arith.constant 0 : i32
      %dma_start3A_84 = tpu.memref_slice %arg10[%add3A_4, %dma_start3A_83] : memref<10240x128xf32, #tpu.memory_space<vmem_shared>> -> memref<64x128xf32, #tpu.memory_space<vmem_shared>>
      tpu.enqueue_dma source(%arg9 : memref<64x128xf32, #tpu.memory_space<vmem>>) target(%dma_start3A_84 : memref<64x128xf32, #tpu.memory_space<vmem_shared>>) target_semaphore(%run_scoped3A_80 : memref<!tpu.dma_semaphore, #tpu.memory_space<semaphore_mem>>)
      %dma_wait3A_85 = arith.constant 0 : i32
      %dma_wait3A_86 = tpu.memref_slice %arg10[%add3A_4, %dma_wait3A_85] : memref<10240x128xf32, #tpu.memory_space<vmem_shared>> -> memref<64x128xf32, #tpu.memory_space<vmem_shared>>
      %dma_wait3A_87 = arith.constant 0 : i32
      %dma_wait3A_88 = tpu.memref_slice %arg10[%add3A_4, %dma_wait3A_87] : memref<10240x128xf32, #tpu.memory_space<vmem_shared>> -> memref<64x128xf32, #tpu.memory_space<vmem_shared>>
      tpu.wait_dma2 semaphore(%run_scoped3A_80 : memref<!tpu.dma_semaphore, #tpu.memory_space<semaphore_mem>>) src(%arg9 : memref<64x128xf32, #tpu.memory_space<vmem>>) dst(%dma_wait3A_88 : memref<64x128xf32, #tpu.memory_space<vmem_shared>>)
      tpu.yield
    }) : () -> ()
    %add3A_5 = arith.constant 64 : i32
    %add3A_6 = arith.addi %mul3A_2, %add3A_5 : i32
    "tpu.region"() ({
      %run_scoped3A_80 = tpu.sem_alloc : memref<!tpu.dma_semaphore, #tpu.memory_space<semaphore_mem>>
      %dma_start3A_81 = arith.constant 0 : i32
      %dma_start3A_82 = tpu.memref_slice %arg10[%add3A_6, %dma_start3A_81] : memref<10240x128xf32, #tpu.memory_space<vmem_shared>> -> memref<64x128xf32, #tpu.memory_space<vmem_shared>>
      %dma_start3A_83 = arith.constant 0 : i32
      %dma_start3A_84 = tpu.memref_slice %arg10[%add3A_6, %dma_start3A_83] : memref<10240x128xf32, #tpu.memory_space<vmem_shared>> -> memref<64x128xf32, #tpu.memory_space<vmem_shared>>
      tpu.enqueue_dma source(%arg9 : memref<64x128xf32, #tpu.memory_space<vmem>>) target(%dma_start3A_84 : memref<64x128xf32, #tpu.memory_space<vmem_shared>>) target_semaphore(%run_scoped3A_80 : memref<!tpu.dma_semaphore, #tpu.memory_space<semaphore_mem>>)
      %dma_wait3A_85 = arith.constant 0 : i32
      %dma_wait3A_86 = tpu.memref_slice %arg10[%add3A_6, %dma_wait3A_85] : memref<10240x128xf32, #tpu.memory_space<vmem_shared>> -> memref<64x128xf32, #tpu.memory_space<vmem_shared>>
      %dma_wait3A_87 = arith.constant 0 : i32
      %dma_wait3A_88 = tpu.memref_slice %arg10[%add3A_6, %dma_wait3A_87] : memref<10240x128xf32, #tpu.memory_space<vmem_shared>> -> memref<64x128xf32, #tpu.memory_space<vmem_shared>>
      tpu.wait_dma2 semaphore(%run_scoped3A_80 : memref<!tpu.dma_semaphore, #tpu.memory_space<semaphore_mem>>) src(%arg9 : memref<64x128xf32, #tpu.memory_space<vmem>>) dst(%dma_wait3A_88 : memref<64x128xf32, #tpu.memory_space<vmem_shared>>)
      tpu.yield
    }) : () -> ()
    %add3A_7 = arith.constant 128 : i32
    %add3A_8 = arith.addi %mul3A_2, %add3A_7 : i32
    "tpu.region"() ({
      %run_scoped3A_80 = tpu.sem_alloc : memref<!tpu.dma_semaphore, #tpu.memory_space<semaphore_mem>>
      %dma_start3A_81 = arith.constant 0 : i32
      %dma_start3A_82 = tpu.memref_slice %arg10[%add3A_8, %dma_start3A_81] : memref<10240x128xf32, #tpu.memory_space<vmem_shared>> -> memref<64x128xf32, #tpu.memory_space<vmem_shared>>
      %dma_start3A_83 = arith.constant 0 : i32
      %dma_start3A_84 = tpu.memref_slice %arg10[%add3A_8, %dma_start3A_83] : memref<10240x128xf32, #tpu.memory_space<vmem_shared>> -> memref<64x128xf32, #tpu.memory_space<vmem_shared>>
      tpu.enqueue_dma source(%arg9 : memref<64x128xf32, #tpu.memory_space<vmem>>) target(%dma_start3A_84 : memref<64x128xf32, #tpu.memory_space<vmem_shared>>) target_semaphore(%run_scoped3A_80 : memref<!tpu.dma_semaphore, #tpu.memory_space<semaphore_mem>>)
      %dma_wait3A_85 = arith.constant 0 : i32
      %dma_wait3A_86 = tpu.memref_slice %arg10[%add3A_8, %dma_wait3A_85] : memref<10240x128xf32, #tpu.memory_space<vmem_shared>> -> memref<64x128xf32, #tpu.memory_space<vmem_shared>>
      %dma_wait3A_87 = arith.constant 0 : i32
      %dma_wait3A_88 = tpu.memref_slice %arg10[%add3A_8, %dma_wait3A_87] : memref<10240x128xf32, #tpu.memory_space<vmem_shared>> -> memref<64x128xf32, #tpu.memory_space<vmem_shared>>
      tpu.wait_dma2 semaphore(%run_scoped3A_80 : memref<!tpu.dma_semaphore, #tpu.memory_space<semaphore_mem>>) src(%arg9 : memref<64x128xf32, #tpu.memory_space<vmem>>) dst(%dma_wait3A_88 : memref<64x128xf32, #tpu.memory_space<vmem_shared>>)
      tpu.yield
    }) : () -> ()
    %add3A_9 = arith.constant 192 : i32
    %add3A_10 = arith.addi %mul3A_2, %add3A_9 : i32
    "tpu.region"() ({
      %run_scoped3A_80 = tpu.sem_alloc : memref<!tpu.dma_semaphore, #tpu.memory_space<semaphore_mem>>
      %dma_start3A_81 = arith.constant 0 : i32
      %dma_start3A_82 = tpu.memref_slice %arg10[%add3A_10, %dma_start3A_81] : memref<10240x128xf32, #tpu.memory_space<vmem_shared>> -> memref<64x128xf32, #tpu.memory_space<vmem_shared>>
      %dma_start3A_83 = arith.constant 0 : i32
      %dma_start3A_84 = tpu.memref_slice %arg10[%add3A_10, %dma_start3A_83] : memref<10240x128xf32, #tpu.memory_space<vmem_shared>> -> memref<64x128xf32, #tpu.memory_space<vmem_shared>>
      tpu.enqueue_dma source(%arg9 : memref<64x128xf32, #tpu.memory_space<vmem>>) target(%dma_start3A_84 : memref<64x128xf32, #tpu.memory_space<vmem_shared>>) target_semaphore(%run_scoped3A_80 : memref<!tpu.dma_semaphore, #tpu.memory_space<semaphore_mem>>)
      %dma_wait3A_85 = arith.constant 0 : i32
      %dma_wait3A_86 = tpu.memref_slice %arg10[%add3A_10, %dma_wait3A_85] : memref<10240x128xf32, #tpu.memory_space<vmem_shared>> -> memref<64x128xf32, #tpu.memory_space<vmem_shared>>
      %dma_wait3A_87 = arith.constant 0 : i32
      %dma_wait3A_88 = tpu.memref_slice %arg10[%add3A_10, %dma_wait3A_87] : memref<10240x128xf32, #tpu.memory_space<vmem_shared>> -> memref<64x128xf32, #tpu.memory_space<vmem_shared>>
      tpu.wait_dma2 semaphore(%run_scoped3A_80 : memref<!tpu.dma_semaphore, #tpu.memory_space<semaphore_mem>>) src(%arg9 : memref<64x128xf32, #tpu.memory_space<vmem>>) dst(%dma_wait3A_88 : memref<64x128xf32, #tpu.memory_space<vmem_shared>>)
      tpu.yield
    }) : () -> ()
    %add3A_11 = arith.constant 256 : i32
    %add3A_12 = arith.addi %mul3A_2, %add3A_11 : i32
    "tpu.region"() ({
      %run_scoped3A_80 = tpu.sem_alloc : memref<!tpu.dma_semaphore, #tpu.memory_space<semaphore_mem>>
      %dma_start3A_81 = arith.constant 0 : i32
      %dma_start3A_82 = tpu.memref_slice %arg10[%add3A_12, %dma_start3A_81] : memref<10240x128xf32, #tpu.memory_space<vmem_shared>> -> memref<64x128xf32, #tpu.memory_space<vmem_shared>>
      %dma_start3A_83 = arith.constant 0 : i32
      %dma_start3A_84 = tpu.memref_slice %arg10[%add3A_12, %dma_start3A_83] : memref<10240x128xf32, #tpu.memory_space<vmem_shared>> -> memref<64x128xf32, #tpu.memory_space<vmem_shared>>
      tpu.enqueue_dma source(%arg9 : memref<64x128xf32, #tpu.memory_space<vmem>>) target(%dma_start3A_84 : memref<64x128xf32, #tpu.memory_space<vmem_shared>>) target_semaphore(%run_scoped3A_80 : memref<!tpu.dma_semaphore, #tpu.memory_space<semaphore_mem>>)
      %dma_wait3A_85 = arith.constant 0 : i32
      %dma_wait3A_86 = tpu.memref_slice %arg10[%add3A_12, %dma_wait3A_85] : memref<10240x128xf32, #tpu.memory_space<vmem_shared>> -> memref<64x128xf32, #tpu.memory_space<vmem_shared>>
      %dma_wait3A_87 = arith.constant 0 : i32
      %dma_wait3A_88 = tpu.memref_slice %arg10[%add3A_12, %dma_wait3A_87] : memref<10240x128xf32, #tpu.memory_space<vmem_shared>> -> memref<64x128xf32, #tpu.memory_space<vmem_shared>>
      tpu.wait_dma2 semaphore(%run_scoped3A_80 : memref<!tpu.dma_semaphore, #tpu.memory_space<semaphore_mem>>) src(%arg9 : memref<64x128xf32, #tpu.memory_space<vmem>>) dst(%dma_wait3A_88 : memref<64x128xf32, #tpu.memory_space<vmem_shared>>)
      tpu.yield
    }) : () -> ()
    %add3A_13 = arith.constant 320 : i32
    %add3A_14 = arith.addi %mul3A_2, %add3A_13 : i32
    "tpu.region"() ({
      %run_scoped3A_80 = tpu.sem_alloc : memref<!tpu.dma_semaphore, #tpu.memory_space<semaphore_mem>>
      %dma_start3A_81 = arith.constant 0 : i32
      %dma_start3A_82 = tpu.memref_slice %arg10[%add3A_14, %dma_start3A_81] : memref<10240x128xf32, #tpu.memory_space<vmem_shared>> -> memref<64x128xf32, #tpu.memory_space<vmem_shared>>
      %dma_start3A_83 = arith.constant 0 : i32
      %dma_start3A_84 = tpu.memref_slice %arg10[%add3A_14, %dma_start3A_83] : memref<10240x128xf32, #tpu.memory_space<vmem_shared>> -> memref<64x128xf32, #tpu.memory_space<vmem_shared>>
      tpu.enqueue_dma source(%arg9 : memref<64x128xf32, #tpu.memory_space<vmem>>) target(%dma_start3A_84 : memref<64x128xf32, #tpu.memory_space<vmem_shared>>) target_semaphore(%run_scoped3A_80 : memref<!tpu.dma_semaphore, #tpu.memory_space<semaphore_mem>>)
      %dma_wait3A_85 = arith.constant 0 : i32
      %dma_wait3A_86 = tpu.memref_slice %arg10[%add3A_14, %dma_wait3A_85] : memref<10240x128xf32, #tpu.memory_space<vmem_shared>> -> memref<64x128xf32, #tpu.memory_space<vmem_shared>>
      %dma_wait3A_87 = arith.constant 0 : i32
      %dma_wait3A_88 = tpu.memref_slice %arg10[%add3A_14, %dma_wait3A_87] : memref<10240x128xf32, #tpu.memory_space<vmem_shared>> -> memref<64x128xf32, #tpu.memory_space<vmem_shared>>
      tpu.wait_dma2 semaphore(%run_scoped3A_80 : memref<!tpu.dma_semaphore, #tpu.memory_space<semaphore_mem>>) src(%arg9 : memref<64x128xf32, #tpu.memory_space<vmem>>) dst(%dma_wait3A_88 : memref<64x128xf32, #tpu.memory_space<vmem_shared>>)
      tpu.yield
    }) : () -> ()
    %add3A_15 = arith.constant 384 : i32
    %add3A_16 = arith.addi %mul3A_2, %add3A_15 : i32
    "tpu.region"() ({
      %run_scoped3A_80 = tpu.sem_alloc : memref<!tpu.dma_semaphore, #tpu.memory_space<semaphore_mem>>
      %dma_start3A_81 = arith.constant 0 : i32
      %dma_start3A_82 = tpu.memref_slice %arg10[%add3A_16, %dma_start3A_81] : memref<10240x128xf32, #tpu.memory_space<vmem_shared>> -> memref<64x128xf32, #tpu.memory_space<vmem_shared>>
      %dma_start3A_83 = arith.constant 0 : i32
      %dma_start3A_84 = tpu.memref_slice %arg10[%add3A_16, %dma_start3A_83] : memref<10240x128xf32, #tpu.memory_space<vmem_shared>> -> memref<64x128xf32, #tpu.memory_space<vmem_shared>>
      tpu.enqueue_dma source(%arg9 : memref<64x128xf32, #tpu.memory_space<vmem>>) target(%dma_start3A_84 : memref<64x128xf32, #tpu.memory_space<vmem_shared>>) target_semaphore(%run_scoped3A_80 : memref<!tpu.dma_semaphore, #tpu.memory_space<semaphore_mem>>)
      %dma_wait3A_85 = arith.constant 0 : i32
      %dma_wait3A_86 = tpu.memref_slice %arg10[%add3A_16, %dma_wait3A_85] : memref<10240x128xf32, #tpu.memory_space<vmem_shared>> -> memref<64x128xf32, #tpu.memory_space<vmem_shared>>
      %dma_wait3A_87 = arith.constant 0 : i32
      %dma_wait3A_88 = tpu.memref_slice %arg10[%add3A_16, %dma_wait3A_87] : memref<10240x128xf32, #tpu.memory_space<vmem_shared>> -> memref<64x128xf32, #tpu.memory_space<vmem_shared>>
      tpu.wait_dma2 semaphore(%run_scoped3A_80 : memref<!tpu.dma_semaphore, #tpu.memory_space<semaphore_mem>>) src(%arg9 : memref<64x128xf32, #tpu.memory_space<vmem>>) dst(%dma_wait3A_88 : memref<64x128xf32, #tpu.memory_space<vmem_shared>>)
      tpu.yield
    }) : () -> ()
    %add3A_17 = arith.constant 448 : i32
    %add3A_18 = arith.addi %mul3A_2, %add3A_17 : i32
    "tpu.region"() ({
      %run_scoped3A_80 = tpu.sem_alloc : memref<!tpu.dma_semaphore, #tpu.memory_space<semaphore_mem>>
      %dma_start3A_81 = arith.constant 0 : i32
      %dma_start3A_82 = tpu.memref_slice %arg10[%add3A_18, %dma_start3A_81] : memref<10240x128xf32, #tpu.memory_space<vmem_shared>> -> memref<64x128xf32, #tpu.memory_space<vmem_shared>>
      %dma_start3A_83 = arith.constant 0 : i32
      %dma_start3A_84 = tpu.memref_slice %arg10[%add3A_18, %dma_start3A_83] : memref<10240x128xf32, #tpu.memory_space<vmem_shared>> -> memref<64x128xf32, #tpu.memory_space<vmem_shared>>
      tpu.enqueue_dma source(%arg9 : memref<64x128xf32, #tpu.memory_space<vmem>>) target(%dma_start3A_84 : memref<64x128xf32, #tpu.memory_space<vmem_shared>>) target_semaphore(%run_scoped3A_80 : memref<!tpu.dma_semaphore, #tpu.memory_space<semaphore_mem>>)
      %dma_wait3A_85 = arith.constant 0 : i32
      %dma_wait3A_86 = tpu.memref_slice %arg10[%add3A_18, %dma_wait3A_85] : memref<10240x128xf32, #tpu.memory_space<vmem_shared>> -> memref<64x128xf32, #tpu.memory_space<vmem_shared>>
      %dma_wait3A_87 = arith.constant 0 : i32
      %dma_wait3A_88 = tpu.memref_slice %arg10[%add3A_18, %dma_wait3A_87] : memref<10240x128xf32, #tpu.memory_space<vmem_shared>> -> memref<64x128xf32, #tpu.memory_space<vmem_shared>>
      tpu.wait_dma2 semaphore(%run_scoped3A_80 : memref<!tpu.dma_semaphore, #tpu.memory_space<semaphore_mem>>) src(%arg9 : memref<64x128xf32, #tpu.memory_space<vmem>>) dst(%dma_wait3A_88 : memref<64x128xf32, #tpu.memory_space<vmem_shared>>)
      tpu.yield
    }) : () -> ()
    %add3A_19 = arith.constant 512 : i32
    %add3A_20 = arith.addi %mul3A_2, %add3A_19 : i32
    "tpu.region"() ({
      %run_scoped3A_80 = tpu.sem_alloc : memref<!tpu.dma_semaphore, #tpu.memory_space<semaphore_mem>>
      %dma_start3A_81 = arith.constant 0 : i32
      %dma_start3A_82 = tpu.memref_slice %arg10[%add3A_20, %dma_start3A_81] : memref<10240x128xf32, #tpu.memory_space<vmem_shared>> -> memref<64x128xf32, #tpu.memory_space<vmem_shared>>
      %dma_start3A_83 = arith.constant 0 : i32
      %dma_start3A_84 = tpu.memref_slice %arg10[%add3A_20, %dma_start3A_83] : memref<10240x128xf32, #tpu.memory_space<vmem_shared>> -> memref<64x128xf32, #tpu.memory_space<vmem_shared>>
      tpu.enqueue_dma source(%arg9 : memref<64x128xf32, #tpu.memory_space<vmem>>) target(%dma_start3A_84 : memref<64x128xf32, #tpu.memory_space<vmem_shared>>) target_semaphore(%run_scoped3A_80 : memref<!tpu.dma_semaphore, #tpu.memory_space<semaphore_mem>>)
      %dma_wait3A_85 = arith.constant 0 : i32
      %dma_wait3A_86 = tpu.memref_slice %arg10[%add3A_20, %dma_wait3A_85] : memref<10240x128xf32, #tpu.memory_space<vmem_shared>> -> memref<64x128xf32, #tpu.memory_space<vmem_shared>>
      %dma_wait3A_87 = arith.constant 0 : i32
      %dma_wait3A_88 = tpu.memref_slice %arg10[%add3A_20, %dma_wait3A_87] : memref<10240x128xf32, #tpu.memory_space<vmem_shared>> -> memref<64x128xf32, #tpu.memory_space<vmem_shared>>
      tpu.wait_dma2 semaphore(%run_scoped3A_80 : memref<!tpu.dma_semaphore, #tpu.memory_space<semaphore_mem>>) src(%arg9 : memref<64x128xf32, #tpu.memory_space<vmem>>) dst(%dma_wait3A_88 : memref<64x128xf32, #tpu.memory_space<vmem_shared>>)
      tpu.yield
    }) : () -> ()
    %add3A_21 = arith.constant 576 : i32
    %add3A_22 = arith.addi %mul3A_2, %add3A_21 : i32
    "tpu.region"() ({
      %run_scoped3A_80 = tpu.sem_alloc : memref<!tpu.dma_semaphore, #tpu.memory_space<semaphore_mem>>
      %dma_start3A_81 = arith.constant 0 : i32
      %dma_start3A_82 = tpu.memref_slice %arg10[%add3A_22, %dma_start3A_81] : memref<10240x128xf32, #tpu.memory_space<vmem_shared>> -> memref<64x128xf32, #tpu.memory_space<vmem_shared>>
      %dma_start3A_83 = arith.constant 0 : i32
      %dma_start3A_84 = tpu.memref_slice %arg10[%add3A_22, %dma_start3A_83] : memref<10240x128xf32, #tpu.memory_space<vmem_shared>> -> memref<64x128xf32, #tpu.memory_space<vmem_shared>>
      tpu.enqueue_dma source(%arg9 : memref<64x128xf32, #tpu.memory_space<vmem>>) target(%dma_start3A_84 : memref<64x128xf32, #tpu.memory_space<vmem_shared>>) target_semaphore(%run_scoped3A_80 : memref<!tpu.dma_semaphore, #tpu.memory_space<semaphore_mem>>)
      %dma_wait3A_85 = arith.constant 0 : i32
      %dma_wait3A_86 = tpu.memref_slice %arg10[%add3A_22, %dma_wait3A_85] : memref<10240x128xf32, #tpu.memory_space<vmem_shared>> -> memref<64x128xf32, #tpu.memory_space<vmem_shared>>
      %dma_wait3A_87 = arith.constant 0 : i32
      %dma_wait3A_88 = tpu.memref_slice %arg10[%add3A_22, %dma_wait3A_87] : memref<10240x128xf32, #tpu.memory_space<vmem_shared>> -> memref<64x128xf32, #tpu.memory_space<vmem_shared>>
      tpu.wait_dma2 semaphore(%run_scoped3A_80 : memref<!tpu.dma_semaphore, #tpu.memory_space<semaphore_mem>>) src(%arg9 : memref<64x128xf32, #tpu.memory_space<vmem>>) dst(%dma_wait3A_88 : memref<64x128xf32, #tpu.memory_space<vmem_shared>>)
      tpu.yield
    }) : () -> ()
    %run_scoped3A = arith.constant 0 : i32
    %run_scoped3A_23 = arith.constant 0 : i32
    "tpu.region"() ({
      %run_scoped3A_80 = tpu.sem_alloc : memref<!tpu.dma_semaphore, #tpu.memory_space<semaphore_mem>>
      %dma_start3A_81 = arith.constant 0 : i32
      %dma_start3A_82 = arith.constant 0 : i32
      %dma_start3A_83 = tpu.memref_slice %arg6[%run_scoped3A_23, %dma_start3A_81, %dma_start3A_82] : memref<2x2x128xi32, #tpu.memory_space<vmem>> -> memref<1x2x128xi32, #tpu.memory_space<vmem>>
      %dma_start3A_84 = tpu.memref_squeeze %dma_start3A_83 : memref<1x2x128xi32, #tpu.memory_space<vmem>> -> memref<2x128xi32, #tpu.memory_space<vmem>>
      %dma_start3A_85 = arith.constant 0 : i32
      %dma_start3A_86 = arith.constant 0 : i32
      %dma_start3A_87 = tpu.memref_slice %arg3[%add3A, %run_scoped3A, %dma_start3A_85, %dma_start3A_86] : memref<32x80x2x128xi32, #tpu.memory_space<hbm>> -> memref<1x1x2x128xi32, #tpu.memory_space<hbm>>
      %dma_start3A_88 = tpu.memref_squeeze %dma_start3A_87 : memref<1x1x2x128xi32, #tpu.memory_space<hbm>> -> memref<2x128xi32, #tpu.memory_space<hbm>>
      %dma_start3A_89 = arith.constant 0 : i32
      %dma_start3A_90 = arith.constant 0 : i32
      %dma_start3A_91 = tpu.memref_slice %arg6[%run_scoped3A_23, %dma_start3A_89, %dma_start3A_90] : memref<2x2x128xi32, #tpu.memory_space<vmem>> -> memref<1x2x128xi32, #tpu.memory_space<vmem>>
      %dma_start3A_92 = tpu.memref_squeeze %dma_start3A_91 : memref<1x2x128xi32, #tpu.memory_space<vmem>> -> memref<2x128xi32, #tpu.memory_space<vmem>>
      %dma_start3A_93 = arith.constant 0 : i32
      %dma_start3A_94 = arith.constant 0 : i32
      %dma_start3A_95 = tpu.memref_slice %arg3[%add3A, %run_scoped3A, %dma_start3A_93, %dma_start3A_94] : memref<32x80x2x128xi32, #tpu.memory_space<hbm>> -> memref<1x1x2x128xi32, #tpu.memory_space<hbm>>
      %dma_start3A_96 = tpu.memref_squeeze %dma_start3A_95 : memref<1x1x2x128xi32, #tpu.memory_space<hbm>> -> memref<2x128xi32, #tpu.memory_space<hbm>>
      tpu.enqueue_dma source(%dma_start3A_96 : memref<2x128xi32, #tpu.memory_space<hbm>>) target(%dma_start3A_92 : memref<2x128xi32, #tpu.memory_space<vmem>>) target_semaphore(%run_scoped3A_80 : memref<!tpu.dma_semaphore, #tpu.memory_space<semaphore_mem>>)
      %dma_wait3A_97 = arith.constant 0 : i32
      %dma_wait3A_98 = arith.constant 0 : i32
      %dma_wait3A_99 = tpu.memref_slice %arg6[%run_scoped3A_23, %dma_wait3A_97, %dma_wait3A_98] : memref<2x2x128xi32, #tpu.memory_space<vmem>> -> memref<1x2x128xi32, #tpu.memory_space<vmem>>
      %dma_wait3A_100 = tpu.memref_squeeze %dma_wait3A_99 : memref<1x2x128xi32, #tpu.memory_space<vmem>> -> memref<2x128xi32, #tpu.memory_space<vmem>>
      %dma_wait3A_101 = arith.constant 0 : i32
      %dma_wait3A_102 = arith.constant 0 : i32
      %dma_wait3A_103 = tpu.memref_slice %arg3[%add3A, %run_scoped3A, %dma_wait3A_101, %dma_wait3A_102] : memref<32x80x2x128xi32, #tpu.memory_space<hbm>> -> memref<1x1x2x128xi32, #tpu.memory_space<hbm>>
      %dma_wait3A_104 = tpu.memref_squeeze %dma_wait3A_103 : memref<1x1x2x128xi32, #tpu.memory_space<hbm>> -> memref<2x128xi32, #tpu.memory_space<hbm>>
      %dma_wait3A_105 = arith.constant 0 : i32
      %dma_wait3A_106 = arith.constant 0 : i32
      %dma_wait3A_107 = tpu.memref_slice %arg6[%run_scoped3A_23, %dma_wait3A_105, %dma_wait3A_106] : memref<2x2x128xi32, #tpu.memory_space<vmem>> -> memref<1x2x128xi32, #tpu.memory_space<vmem>>
      %dma_wait3A_108 = tpu.memref_squeeze %dma_wait3A_107 : memref<1x2x128xi32, #tpu.memory_space<vmem>> -> memref<2x128xi32, #tpu.memory_space<vmem>>
      %dma_wait3A_109 = arith.constant 0 : i32
      %dma_wait3A_110 = arith.constant 0 : i32
      %dma_wait3A_111 = tpu.memref_slice %arg3[%add3A, %run_scoped3A, %dma_wait3A_109, %dma_wait3A_110] : memref<32x80x2x128xi32, #tpu.memory_space<hbm>> -> memref<1x1x2x128xi32, #tpu.memory_space<hbm>>
      %dma_wait3A_112 = tpu.memref_squeeze %dma_wait3A_111 : memref<1x1x2x128xi32, #tpu.memory_space<hbm>> -> memref<2x128xi32, #tpu.memory_space<hbm>>
      tpu.wait_dma2 semaphore(%run_scoped3A_80 : memref<!tpu.dma_semaphore, #tpu.memory_space<semaphore_mem>>) src(%dma_wait3A_112 : memref<2x128xi32, #tpu.memory_space<hbm>>) dst(%dma_wait3A_108 : memref<2x128xi32, #tpu.memory_space<vmem>>)
      tpu.yield
    }) : () -> ()
    %dma_start3A = arith.constant 1 : i32
    %dma_start3A_24 = arith.constant 1 : i32
    %dma_start3A_25 = arith.constant 0 : i32
    %dma_start3A_26 = arith.constant 0 : i32
    %dma_start3A_27 = tpu.memref_slice %arg6[%dma_start3A_24, %dma_start3A_25, %dma_start3A_26] : memref<2x2x128xi32, #tpu.memory_space<vmem>> -> memref<1x2x128xi32, #tpu.memory_space<vmem>>
    %dma_start3A_28 = tpu.memref_squeeze %dma_start3A_27 : memref<1x2x128xi32, #tpu.memory_space<vmem>> -> memref<2x128xi32, #tpu.memory_space<vmem>>
    %dma_start3A_29 = arith.constant 0 : i32
    %dma_start3A_30 = arith.constant 0 : i32
    %dma_start3A_31 = tpu.memref_slice %arg3[%add3A, %dma_start3A, %dma_start3A_29, %dma_start3A_30] : memref<32x80x2x128xi32, #tpu.memory_space<hbm>> -> memref<1x1x2x128xi32, #tpu.memory_space<hbm>>
    %dma_start3A_32 = tpu.memref_squeeze %dma_start3A_31 : memref<1x1x2x128xi32, #tpu.memory_space<hbm>> -> memref<2x128xi32, #tpu.memory_space<hbm>>
    %dma_start3A_33 = arith.constant 0 : i32
    %dma_start3A_34 = arith.constant 0 : i32
    %dma_start3A_35 = tpu.memref_slice %arg6[%dma_start3A_24, %dma_start3A_33, %dma_start3A_34] : memref<2x2x128xi32, #tpu.memory_space<vmem>> -> memref<1x2x128xi32, #tpu.memory_space<vmem>>
    %dma_start3A_36 = tpu.memref_squeeze %dma_start3A_35 : memref<1x2x128xi32, #tpu.memory_space<vmem>> -> memref<2x128xi32, #tpu.memory_space<vmem>>
    %dma_start3A_37 = arith.constant 0 : i32
    %dma_start3A_38 = arith.constant 0 : i32
    %dma_start3A_39 = tpu.memref_slice %arg3[%add3A, %dma_start3A, %dma_start3A_37, %dma_start3A_38] : memref<32x80x2x128xi32, #tpu.memory_space<hbm>> -> memref<1x1x2x128xi32, #tpu.memory_space<hbm>>
    %dma_start3A_40 = tpu.memref_squeeze %dma_start3A_39 : memref<1x1x2x128xi32, #tpu.memory_space<hbm>> -> memref<2x128xi32, #tpu.memory_space<hbm>>
    tpu.enqueue_dma source(%dma_start3A_40 : memref<2x128xi32, #tpu.memory_space<hbm>>) target(%dma_start3A_36 : memref<2x128xi32, #tpu.memory_space<vmem>>) target_semaphore(%arg12 : memref<!tpu.dma_semaphore, #tpu.memory_space<semaphore_mem>>)
    %barrier3A = arith.constant 0 : index
    tpu.barrier barrier_id(%barrier3A)
    %dma_start3A_41 = arith.constant 0 : i32
    %dma_start3A_42 = arith.constant 0 : i32
    %dma_start3A_43 = arith.constant 0 : i32
    %dma_start3A_44 = tpu.memref_slice %arg6[%dma_start3A_41, %dma_start3A_42, %dma_start3A_43] : memref<2x2x128xi32, #tpu.memory_space<vmem>> -> memref<1x1x128xi32, #tpu.memory_space<vmem>>
    %dma_start3A_45 = tpu.memref_squeeze %dma_start3A_44 : memref<1x1x128xi32, #tpu.memory_space<vmem>> -> memref<128xi32, #tpu.memory_space<vmem>>
    %dma_start3A_46 = arith.constant 0 : i32
    %dma_start3A_47 = arith.constant 0 : i32
    %dma_start3A_48 = tpu.memref_slice %arg2[%dma_start3A_46, %dma_start3A_47] : memref<10240x128xf32, #tpu.memory_space<hbm>> -> memref<10240x128xf32, #tpu.memory_space<hbm>>
    tpu.enqueue_indirect_dma source(%dma_start3A_48 : memref<10240x128xf32, #tpu.memory_space<hbm>>) target(%arg7 : memref<128x128xf32, #tpu.memory_space<vmem>>) offsets(%dma_start3A_45 : memref<128xi32, #tpu.memory_space<vmem>>) semaphore(%arg11 : memref<!tpu.dma_semaphore, #tpu.memory_space<semaphore_mem>>)
    %scan3A = arith.constant 0 : i32
    %scan3A_49 = arith.constant 0 : i32
    %scan3A_50 = arith.constant 40 : i32
    %scan3A_51 = arith.addi %scan3A_49, %scan3A_50 : i32
    %scan3A_52 = arith.constant 1 : i32
    scf.for %scan3A_80 = %scan3A_49 to %scan3A_51 step %scan3A_52  : i32 {
      %mul3A_81 = arith.constant 2 : i32
      %mul3A_82 = arith.muli %mul3A_81, %scan3A_80 : i32
      %add3A_83 = arith.constant 0 : i32
      %add3A_84 = arith.addi %mul3A_82, %add3A_83 : i32
      %add3A_85 = arith.constant 1 : i32
      %add3A_86 = arith.addi %add3A_84, %add3A_85 : i32
      %min3A = arith.constant 79 : i32
      %min3A_87 = arith.minsi %add3A_86, %min3A : i32
      %add3A_88 = arith.constant 2 : i32
      %add3A_89 = arith.addi %add3A_84, %add3A_88 : i32
      %min3A_90 = arith.constant 79 : i32
      %min3A_91 = arith.minsi %add3A_89, %min3A_90 : i32
      %dma_wait3A_92 = arith.constant 0 : i32
      %dma_wait3A_93 = arith.constant 0 : i32
      %dma_wait3A_94 = arith.constant 0 : i32
      %dma_wait3A_95 = tpu.memref_slice %arg6[%dma_wait3A_92, %dma_wait3A_93, %dma_wait3A_94] : memref<2x2x128xi32, #tpu.memory_space<vmem>> -> memref<1x1x128xi32, #tpu.memory_space<vmem>>
      %dma_wait3A_96 = tpu.memref_squeeze %dma_wait3A_95 : memref<1x1x128xi32, #tpu.memory_space<vmem>> -> memref<128xi32, #tpu.memory_space<vmem>>
      %dma_wait3A_97 = arith.constant 0 : i32
      %dma_wait3A_98 = arith.constant 0 : i32
      %dma_wait3A_99 = tpu.memref_slice %arg2[%dma_wait3A_97, %dma_wait3A_98] : memref<10240x128xf32, #tpu.memory_space<hbm>> -> memref<10240x128xf32, #tpu.memory_space<hbm>>
      tpu.wait_indirect_dma semaphore(%arg11 : memref<!tpu.dma_semaphore, #tpu.memory_space<semaphore_mem>>) src(%dma_wait3A_99 : memref<10240x128xf32, #tpu.memory_space<hbm>>) dst(%arg7 : memref<128x128xf32, #tpu.memory_space<vmem>>)
      %dma_wait3A_100 = arith.constant 0 : i32
      %dma_wait3A_101 = arith.constant 0 : i32
      %dma_wait3A_102 = arith.constant 0 : i32
      %dma_wait3A_103 = arith.constant 0 : i32
      %dma_wait3A_104 = tpu.memref_slice %arg6[%dma_wait3A_101, %dma_wait3A_102, %dma_wait3A_103] : memref<2x2x128xi32, #tpu.memory_space<vmem>> -> memref<1x2x128xi32, #tpu.memory_space<vmem>>
      %dma_wait3A_105 = tpu.memref_squeeze %dma_wait3A_104 : memref<1x2x128xi32, #tpu.memory_space<vmem>> -> memref<2x128xi32, #tpu.memory_space<vmem>>
      %dma_wait3A_106 = arith.constant 0 : i32
      %dma_wait3A_107 = arith.constant 0 : i32
      %dma_wait3A_108 = tpu.memref_slice %arg3[%add3A, %dma_wait3A_100, %dma_wait3A_106, %dma_wait3A_107] : memref<32x80x2x128xi32, #tpu.memory_space<hbm>> -> memref<1x1x2x128xi32, #tpu.memory_space<hbm>>
      %dma_wait3A_109 = tpu.memref_squeeze %dma_wait3A_108 : memref<1x1x2x128xi32, #tpu.memory_space<hbm>> -> memref<2x128xi32, #tpu.memory_space<hbm>>
      %dma_wait3A_110 = arith.constant 0 : i32
      %dma_wait3A_111 = arith.constant 0 : i32
      %dma_wait3A_112 = tpu.memref_slice %arg6[%dma_wait3A_101, %dma_wait3A_110, %dma_wait3A_111] : memref<2x2x128xi32, #tpu.memory_space<vmem>> -> memref<1x2x128xi32, #tpu.memory_space<vmem>>
      %dma_wait3A_113 = tpu.memref_squeeze %dma_wait3A_112 : memref<1x2x128xi32, #tpu.memory_space<vmem>> -> memref<2x128xi32, #tpu.memory_space<vmem>>
      %dma_wait3A_114 = arith.constant 0 : i32
      %dma_wait3A_115 = arith.constant 0 : i32
      %dma_wait3A_116 = tpu.memref_slice %arg3[%add3A, %dma_wait3A_100, %dma_wait3A_114, %dma_wait3A_115] : memref<32x80x2x128xi32, #tpu.memory_space<hbm>> -> memref<1x1x2x128xi32, #tpu.memory_space<hbm>>
      %dma_wait3A_117 = tpu.memref_squeeze %dma_wait3A_116 : memref<1x1x2x128xi32, #tpu.memory_space<hbm>> -> memref<2x128xi32, #tpu.memory_space<hbm>>
      tpu.wait_dma2 semaphore(%arg12 : memref<!tpu.dma_semaphore, #tpu.memory_space<semaphore_mem>>) src(%dma_wait3A_117 : memref<2x128xi32, #tpu.memory_space<hbm>>) dst(%dma_wait3A_113 : memref<2x128xi32, #tpu.memory_space<vmem>>)
      %dma_start3A_118 = arith.constant 1 : i32
      %dma_start3A_119 = arith.constant 0 : i32
      %dma_start3A_120 = arith.constant 0 : i32
      %dma_start3A_121 = tpu.memref_slice %arg6[%dma_start3A_118, %dma_start3A_119, %dma_start3A_120] : memref<2x2x128xi32, #tpu.memory_space<vmem>> -> memref<1x1x128xi32, #tpu.memory_space<vmem>>
      %dma_start3A_122 = tpu.memref_squeeze %dma_start3A_121 : memref<1x1x128xi32, #tpu.memory_space<vmem>> -> memref<128xi32, #tpu.memory_space<vmem>>
      %dma_start3A_123 = arith.constant 0 : i32
      %dma_start3A_124 = arith.constant 0 : i32
      %dma_start3A_125 = tpu.memref_slice %arg2[%dma_start3A_123, %dma_start3A_124] : memref<10240x128xf32, #tpu.memory_space<hbm>> -> memref<10240x128xf32, #tpu.memory_space<hbm>>
      tpu.enqueue_indirect_dma source(%dma_start3A_125 : memref<10240x128xf32, #tpu.memory_space<hbm>>) target(%arg8 : memref<128x128xf32, #tpu.memory_space<vmem>>) offsets(%dma_start3A_122 : memref<128xi32, #tpu.memory_space<vmem>>) semaphore(%arg11 : memref<!tpu.dma_semaphore, #tpu.memory_space<semaphore_mem>>)
      %run_scoped3A_126 = arith.constant 0 : i32
      %run_scoped3A_127 = arith.constant 1 : i32
      "tpu.region"() ({
        %run_scoped3A_210 = tpu.sem_alloc : memref<!tpu.dma_semaphore, #tpu.memory_space<semaphore_mem>>
        %dma_start3A_211 = arith.constant 0 : i32
        %dma_start3A_212 = tpu.memref_slice %arg6[%run_scoped3A_126, %run_scoped3A_127, %dma_start3A_211] : memref<2x2x128xi32, #tpu.memory_space<vmem>> -> memref<1x1x128xi32, #tpu.memory_space<vmem>>
        %dma_start3A_213 = tpu.memref_squeeze %dma_start3A_212 : memref<1x1x128xi32, #tpu.memory_space<vmem>> -> memref<128xi32, #tpu.memory_space<vmem>>
        %dma_start3A_214 = arith.constant 0 : i32
        %dma_start3A_215 = arith.constant 0 : i32
        %dma_start3A_216 = tpu.memref_slice %arg10[%dma_start3A_214, %dma_start3A_215] : memref<10240x128xf32, #tpu.memory_space<vmem_shared>> -> memref<10240x128xf32, #tpu.memory_space<vmem_shared>>
        tpu.enqueue_indirect_dma source(%arg7 : memref<128x128xf32, #tpu.memory_space<vmem>>) target(%dma_start3A_216 : memref<10240x128xf32, #tpu.memory_space<vmem_shared>>) offsets(%dma_start3A_213 : memref<128xi32, #tpu.memory_space<vmem>>) semaphore(%run_scoped3A_210 : memref<!tpu.dma_semaphore, #tpu.memory_space<semaphore_mem>>) {add = true}
        %dma_wait3A_217 = arith.constant 0 : i32
        %dma_wait3A_218 = tpu.memref_slice %arg6[%run_scoped3A_126, %run_scoped3A_127, %dma_wait3A_217] : memref<2x2x128xi32, #tpu.memory_space<vmem>> -> memref<1x1x128xi32, #tpu.memory_space<vmem>>
        %dma_wait3A_219 = tpu.memref_squeeze %dma_wait3A_218 : memref<1x1x128xi32, #tpu.memory_space<vmem>> -> memref<128xi32, #tpu.memory_space<vmem>>
        %dma_wait3A_220 = arith.constant 0 : i32
        %dma_wait3A_221 = arith.constant 0 : i32
        %dma_wait3A_222 = tpu.memref_slice %arg10[%dma_wait3A_220, %dma_wait3A_221] : memref<10240x128xf32, #tpu.memory_space<vmem_shared>> -> memref<10240x128xf32, #tpu.memory_space<vmem_shared>>
        tpu.wait_indirect_dma semaphore(%run_scoped3A_210 : memref<!tpu.dma_semaphore, #tpu.memory_space<semaphore_mem>>) src(%arg7 : memref<128x128xf32, #tpu.memory_space<vmem>>) dst(%dma_wait3A_222 : memref<10240x128xf32, #tpu.memory_space<vmem_shared>>)
        tpu.yield
      }) : () -> ()
      %dma_start3A_128 = arith.constant 0 : i32
      %dma_start3A_129 = arith.constant 0 : i32
      %dma_start3A_130 = arith.constant 0 : i32
      %dma_start3A_131 = tpu.memref_slice %arg6[%dma_start3A_128, %dma_start3A_129, %dma_start3A_130] : memref<2x2x128xi32, #tpu.memory_space<vmem>> -> memref<1x2x128xi32, #tpu.memory_space<vmem>>
      %dma_start3A_132 = tpu.memref_squeeze %dma_start3A_131 : memref<1x2x128xi32, #tpu.memory_space<vmem>> -> memref<2x128xi32, #tpu.memory_space<vmem>>
      %dma_start3A_133 = arith.constant 0 : i32
      %dma_start3A_134 = arith.constant 0 : i32
      %dma_start3A_135 = tpu.memref_slice %arg3[%add3A, %min3A_91, %dma_start3A_133, %dma_start3A_134] : memref<32x80x2x128xi32, #tpu.memory_space<hbm>> -> memref<1x1x2x128xi32, #tpu.memory_space<hbm>>
      %dma_start3A_136 = tpu.memref_squeeze %dma_start3A_135 : memref<1x1x2x128xi32, #tpu.memory_space<hbm>> -> memref<2x128xi32, #tpu.memory_space<hbm>>
      %dma_start3A_137 = arith.constant 0 : i32
      %dma_start3A_138 = arith.constant 0 : i32
      %dma_start3A_139 = tpu.memref_slice %arg6[%dma_start3A_128, %dma_start3A_137, %dma_start3A_138] : memref<2x2x128xi32, #tpu.memory_space<vmem>> -> memref<1x2x128xi32, #tpu.memory_space<vmem>>
      %dma_start3A_140 = tpu.memref_squeeze %dma_start3A_139 : memref<1x2x128xi32, #tpu.memory_space<vmem>> -> memref<2x128xi32, #tpu.memory_space<vmem>>
      %dma_start3A_141 = arith.constant 0 : i32
      %dma_start3A_142 = arith.constant 0 : i32
      %dma_start3A_143 = tpu.memref_slice %arg3[%add3A, %min3A_91, %dma_start3A_141, %dma_start3A_142] : memref<32x80x2x128xi32, #tpu.memory_space<hbm>> -> memref<1x1x2x128xi32, #tpu.memory_space<hbm>>
      %dma_start3A_144 = tpu.memref_squeeze %dma_start3A_143 : memref<1x1x2x128xi32, #tpu.memory_space<hbm>> -> memref<2x128xi32, #tpu.memory_space<hbm>>
      tpu.enqueue_dma source(%dma_start3A_144 : memref<2x128xi32, #tpu.memory_space<hbm>>) target(%dma_start3A_140 : memref<2x128xi32, #tpu.memory_space<vmem>>) target_semaphore(%arg12 : memref<!tpu.dma_semaphore, #tpu.memory_space<semaphore_mem>>)
      %mul3A_145 = arith.constant 2 : i32
      %mul3A_146 = arith.muli %mul3A_145, %scan3A_80 : i32
      %add3A_147 = arith.constant 1 : i32
      %add3A_148 = arith.addi %mul3A_146, %add3A_147 : i32
      %add3A_149 = arith.constant 1 : i32
      %add3A_150 = arith.addi %add3A_148, %add3A_149 : i32
      %min3A_151 = arith.constant 79 : i32
      %min3A_152 = arith.minsi %add3A_150, %min3A_151 : i32
      %add3A_153 = arith.constant 2 : i32
      %add3A_154 = arith.addi %add3A_148, %add3A_153 : i32
      %min3A_155 = arith.constant 79 : i32
      %min3A_156 = arith.minsi %add3A_154, %min3A_155 : i32
      %dma_wait3A_157 = arith.constant 0 : i32
      %dma_wait3A_158 = arith.constant 0 : i32
      %dma_wait3A_159 = arith.constant 0 : i32
      %dma_wait3A_160 = tpu.memref_slice %arg6[%dma_wait3A_157, %dma_wait3A_158, %dma_wait3A_159] : memref<2x2x128xi32, #tpu.memory_space<vmem>> -> memref<1x1x128xi32, #tpu.memory_space<vmem>>
      %dma_wait3A_161 = tpu.memref_squeeze %dma_wait3A_160 : memref<1x1x128xi32, #tpu.memory_space<vmem>> -> memref<128xi32, #tpu.memory_space<vmem>>
      %dma_wait3A_162 = arith.constant 0 : i32
      %dma_wait3A_163 = arith.constant 0 : i32
      %dma_wait3A_164 = tpu.memref_slice %arg2[%dma_wait3A_162, %dma_wait3A_163] : memref<10240x128xf32, #tpu.memory_space<hbm>> -> memref<10240x128xf32, #tpu.memory_space<hbm>>
      tpu.wait_indirect_dma semaphore(%arg11 : memref<!tpu.dma_semaphore, #tpu.memory_space<semaphore_mem>>) src(%dma_wait3A_164 : memref<10240x128xf32, #tpu.memory_space<hbm>>) dst(%arg8 : memref<128x128xf32, #tpu.memory_space<vmem>>)
      %dma_wait3A_165 = arith.constant 0 : i32
      %dma_wait3A_166 = arith.constant 0 : i32
      %dma_wait3A_167 = arith.constant 0 : i32
      %dma_wait3A_168 = arith.constant 0 : i32
      %dma_wait3A_169 = tpu.memref_slice %arg6[%dma_wait3A_166, %dma_wait3A_167, %dma_wait3A_168] : memref<2x2x128xi32, #tpu.memory_space<vmem>> -> memref<1x2x128xi32, #tpu.memory_space<vmem>>
      %dma_wait3A_170 = tpu.memref_squeeze %dma_wait3A_169 : memref<1x2x128xi32, #tpu.memory_space<vmem>> -> memref<2x128xi32, #tpu.memory_space<vmem>>
      %dma_wait3A_171 = arith.constant 0 : i32
      %dma_wait3A_172 = arith.constant 0 : i32
      %dma_wait3A_173 = tpu.memref_slice %arg3[%add3A, %dma_wait3A_165, %dma_wait3A_171, %dma_wait3A_172] : memref<32x80x2x128xi32, #tpu.memory_space<hbm>> -> memref<1x1x2x128xi32, #tpu.memory_space<hbm>>
      %dma_wait3A_174 = tpu.memref_squeeze %dma_wait3A_173 : memref<1x1x2x128xi32, #tpu.memory_space<hbm>> -> memref<2x128xi32, #tpu.memory_space<hbm>>
      %dma_wait3A_175 = arith.constant 0 : i32
      %dma_wait3A_176 = arith.constant 0 : i32
      %dma_wait3A_177 = tpu.memref_slice %arg6[%dma_wait3A_166, %dma_wait3A_175, %dma_wait3A_176] : memref<2x2x128xi32, #tpu.memory_space<vmem>> -> memref<1x2x128xi32, #tpu.memory_space<vmem>>
      %dma_wait3A_178 = tpu.memref_squeeze %dma_wait3A_177 : memref<1x2x128xi32, #tpu.memory_space<vmem>> -> memref<2x128xi32, #tpu.memory_space<vmem>>
      %dma_wait3A_179 = arith.constant 0 : i32
      %dma_wait3A_180 = arith.constant 0 : i32
      %dma_wait3A_181 = tpu.memref_slice %arg3[%add3A, %dma_wait3A_165, %dma_wait3A_179, %dma_wait3A_180] : memref<32x80x2x128xi32, #tpu.memory_space<hbm>> -> memref<1x1x2x128xi32, #tpu.memory_space<hbm>>
      %dma_wait3A_182 = tpu.memref_squeeze %dma_wait3A_181 : memref<1x1x2x128xi32, #tpu.memory_space<hbm>> -> memref<2x128xi32, #tpu.memory_space<hbm>>
      tpu.wait_dma2 semaphore(%arg12 : memref<!tpu.dma_semaphore, #tpu.memory_space<semaphore_mem>>) src(%dma_wait3A_182 : memref<2x128xi32, #tpu.memory_space<hbm>>) dst(%dma_wait3A_178 : memref<2x128xi32, #tpu.memory_space<vmem>>)
      %dma_start3A_183 = arith.constant 0 : i32
      %dma_start3A_184 = arith.constant 0 : i32
      %dma_start3A_185 = arith.constant 0 : i32
      %dma_start3A_186 = tpu.memref_slice %arg6[%dma_start3A_183, %dma_start3A_184, %dma_start3A_185] : memref<2x2x128xi32, #tpu.memory_space<vmem>> -> memref<1x1x128xi32, #tpu.memory_space<vmem>>
      %dma_start3A_187 = tpu.memref_squeeze %dma_start3A_186 : memref<1x1x128xi32, #tpu.memory_space<vmem>> -> memref<128xi32, #tpu.memory_space<vmem>>
      %dma_start3A_188 = arith.constant 0 : i32
      %dma_start3A_189 = arith.constant 0 : i32
      %dma_start3A_190 = tpu.memref_slice %arg2[%dma_start3A_188, %dma_start3A_189] : memref<10240x128xf32, #tpu.memory_space<hbm>> -> memref<10240x128xf32, #tpu.memory_space<hbm>>
      tpu.enqueue_indirect_dma source(%dma_start3A_190 : memref<10240x128xf32, #tpu.memory_space<hbm>>) target(%arg7 : memref<128x128xf32, #tpu.memory_space<vmem>>) offsets(%dma_start3A_187 : memref<128xi32, #tpu.memory_space<vmem>>) semaphore(%arg11 : memref<!tpu.dma_semaphore, #tpu.memory_space<semaphore_mem>>)
      %run_scoped3A_191 = arith.constant 1 : i32
      %run_scoped3A_192 = arith.constant 1 : i32
      "tpu.region"() ({
        %run_scoped3A_210 = tpu.sem_alloc : memref<!tpu.dma_semaphore, #tpu.memory_space<semaphore_mem>>
        %dma_start3A_211 = arith.constant 0 : i32
        %dma_start3A_212 = tpu.memref_slice %arg6[%run_scoped3A_191, %run_scoped3A_192, %dma_start3A_211] : memref<2x2x128xi32, #tpu.memory_space<vmem>> -> memref<1x1x128xi32, #tpu.memory_space<vmem>>
        %dma_start3A_213 = tpu.memref_squeeze %dma_start3A_212 : memref<1x1x128xi32, #tpu.memory_space<vmem>> -> memref<128xi32, #tpu.memory_space<vmem>>
        %dma_start3A_214 = arith.constant 0 : i32
        %dma_start3A_215 = arith.constant 0 : i32
        %dma_start3A_216 = tpu.memref_slice %arg10[%dma_start3A_214, %dma_start3A_215] : memref<10240x128xf32, #tpu.memory_space<vmem_shared>> -> memref<10240x128xf32, #tpu.memory_space<vmem_shared>>
        tpu.enqueue_indirect_dma source(%arg8 : memref<128x128xf32, #tpu.memory_space<vmem>>) target(%dma_start3A_216 : memref<10240x128xf32, #tpu.memory_space<vmem_shared>>) offsets(%dma_start3A_213 : memref<128xi32, #tpu.memory_space<vmem>>) semaphore(%run_scoped3A_210 : memref<!tpu.dma_semaphore, #tpu.memory_space<semaphore_mem>>) {add = true}
        %dma_wait3A_217 = arith.constant 0 : i32
        %dma_wait3A_218 = tpu.memref_slice %arg6[%run_scoped3A_191, %run_scoped3A_192, %dma_wait3A_217] : memref<2x2x128xi32, #tpu.memory_space<vmem>> -> memref<1x1x128xi32, #tpu.memory_space<vmem>>
        %dma_wait3A_219 = tpu.memref_squeeze %dma_wait3A_218 : memref<1x1x128xi32, #tpu.memory_space<vmem>> -> memref<128xi32, #tpu.memory_space<vmem>>
        %dma_wait3A_220 = arith.constant 0 : i32
        %dma_wait3A_221 = arith.constant 0 : i32
        %dma_wait3A_222 = tpu.memref_slice %arg10[%dma_wait3A_220, %dma_wait3A_221] : memref<10240x128xf32, #tpu.memory_space<vmem_shared>> -> memref<10240x128xf32, #tpu.memory_space<vmem_shared>>
        tpu.wait_indirect_dma semaphore(%run_scoped3A_210 : memref<!tpu.dma_semaphore, #tpu.memory_space<semaphore_mem>>) src(%arg8 : memref<128x128xf32, #tpu.memory_space<vmem>>) dst(%dma_wait3A_222 : memref<10240x128xf32, #tpu.memory_space<vmem_shared>>)
        tpu.yield
      }) : () -> ()
      %dma_start3A_193 = arith.constant 1 : i32
      %dma_start3A_194 = arith.constant 0 : i32
      %dma_start3A_195 = arith.constant 0 : i32
      %dma_start3A_196 = tpu.memref_slice %arg6[%dma_start3A_193, %dma_start3A_194, %dma_start3A_195] : memref<2x2x128xi32, #tpu.memory_space<vmem>> -> memref<1x2x128xi32, #tpu.memory_space<vmem>>
      %dma_start3A_197 = tpu.memref_squeeze %dma_start3A_196 : memref<1x2x128xi32, #tpu.memory_space<vmem>> -> memref<2x128xi32, #tpu.memory_space<vmem>>
      %dma_start3A_198 = arith.constant 0 : i32
      %dma_start3A_199 = arith.constant 0 : i32
      %dma_start3A_200 = tpu.memref_slice %arg3[%add3A, %min3A_156, %dma_start3A_198, %dma_start3A_199] : memref<32x80x2x128xi32, #tpu.memory_space<hbm>> -> memref<1x1x2x128xi32, #tpu.memory_space<hbm>>
      %dma_start3A_201 = tpu.memref_squeeze %dma_start3A_200 : memref<1x1x2x128xi32, #tpu.memory_space<hbm>> -> memref<2x128xi32, #tpu.memory_space<hbm>>
      %dma_start3A_202 = arith.constant 0 : i32
      %dma_start3A_203 = arith.constant 0 : i32
      %dma_start3A_204 = tpu.memref_slice %arg6[%dma_start3A_193, %dma_start3A_202, %dma_start3A_203] : memref<2x2x128xi32, #tpu.memory_space<vmem>> -> memref<1x2x128xi32, #tpu.memory_space<vmem>>
      %dma_start3A_205 = tpu.memref_squeeze %dma_start3A_204 : memref<1x2x128xi32, #tpu.memory_space<vmem>> -> memref<2x128xi32, #tpu.memory_space<vmem>>
      %dma_start3A_206 = arith.constant 0 : i32
      %dma_start3A_207 = arith.constant 0 : i32
      %dma_start3A_208 = tpu.memref_slice %arg3[%add3A, %min3A_156, %dma_start3A_206, %dma_start3A_207] : memref<32x80x2x128xi32, #tpu.memory_space<hbm>> -> memref<1x1x2x128xi32, #tpu.memory_space<hbm>>
      %dma_start3A_209 = tpu.memref_squeeze %dma_start3A_208 : memref<1x1x2x128xi32, #tpu.memory_space<hbm>> -> memref<2x128xi32, #tpu.memory_space<hbm>>
      tpu.enqueue_dma source(%dma_start3A_209 : memref<2x128xi32, #tpu.memory_space<hbm>>) target(%dma_start3A_205 : memref<2x128xi32, #tpu.memory_space<vmem>>) target_semaphore(%arg12 : memref<!tpu.dma_semaphore, #tpu.memory_space<semaphore_mem>>)
    }
    %scan3A_53 = arith.constant 40 : i32
    %dma_wait3A = arith.constant 0 : i32
    %dma_wait3A_54 = arith.constant 0 : i32
    %dma_wait3A_55 = arith.constant 0 : i32
    %dma_wait3A_56 = tpu.memref_slice %arg6[%dma_wait3A, %dma_wait3A_54, %dma_wait3A_55] : memref<2x2x128xi32, #tpu.memory_space<vmem>> -> memref<1x1x128xi32, #tpu.memory_space<vmem>>
    %dma_wait3A_57 = tpu.memref_squeeze %dma_wait3A_56 : memref<1x1x128xi32, #tpu.memory_space<vmem>> -> memref<128xi32, #tpu.memory_space<vmem>>
    %dma_wait3A_58 = arith.constant 0 : i32
    %dma_wait3A_59 = arith.constant 0 : i32
    %dma_wait3A_60 = tpu.memref_slice %arg2[%dma_wait3A_58, %dma_wait3A_59] : memref<10240x128xf32, #tpu.memory_space<hbm>> -> memref<10240x128xf32, #tpu.memory_space<hbm>>
    tpu.wait_indirect_dma semaphore(%arg11 : memref<!tpu.dma_semaphore, #tpu.memory_space<semaphore_mem>>) src(%dma_wait3A_60 : memref<10240x128xf32, #tpu.memory_space<hbm>>) dst(%arg7 : memref<128x128xf32, #tpu.memory_space<vmem>>)
    %dma_wait3A_61 = arith.constant 0 : i32
    %dma_wait3A_62 = arith.constant 0 : i32
    %dma_wait3A_63 = arith.constant 0 : i32
    %dma_wait3A_64 = arith.constant 0 : i32
    %dma_wait3A_65 = tpu.memref_slice %arg6[%dma_wait3A_62, %dma_wait3A_63, %dma_wait3A_64] : memref<2x2x128xi32, #tpu.memory_space<vmem>> -> memref<1x2x128xi32, #tpu.memory_space<vmem>>
    %dma_wait3A_66 = tpu.memref_squeeze %dma_wait3A_65 : memref<1x2x128xi32, #tpu.memory_space<vmem>> -> memref<2x128xi32, #tpu.memory_space<vmem>>
    %dma_wait3A_67 = arith.constant 0 : i32
    %dma_wait3A_68 = arith.constant 0 : i32
    %dma_wait3A_69 = tpu.memref_slice %arg3[%add3A, %dma_wait3A_61, %dma_wait3A_67, %dma_wait3A_68] : memref<32x80x2x128xi32, #tpu.memory_space<hbm>> -> memref<1x1x2x128xi32, #tpu.memory_space<hbm>>
    %dma_wait3A_70 = tpu.memref_squeeze %dma_wait3A_69 : memref<1x1x2x128xi32, #tpu.memory_space<hbm>> -> memref<2x128xi32, #tpu.memory_space<hbm>>
    %dma_wait3A_71 = arith.constant 0 : i32
    %dma_wait3A_72 = arith.constant 0 : i32
    %dma_wait3A_73 = tpu.memref_slice %arg6[%dma_wait3A_62, %dma_wait3A_71, %dma_wait3A_72] : memref<2x2x128xi32, #tpu.memory_space<vmem>> -> memref<1x2x128xi32, #tpu.memory_space<vmem>>
    %dma_wait3A_74 = tpu.memref_squeeze %dma_wait3A_73 : memref<1x2x128xi32, #tpu.memory_space<vmem>> -> memref<2x128xi32, #tpu.memory_space<vmem>>
    %dma_wait3A_75 = arith.constant 0 : i32
    %dma_wait3A_76 = arith.constant 0 : i32
    %dma_wait3A_77 = tpu.memref_slice %arg3[%add3A, %dma_wait3A_61, %dma_wait3A_75, %dma_wait3A_76] : memref<32x80x2x128xi32, #tpu.memory_space<hbm>> -> memref<1x1x2x128xi32, #tpu.memory_space<hbm>>
    %dma_wait3A_78 = tpu.memref_squeeze %dma_wait3A_77 : memref<1x1x2x128xi32, #tpu.memory_space<hbm>> -> memref<2x128xi32, #tpu.memory_space<hbm>>
    tpu.wait_dma2 semaphore(%arg12 : memref<!tpu.dma_semaphore, #tpu.memory_space<semaphore_mem>>) src(%dma_wait3A_78 : memref<2x128xi32, #tpu.memory_space<hbm>>) dst(%dma_wait3A_74 : memref<2x128xi32, #tpu.memory_space<vmem>>)
    %barrier3A_79 = arith.constant 0 : index
    tpu.barrier barrier_id(%barrier3A_79)
    "tpu.region"() ({
      %run_scoped3A_80 = tpu.sem_alloc : memref<!tpu.dma_semaphore, #tpu.memory_space<semaphore_mem>>
      %dma_start3A_81 = arith.constant 0 : i32
      %dma_start3A_82 = tpu.memref_slice %arg5[%arg0, %mul3A_2, %dma_start3A_81] : memref<2x10240x128xf32, #tpu.memory_space<hbm>> -> memref<1x640x128xf32, #tpu.memory_space<hbm>>
      %dma_start3A_83 = tpu.memref_squeeze %dma_start3A_82 : memref<1x640x128xf32, #tpu.memory_space<hbm>> -> memref<640x128xf32, #tpu.memory_space<hbm>>
      %dma_start3A_84 = arith.constant 0 : i32
      %dma_start3A_85 = tpu.memref_slice %arg10[%mul3A_2, %dma_start3A_84] : memref<10240x128xf32, #tpu.memory_space<vmem_shared>> -> memref<640x128xf32, #tpu.memory_space<vmem_shared>>
      tpu.enqueue_dma source(%dma_start3A_85 : memref<640x128xf32, #tpu.memory_space<vmem_shared>>) target(%dma_start3A_83 : memref<640x128xf32, #tpu.memory_space<hbm>>) target_semaphore(%run_scoped3A_80 : memref<!tpu.dma_semaphore, #tpu.memory_space<semaphore_mem>>)
      %dma_wait3A_86 = arith.constant 0 : i32
      %dma_wait3A_87 = tpu.memref_slice %arg5[%arg0, %mul3A_2, %dma_wait3A_86] : memref<2x10240x128xf32, #tpu.memory_space<hbm>> -> memref<1x640x128xf32, #tpu.memory_space<hbm>>
      %dma_wait3A_88 = tpu.memref_squeeze %dma_wait3A_87 : memref<1x640x128xf32, #tpu.memory_space<hbm>> -> memref<640x128xf32, #tpu.memory_space<hbm>>
      %dma_wait3A_89 = arith.constant 0 : i32
      %dma_wait3A_90 = tpu.memref_slice %arg10[%mul3A_2, %dma_wait3A_89] : memref<10240x128xf32, #tpu.memory_space<vmem_shared>> -> memref<640x128xf32, #tpu.memory_space<vmem_shared>>
      tpu.wait_dma2 semaphore(%run_scoped3A_80 : memref<!tpu.dma_semaphore, #tpu.memory_space<semaphore_mem>>) src(%dma_wait3A_90 : memref<640x128xf32, #tpu.memory_space<vmem_shared>>) dst(%dma_wait3A_88 : memref<640x128xf32, #tpu.memory_space<hbm>>)
      tpu.yield
    }) : () -> ()
    return
  }
}

#map = affine_map<(d0, d1) -> (0, 0)>
#map1 = affine_map<(d0, d1) -> (0)>
module attributes {stable_mosaic.version = 14 : i64} {
  func.func @k(%arg0: i32, %arg1: i32, %arg2: memref<32x10240xi32, #tpu.memory_space<hbm>>, %arg3: memref<10240xf32, #tpu.memory_space<hbm>>, %arg4: memref<32x10240xf32, #tpu.memory_space<hbm>>, %arg5: memref<10240xi32, #tpu.memory_space<vmem>>, %arg6: memref<10240xf32, #tpu.memory_space<vmem>>) attributes {dimension_semantics = [#tpu.dimension_semantics<core_parallel>, #tpu.dimension_semantics<subcore_parallel>], iteration_bounds = array<i64: 2, 16>, scalar_prefetch = 0 : i64, scratch_operands = 2 : i64, tpu.core_type = #tpu.core_type<sc_vector_subcore>, window_params = [{transform_indices = #map}, {transform_indices = #map1}, {transform_indices = #map}]} {
    %mul3A = arith.constant 16 : i32
    %mul3A_0 = arith.muli %arg0, %mul3A : i32
    %add3A = arith.addi %mul3A_0, %arg1 : i32
    "tpu.region"() ({
      %run_scoped3A = tpu.sem_alloc : memref<!tpu.dma_semaphore, #tpu.memory_space<semaphore_mem>>
      %dma_start3A = arith.constant 0 : i32
      %dma_start3A_7 = tpu.memref_slice %arg2[%add3A, %dma_start3A] : memref<32x10240xi32, #tpu.memory_space<hbm>> -> memref<1x10240xi32, #tpu.memory_space<hbm>>
      %dma_start3A_8 = tpu.memref_squeeze %dma_start3A_7 : memref<1x10240xi32, #tpu.memory_space<hbm>> -> memref<10240xi32, #tpu.memory_space<hbm>>
      %dma_start3A_9 = arith.constant 0 : i32
      %dma_start3A_10 = tpu.memref_slice %arg2[%add3A, %dma_start3A_9] : memref<32x10240xi32, #tpu.memory_space<hbm>> -> memref<1x10240xi32, #tpu.memory_space<hbm>>
      %dma_start3A_11 = tpu.memref_squeeze %dma_start3A_10 : memref<1x10240xi32, #tpu.memory_space<hbm>> -> memref<10240xi32, #tpu.memory_space<hbm>>
      tpu.enqueue_dma source(%dma_start3A_11 : memref<10240xi32, #tpu.memory_space<hbm>>) target(%arg5 : memref<10240xi32, #tpu.memory_space<vmem>>) target_semaphore(%run_scoped3A : memref<!tpu.dma_semaphore, #tpu.memory_space<semaphore_mem>>)
      %dma_wait3A = arith.constant 0 : i32
      %dma_wait3A_12 = tpu.memref_slice %arg2[%add3A, %dma_wait3A] : memref<32x10240xi32, #tpu.memory_space<hbm>> -> memref<1x10240xi32, #tpu.memory_space<hbm>>
      %dma_wait3A_13 = tpu.memref_squeeze %dma_wait3A_12 : memref<1x10240xi32, #tpu.memory_space<hbm>> -> memref<10240xi32, #tpu.memory_space<hbm>>
      %dma_wait3A_14 = arith.constant 0 : i32
      %dma_wait3A_15 = tpu.memref_slice %arg2[%add3A, %dma_wait3A_14] : memref<32x10240xi32, #tpu.memory_space<hbm>> -> memref<1x10240xi32, #tpu.memory_space<hbm>>
      %dma_wait3A_16 = tpu.memref_squeeze %dma_wait3A_15 : memref<1x10240xi32, #tpu.memory_space<hbm>> -> memref<10240xi32, #tpu.memory_space<hbm>>
      tpu.wait_dma2 semaphore(%run_scoped3A : memref<!tpu.dma_semaphore, #tpu.memory_space<semaphore_mem>>) src(%dma_wait3A_16 : memref<10240xi32, #tpu.memory_space<hbm>>) dst(%arg5 : memref<10240xi32, #tpu.memory_space<vmem>>)
      tpu.yield
    }) : () -> ()
    "tpu.region"() ({
      %run_scoped3A = tpu.sem_alloc : memref<!tpu.dma_semaphore, #tpu.memory_space<semaphore_mem>>
      tpu.enqueue_dma source(%arg3 : memref<10240xf32, #tpu.memory_space<hbm>>) target(%arg6 : memref<10240xf32, #tpu.memory_space<vmem>>) target_semaphore(%run_scoped3A : memref<!tpu.dma_semaphore, #tpu.memory_space<semaphore_mem>>)
      tpu.wait_dma2 semaphore(%run_scoped3A : memref<!tpu.dma_semaphore, #tpu.memory_space<semaphore_mem>>) src(%arg3 : memref<10240xf32, #tpu.memory_space<hbm>>) dst(%arg6 : memref<10240xf32, #tpu.memory_space<vmem>>)
      tpu.yield
    }) : () -> ()
    %broadcast_in_dim3A = arith.constant 1.000000e+00 : f32
    %broadcast_in_dim3A_1 = vector.broadcast %broadcast_in_dim3A : f32 to vector<16xf32>
    %scan3A = arith.constant 0 : i32
    %scan3A_2 = arith.constant 0 : i32
    %scan3A_3 = arith.constant 640 : i32
    %scan3A_4 = arith.addi %scan3A_2, %scan3A_3 : i32
    %scan3A_5 = arith.constant 1 : i32
    scf.for %scan3A_7 = %scan3A_2 to %scan3A_4 step %scan3A_5  : i32 {
      %mul3A_8 = arith.constant 16 : i32
      %mul3A_9 = arith.muli %scan3A_7, %mul3A_8 : i32
      %get3A = arith.index_cast %mul3A_9 : i32 to index
      %get3A_10 = tpu.vector_load %arg5[%get3A] {strides = array<i32>} : memref<10240xi32, #tpu.memory_space<vmem>>, vector<16xi32>,
      tpu.vector_store_idx %arg6[%get3A_10], %broadcast_in_dim3A_1 {add = true} : memref<10240xf32, #tpu.memory_space<vmem>>[vector<16xi32>], vector<16xf32>,
    }
    %scan3A_6 = arith.constant 640 : i32
    "tpu.region"() ({
      %run_scoped3A = tpu.sem_alloc : memref<!tpu.dma_semaphore, #tpu.memory_space<semaphore_mem>>
      %dma_start3A = arith.constant 0 : i32
      %dma_start3A_7 = tpu.memref_slice %arg4[%add3A, %dma_start3A] : memref<32x10240xf32, #tpu.memory_space<hbm>> -> memref<1x10240xf32, #tpu.memory_space<hbm>>
      %dma_start3A_8 = tpu.memref_squeeze %dma_start3A_7 : memref<1x10240xf32, #tpu.memory_space<hbm>> -> memref<10240xf32, #tpu.memory_space<hbm>>
      %dma_start3A_9 = arith.constant 0 : i32
      %dma_start3A_10 = tpu.memref_slice %arg4[%add3A, %dma_start3A_9] : memref<32x10240xf32, #tpu.memory_space<hbm>> -> memref<1x10240xf32, #tpu.memory_space<hbm>>
      %dma_start3A_11 = tpu.memref_squeeze %dma_start3A_10 : memref<1x10240xf32, #tpu.memory_space<hbm>> -> memref<10240xf32, #tpu.memory_space<hbm>>
      tpu.enqueue_dma source(%arg6 : memref<10240xf32, #tpu.memory_space<vmem>>) target(%dma_start3A_11 : memref<10240xf32, #tpu.memory_space<hbm>>) target_semaphore(%run_scoped3A : memref<!tpu.dma_semaphore, #tpu.memory_space<semaphore_mem>>)
      %dma_wait3A = arith.constant 0 : i32
      %dma_wait3A_12 = tpu.memref_slice %arg4[%add3A, %dma_wait3A] : memref<32x10240xf32, #tpu.memory_space<hbm>> -> memref<1x10240xf32, #tpu.memory_space<hbm>>
      %dma_wait3A_13 = tpu.memref_squeeze %dma_wait3A_12 : memref<1x10240xf32, #tpu.memory_space<hbm>> -> memref<10240xf32, #tpu.memory_space<hbm>>
      %dma_wait3A_14 = arith.constant 0 : i32
      %dma_wait3A_15 = tpu.memref_slice %arg4[%add3A, %dma_wait3A_14] : memref<32x10240xf32, #tpu.memory_space<hbm>> -> memref<1x10240xf32, #tpu.memory_space<hbm>>
      %dma_wait3A_16 = tpu.memref_squeeze %dma_wait3A_15 : memref<1x10240xf32, #tpu.memory_space<hbm>> -> memref<10240xf32, #tpu.memory_space<hbm>>
      tpu.wait_dma2 semaphore(%run_scoped3A : memref<!tpu.dma_semaphore, #tpu.memory_space<semaphore_mem>>) src(%arg6 : memref<10240xf32, #tpu.memory_space<vmem>>) dst(%dma_wait3A_16 : memref<10240xf32, #tpu.memory_space<hbm>>)
      tpu.yield
    }) : () -> ()
    return
  }
}

#map = affine_map<(d0, d1) -> (0, 0)>
#map1 = affine_map<(d0, d1) -> (0, 0, 0, 0)>
#map2 = affine_map<(d0, d1) -> (0, 0, 0)>
module attributes {stable_mosaic.version = 14 : i64} {
  func.func @k(%arg0: i32, %arg1: i32, %arg2: memref<10240x128xf32, #tpu.memory_space<hbm>>, %arg3: memref<32x80x2x128xi32, #tpu.memory_space<hbm>>, %arg4: memref<64x128xf32, #tpu.memory_space<hbm>>, %arg5: memref<2x10240x128xf32, #tpu.memory_space<hbm>>, %arg6: memref<2x2x128xi32, #tpu.memory_space<vmem>>, %arg7: memref<128x128xf32, #tpu.memory_space<vmem>>, %arg8: memref<128x128xf32, #tpu.memory_space<vmem>>, %arg9: memref<64x128xf32, #tpu.memory_space<vmem>>, %arg10: memref<10240x128xf32, #tpu.memory_space<vmem_shared>>, %arg11: memref<!tpu.dma_semaphore, #tpu.memory_space<semaphore_mem>>, %arg12: memref<!tpu.dma_semaphore, #tpu.memory_space<semaphore_mem>>) attributes {dimension_semantics = [#tpu.dimension_semantics<core_parallel>, #tpu.dimension_semantics<subcore_parallel>], iteration_bounds = array<i64: 2, 16>, scalar_prefetch = 0 : i64, scratch_operands = 7 : i64, tpu.core_type = #tpu.core_type<sc_vector_subcore>, window_params = [{transform_indices = #map}, {transform_indices = #map1}, {transform_indices = #map}, {transform_indices = #map2}]} {
    %mul3A = arith.constant 16 : i32
    %mul3A_0 = arith.muli %arg0, %mul3A : i32
    %add3A = arith.addi %mul3A_0, %arg1 : i32
    %mul3A_1 = arith.constant 640 : i32
    %mul3A_2 = arith.muli %arg1, %mul3A_1 : i32
    "tpu.region"() ({
      %run_scoped3A_80 = tpu.sem_alloc : memref<!tpu.dma_semaphore, #tpu.memory_space<semaphore_mem>>
      tpu.enqueue_dma source(%arg4 : memref<64x128xf32, #tpu.memory_space<hbm>>) target(%arg9 : memref<64x128xf32, #tpu.memory_space<vmem>>) target_semaphore(%run_scoped3A_80 : memref<!tpu.dma_semaphore, #tpu.memory_space<semaphore_mem>>)
      tpu.wait_dma2 semaphore(%run_scoped3A_80 : memref<!tpu.dma_semaphore, #tpu.memory_space<semaphore_mem>>) src(%arg4 : memref<64x128xf32, #tpu.memory_space<hbm>>) dst(%arg9 : memref<64x128xf32, #tpu.memory_space<vmem>>)
      tpu.yield
    }) : () -> ()
    %add3A_3 = arith.constant 0 : i32
    %add3A_4 = arith.addi %mul3A_2, %add3A_3 : i32
    "tpu.region"() ({
      %run_scoped3A_80 = tpu.sem_alloc : memref<!tpu.dma_semaphore, #tpu.memory_space<semaphore_mem>>
      %dma_start3A_81 = arith.constant 0 : i32
      %dma_start3A_82 = tpu.memref_slice %arg10[%add3A_4, %dma_start3A_81] : memref<10240x128xf32, #tpu.memory_space<vmem_shared>> -> memref<64x128xf32, #tpu.memory_space<vmem_shared>>
      %dma_start3A_83 = arith.constant 0 : i32
      %dma_start3A_84 = tpu.memref_slice %arg10[%add3A_4, %dma_start3A_83] : memref<10240x128xf32, #tpu.memory_space<vmem_shared>> -> memref<64x128xf32, #tpu.memory_space<vmem_shared>>
      tpu.enqueue_dma source(%arg9 : memref<64x128xf32, #tpu.memory_space<vmem>>) target(%dma_start3A_84 : memref<64x128xf32, #tpu.memory_space<vmem_shared>>) target_semaphore(%run_scoped3A_80 : memref<!tpu.dma_semaphore, #tpu.memory_space<semaphore_mem>>)
      %dma_wait3A_85 = arith.constant 0 : i32
      %dma_wait3A_86 = tpu.memref_slice %arg10[%add3A_4, %dma_wait3A_85] : memref<10240x128xf32, #tpu.memory_space<vmem_shared>> -> memref<64x128xf32, #tpu.memory_space<vmem_shared>>
      %dma_wait3A_87 = arith.constant 0 : i32
      %dma_wait3A_88 = tpu.memref_slice %arg10[%add3A_4, %dma_wait3A_87] : memref<10240x128xf32, #tpu.memory_space<vmem_shared>> -> memref<64x128xf32, #tpu.memory_space<vmem_shared>>
      tpu.wait_dma2 semaphore(%run_scoped3A_80 : memref<!tpu.dma_semaphore, #tpu.memory_space<semaphore_mem>>) src(%arg9 : memref<64x128xf32, #tpu.memory_space<vmem>>) dst(%dma_wait3A_88 : memref<64x128xf32, #tpu.memory_space<vmem_shared>>)
      tpu.yield
    }) : () -> ()
    %add3A_5 = arith.constant 64 : i32
    %add3A_6 = arith.addi %mul3A_2, %add3A_5 : i32
    "tpu.region"() ({
      %run_scoped3A_80 = tpu.sem_alloc : memref<!tpu.dma_semaphore, #tpu.memory_space<semaphore_mem>>
      %dma_start3A_81 = arith.constant 0 : i32
      %dma_start3A_82 = tpu.memref_slice %arg10[%add3A_6, %dma_start3A_81] : memref<10240x128xf32, #tpu.memory_space<vmem_shared>> -> memref<64x128xf32, #tpu.memory_space<vmem_shared>>
      %dma_start3A_83 = arith.constant 0 : i32
      %dma_start3A_84 = tpu.memref_slice %arg10[%add3A_6, %dma_start3A_83] : memref<10240x128xf32, #tpu.memory_space<vmem_shared>> -> memref<64x128xf32, #tpu.memory_space<vmem_shared>>
      tpu.enqueue_dma source(%arg9 : memref<64x128xf32, #tpu.memory_space<vmem>>) target(%dma_start3A_84 : memref<64x128xf32, #tpu.memory_space<vmem_shared>>) target_semaphore(%run_scoped3A_80 : memref<!tpu.dma_semaphore, #tpu.memory_space<semaphore_mem>>)
      %dma_wait3A_85 = arith.constant 0 : i32
      %dma_wait3A_86 = tpu.memref_slice %arg10[%add3A_6, %dma_wait3A_85] : memref<10240x128xf32, #tpu.memory_space<vmem_shared>> -> memref<64x128xf32, #tpu.memory_space<vmem_shared>>
      %dma_wait3A_87 = arith.constant 0 : i32
      %dma_wait3A_88 = tpu.memref_slice %arg10[%add3A_6, %dma_wait3A_87] : memref<10240x128xf32, #tpu.memory_space<vmem_shared>> -> memref<64x128xf32, #tpu.memory_space<vmem_shared>>
      tpu.wait_dma2 semaphore(%run_scoped3A_80 : memref<!tpu.dma_semaphore, #tpu.memory_space<semaphore_mem>>) src(%arg9 : memref<64x128xf32, #tpu.memory_space<vmem>>) dst(%dma_wait3A_88 : memref<64x128xf32, #tpu.memory_space<vmem_shared>>)
      tpu.yield
    }) : () -> ()
    %add3A_7 = arith.constant 128 : i32
    %add3A_8 = arith.addi %mul3A_2, %add3A_7 : i32
    "tpu.region"() ({
      %run_scoped3A_80 = tpu.sem_alloc : memref<!tpu.dma_semaphore, #tpu.memory_space<semaphore_mem>>
      %dma_start3A_81 = arith.constant 0 : i32
      %dma_start3A_82 = tpu.memref_slice %arg10[%add3A_8, %dma_start3A_81] : memref<10240x128xf32, #tpu.memory_space<vmem_shared>> -> memref<64x128xf32, #tpu.memory_space<vmem_shared>>
      %dma_start3A_83 = arith.constant 0 : i32
      %dma_start3A_84 = tpu.memref_slice %arg10[%add3A_8, %dma_start3A_83] : memref<10240x128xf32, #tpu.memory_space<vmem_shared>> -> memref<64x128xf32, #tpu.memory_space<vmem_shared>>
      tpu.enqueue_dma source(%arg9 : memref<64x128xf32, #tpu.memory_space<vmem>>) target(%dma_start3A_84 : memref<64x128xf32, #tpu.memory_space<vmem_shared>>) target_semaphore(%run_scoped3A_80 : memref<!tpu.dma_semaphore, #tpu.memory_space<semaphore_mem>>)
      %dma_wait3A_85 = arith.constant 0 : i32
      %dma_wait3A_86 = tpu.memref_slice %arg10[%add3A_8, %dma_wait3A_85] : memref<10240x128xf32, #tpu.memory_space<vmem_shared>> -> memref<64x128xf32, #tpu.memory_space<vmem_shared>>
      %dma_wait3A_87 = arith.constant 0 : i32
      %dma_wait3A_88 = tpu.memref_slice %arg10[%add3A_8, %dma_wait3A_87] : memref<10240x128xf32, #tpu.memory_space<vmem_shared>> -> memref<64x128xf32, #tpu.memory_space<vmem_shared>>
      tpu.wait_dma2 semaphore(%run_scoped3A_80 : memref<!tpu.dma_semaphore, #tpu.memory_space<semaphore_mem>>) src(%arg9 : memref<64x128xf32, #tpu.memory_space<vmem>>) dst(%dma_wait3A_88 : memref<64x128xf32, #tpu.memory_space<vmem_shared>>)
      tpu.yield
    }) : () -> ()
    %add3A_9 = arith.constant 192 : i32
    %add3A_10 = arith.addi %mul3A_2, %add3A_9 : i32
    "tpu.region"() ({
      %run_scoped3A_80 = tpu.sem_alloc : memref<!tpu.dma_semaphore, #tpu.memory_space<semaphore_mem>>
      %dma_start3A_81 = arith.constant 0 : i32
      %dma_start3A_82 = tpu.memref_slice %arg10[%add3A_10, %dma_start3A_81] : memref<10240x128xf32, #tpu.memory_space<vmem_shared>> -> memref<64x128xf32, #tpu.memory_space<vmem_shared>>
      %dma_start3A_83 = arith.constant 0 : i32
      %dma_start3A_84 = tpu.memref_slice %arg10[%add3A_10, %dma_start3A_83] : memref<10240x128xf32, #tpu.memory_space<vmem_shared>> -> memref<64x128xf32, #tpu.memory_space<vmem_shared>>
      tpu.enqueue_dma source(%arg9 : memref<64x128xf32, #tpu.memory_space<vmem>>) target(%dma_start3A_84 : memref<64x128xf32, #tpu.memory_space<vmem_shared>>) target_semaphore(%run_scoped3A_80 : memref<!tpu.dma_semaphore, #tpu.memory_space<semaphore_mem>>)
      %dma_wait3A_85 = arith.constant 0 : i32
      %dma_wait3A_86 = tpu.memref_slice %arg10[%add3A_10, %dma_wait3A_85] : memref<10240x128xf32, #tpu.memory_space<vmem_shared>> -> memref<64x128xf32, #tpu.memory_space<vmem_shared>>
      %dma_wait3A_87 = arith.constant 0 : i32
      %dma_wait3A_88 = tpu.memref_slice %arg10[%add3A_10, %dma_wait3A_87] : memref<10240x128xf32, #tpu.memory_space<vmem_shared>> -> memref<64x128xf32, #tpu.memory_space<vmem_shared>>
      tpu.wait_dma2 semaphore(%run_scoped3A_80 : memref<!tpu.dma_semaphore, #tpu.memory_space<semaphore_mem>>) src(%arg9 : memref<64x128xf32, #tpu.memory_space<vmem>>) dst(%dma_wait3A_88 : memref<64x128xf32, #tpu.memory_space<vmem_shared>>)
      tpu.yield
    }) : () -> ()
    %add3A_11 = arith.constant 256 : i32
    %add3A_12 = arith.addi %mul3A_2, %add3A_11 : i32
    "tpu.region"() ({
      %run_scoped3A_80 = tpu.sem_alloc : memref<!tpu.dma_semaphore, #tpu.memory_space<semaphore_mem>>
      %dma_start3A_81 = arith.constant 0 : i32
      %dma_start3A_82 = tpu.memref_slice %arg10[%add3A_12, %dma_start3A_81] : memref<10240x128xf32, #tpu.memory_space<vmem_shared>> -> memref<64x128xf32, #tpu.memory_space<vmem_shared>>
      %dma_start3A_83 = arith.constant 0 : i32
      %dma_start3A_84 = tpu.memref_slice %arg10[%add3A_12, %dma_start3A_83] : memref<10240x128xf32, #tpu.memory_space<vmem_shared>> -> memref<64x128xf32, #tpu.memory_space<vmem_shared>>
      tpu.enqueue_dma source(%arg9 : memref<64x128xf32, #tpu.memory_space<vmem>>) target(%dma_start3A_84 : memref<64x128xf32, #tpu.memory_space<vmem_shared>>) target_semaphore(%run_scoped3A_80 : memref<!tpu.dma_semaphore, #tpu.memory_space<semaphore_mem>>)
      %dma_wait3A_85 = arith.constant 0 : i32
      %dma_wait3A_86 = tpu.memref_slice %arg10[%add3A_12, %dma_wait3A_85] : memref<10240x128xf32, #tpu.memory_space<vmem_shared>> -> memref<64x128xf32, #tpu.memory_space<vmem_shared>>
      %dma_wait3A_87 = arith.constant 0 : i32
      %dma_wait3A_88 = tpu.memref_slice %arg10[%add3A_12, %dma_wait3A_87] : memref<10240x128xf32, #tpu.memory_space<vmem_shared>> -> memref<64x128xf32, #tpu.memory_space<vmem_shared>>
      tpu.wait_dma2 semaphore(%run_scoped3A_80 : memref<!tpu.dma_semaphore, #tpu.memory_space<semaphore_mem>>) src(%arg9 : memref<64x128xf32, #tpu.memory_space<vmem>>) dst(%dma_wait3A_88 : memref<64x128xf32, #tpu.memory_space<vmem_shared>>)
      tpu.yield
    }) : () -> ()
    %add3A_13 = arith.constant 320 : i32
    %add3A_14 = arith.addi %mul3A_2, %add3A_13 : i32
    "tpu.region"() ({
      %run_scoped3A_80 = tpu.sem_alloc : memref<!tpu.dma_semaphore, #tpu.memory_space<semaphore_mem>>
      %dma_start3A_81 = arith.constant 0 : i32
      %dma_start3A_82 = tpu.memref_slice %arg10[%add3A_14, %dma_start3A_81] : memref<10240x128xf32, #tpu.memory_space<vmem_shared>> -> memref<64x128xf32, #tpu.memory_space<vmem_shared>>
      %dma_start3A_83 = arith.constant 0 : i32
      %dma_start3A_84 = tpu.memref_slice %arg10[%add3A_14, %dma_start3A_83] : memref<10240x128xf32, #tpu.memory_space<vmem_shared>> -> memref<64x128xf32, #tpu.memory_space<vmem_shared>>
      tpu.enqueue_dma source(%arg9 : memref<64x128xf32, #tpu.memory_space<vmem>>) target(%dma_start3A_84 : memref<64x128xf32, #tpu.memory_space<vmem_shared>>) target_semaphore(%run_scoped3A_80 : memref<!tpu.dma_semaphore, #tpu.memory_space<semaphore_mem>>)
      %dma_wait3A_85 = arith.constant 0 : i32
      %dma_wait3A_86 = tpu.memref_slice %arg10[%add3A_14, %dma_wait3A_85] : memref<10240x128xf32, #tpu.memory_space<vmem_shared>> -> memref<64x128xf32, #tpu.memory_space<vmem_shared>>
      %dma_wait3A_87 = arith.constant 0 : i32
      %dma_wait3A_88 = tpu.memref_slice %arg10[%add3A_14, %dma_wait3A_87] : memref<10240x128xf32, #tpu.memory_space<vmem_shared>> -> memref<64x128xf32, #tpu.memory_space<vmem_shared>>
      tpu.wait_dma2 semaphore(%run_scoped3A_80 : memref<!tpu.dma_semaphore, #tpu.memory_space<semaphore_mem>>) src(%arg9 : memref<64x128xf32, #tpu.memory_space<vmem>>) dst(%dma_wait3A_88 : memref<64x128xf32, #tpu.memory_space<vmem_shared>>)
      tpu.yield
    }) : () -> ()
    %add3A_15 = arith.constant 384 : i32
    %add3A_16 = arith.addi %mul3A_2, %add3A_15 : i32
    "tpu.region"() ({
      %run_scoped3A_80 = tpu.sem_alloc : memref<!tpu.dma_semaphore, #tpu.memory_space<semaphore_mem>>
      %dma_start3A_81 = arith.constant 0 : i32
      %dma_start3A_82 = tpu.memref_slice %arg10[%add3A_16, %dma_start3A_81] : memref<10240x128xf32, #tpu.memory_space<vmem_shared>> -> memref<64x128xf32, #tpu.memory_space<vmem_shared>>
      %dma_start3A_83 = arith.constant 0 : i32
      %dma_start3A_84 = tpu.memref_slice %arg10[%add3A_16, %dma_start3A_83] : memref<10240x128xf32, #tpu.memory_space<vmem_shared>> -> memref<64x128xf32, #tpu.memory_space<vmem_shared>>
      tpu.enqueue_dma source(%arg9 : memref<64x128xf32, #tpu.memory_space<vmem>>) target(%dma_start3A_84 : memref<64x128xf32, #tpu.memory_space<vmem_shared>>) target_semaphore(%run_scoped3A_80 : memref<!tpu.dma_semaphore, #tpu.memory_space<semaphore_mem>>)
      %dma_wait3A_85 = arith.constant 0 : i32
      %dma_wait3A_86 = tpu.memref_slice %arg10[%add3A_16, %dma_wait3A_85] : memref<10240x128xf32, #tpu.memory_space<vmem_shared>> -> memref<64x128xf32, #tpu.memory_space<vmem_shared>>
      %dma_wait3A_87 = arith.constant 0 : i32
      %dma_wait3A_88 = tpu.memref_slice %arg10[%add3A_16, %dma_wait3A_87] : memref<10240x128xf32, #tpu.memory_space<vmem_shared>> -> memref<64x128xf32, #tpu.memory_space<vmem_shared>>
      tpu.wait_dma2 semaphore(%run_scoped3A_80 : memref<!tpu.dma_semaphore, #tpu.memory_space<semaphore_mem>>) src(%arg9 : memref<64x128xf32, #tpu.memory_space<vmem>>) dst(%dma_wait3A_88 : memref<64x128xf32, #tpu.memory_space<vmem_shared>>)
      tpu.yield
    }) : () -> ()
    %add3A_17 = arith.constant 448 : i32
    %add3A_18 = arith.addi %mul3A_2, %add3A_17 : i32
    "tpu.region"() ({
      %run_scoped3A_80 = tpu.sem_alloc : memref<!tpu.dma_semaphore, #tpu.memory_space<semaphore_mem>>
      %dma_start3A_81 = arith.constant 0 : i32
      %dma_start3A_82 = tpu.memref_slice %arg10[%add3A_18, %dma_start3A_81] : memref<10240x128xf32, #tpu.memory_space<vmem_shared>> -> memref<64x128xf32, #tpu.memory_space<vmem_shared>>
      %dma_start3A_83 = arith.constant 0 : i32
      %dma_start3A_84 = tpu.memref_slice %arg10[%add3A_18, %dma_start3A_83] : memref<10240x128xf32, #tpu.memory_space<vmem_shared>> -> memref<64x128xf32, #tpu.memory_space<vmem_shared>>
      tpu.enqueue_dma source(%arg9 : memref<64x128xf32, #tpu.memory_space<vmem>>) target(%dma_start3A_84 : memref<64x128xf32, #tpu.memory_space<vmem_shared>>) target_semaphore(%run_scoped3A_80 : memref<!tpu.dma_semaphore, #tpu.memory_space<semaphore_mem>>)
      %dma_wait3A_85 = arith.constant 0 : i32
      %dma_wait3A_86 = tpu.memref_slice %arg10[%add3A_18, %dma_wait3A_85] : memref<10240x128xf32, #tpu.memory_space<vmem_shared>> -> memref<64x128xf32, #tpu.memory_space<vmem_shared>>
      %dma_wait3A_87 = arith.constant 0 : i32
      %dma_wait3A_88 = tpu.memref_slice %arg10[%add3A_18, %dma_wait3A_87] : memref<10240x128xf32, #tpu.memory_space<vmem_shared>> -> memref<64x128xf32, #tpu.memory_space<vmem_shared>>
      tpu.wait_dma2 semaphore(%run_scoped3A_80 : memref<!tpu.dma_semaphore, #tpu.memory_space<semaphore_mem>>) src(%arg9 : memref<64x128xf32, #tpu.memory_space<vmem>>) dst(%dma_wait3A_88 : memref<64x128xf32, #tpu.memory_space<vmem_shared>>)
      tpu.yield
    }) : () -> ()
    %add3A_19 = arith.constant 512 : i32
    %add3A_20 = arith.addi %mul3A_2, %add3A_19 : i32
    "tpu.region"() ({
      %run_scoped3A_80 = tpu.sem_alloc : memref<!tpu.dma_semaphore, #tpu.memory_space<semaphore_mem>>
      %dma_start3A_81 = arith.constant 0 : i32
      %dma_start3A_82 = tpu.memref_slice %arg10[%add3A_20, %dma_start3A_81] : memref<10240x128xf32, #tpu.memory_space<vmem_shared>> -> memref<64x128xf32, #tpu.memory_space<vmem_shared>>
      %dma_start3A_83 = arith.constant 0 : i32
      %dma_start3A_84 = tpu.memref_slice %arg10[%add3A_20, %dma_start3A_83] : memref<10240x128xf32, #tpu.memory_space<vmem_shared>> -> memref<64x128xf32, #tpu.memory_space<vmem_shared>>
      tpu.enqueue_dma source(%arg9 : memref<64x128xf32, #tpu.memory_space<vmem>>) target(%dma_start3A_84 : memref<64x128xf32, #tpu.memory_space<vmem_shared>>) target_semaphore(%run_scoped3A_80 : memref<!tpu.dma_semaphore, #tpu.memory_space<semaphore_mem>>)
      %dma_wait3A_85 = arith.constant 0 : i32
      %dma_wait3A_86 = tpu.memref_slice %arg10[%add3A_20, %dma_wait3A_85] : memref<10240x128xf32, #tpu.memory_space<vmem_shared>> -> memref<64x128xf32, #tpu.memory_space<vmem_shared>>
      %dma_wait3A_87 = arith.constant 0 : i32
      %dma_wait3A_88 = tpu.memref_slice %arg10[%add3A_20, %dma_wait3A_87] : memref<10240x128xf32, #tpu.memory_space<vmem_shared>> -> memref<64x128xf32, #tpu.memory_space<vmem_shared>>
      tpu.wait_dma2 semaphore(%run_scoped3A_80 : memref<!tpu.dma_semaphore, #tpu.memory_space<semaphore_mem>>) src(%arg9 : memref<64x128xf32, #tpu.memory_space<vmem>>) dst(%dma_wait3A_88 : memref<64x128xf32, #tpu.memory_space<vmem_shared>>)
      tpu.yield
    }) : () -> ()
    %add3A_21 = arith.constant 576 : i32
    %add3A_22 = arith.addi %mul3A_2, %add3A_21 : i32
    "tpu.region"() ({
      %run_scoped3A_80 = tpu.sem_alloc : memref<!tpu.dma_semaphore, #tpu.memory_space<semaphore_mem>>
      %dma_start3A_81 = arith.constant 0 : i32
      %dma_start3A_82 = tpu.memref_slice %arg10[%add3A_22, %dma_start3A_81] : memref<10240x128xf32, #tpu.memory_space<vmem_shared>> -> memref<64x128xf32, #tpu.memory_space<vmem_shared>>
      %dma_start3A_83 = arith.constant 0 : i32
      %dma_start3A_84 = tpu.memref_slice %arg10[%add3A_22, %dma_start3A_83] : memref<10240x128xf32, #tpu.memory_space<vmem_shared>> -> memref<64x128xf32, #tpu.memory_space<vmem_shared>>
      tpu.enqueue_dma source(%arg9 : memref<64x128xf32, #tpu.memory_space<vmem>>) target(%dma_start3A_84 : memref<64x128xf32, #tpu.memory_space<vmem_shared>>) target_semaphore(%run_scoped3A_80 : memref<!tpu.dma_semaphore, #tpu.memory_space<semaphore_mem>>)
      %dma_wait3A_85 = arith.constant 0 : i32
      %dma_wait3A_86 = tpu.memref_slice %arg10[%add3A_22, %dma_wait3A_85] : memref<10240x128xf32, #tpu.memory_space<vmem_shared>> -> memref<64x128xf32, #tpu.memory_space<vmem_shared>>
      %dma_wait3A_87 = arith.constant 0 : i32
      %dma_wait3A_88 = tpu.memref_slice %arg10[%add3A_22, %dma_wait3A_87] : memref<10240x128xf32, #tpu.memory_space<vmem_shared>> -> memref<64x128xf32, #tpu.memory_space<vmem_shared>>
      tpu.wait_dma2 semaphore(%run_scoped3A_80 : memref<!tpu.dma_semaphore, #tpu.memory_space<semaphore_mem>>) src(%arg9 : memref<64x128xf32, #tpu.memory_space<vmem>>) dst(%dma_wait3A_88 : memref<64x128xf32, #tpu.memory_space<vmem_shared>>)
      tpu.yield
    }) : () -> ()
    %run_scoped3A = arith.constant 0 : i32
    %run_scoped3A_23 = arith.constant 0 : i32
    "tpu.region"() ({
      %run_scoped3A_80 = tpu.sem_alloc : memref<!tpu.dma_semaphore, #tpu.memory_space<semaphore_mem>>
      %dma_start3A_81 = arith.constant 0 : i32
      %dma_start3A_82 = arith.constant 0 : i32
      %dma_start3A_83 = tpu.memref_slice %arg6[%run_scoped3A_23, %dma_start3A_81, %dma_start3A_82] : memref<2x2x128xi32, #tpu.memory_space<vmem>> -> memref<1x2x128xi32, #tpu.memory_space<vmem>>
      %dma_start3A_84 = tpu.memref_squeeze %dma_start3A_83 : memref<1x2x128xi32, #tpu.memory_space<vmem>> -> memref<2x128xi32, #tpu.memory_space<vmem>>
      %dma_start3A_85 = arith.constant 0 : i32
      %dma_start3A_86 = arith.constant 0 : i32
      %dma_start3A_87 = tpu.memref_slice %arg3[%add3A, %run_scoped3A, %dma_start3A_85, %dma_start3A_86] : memref<32x80x2x128xi32, #tpu.memory_space<hbm>> -> memref<1x1x2x128xi32, #tpu.memory_space<hbm>>
      %dma_start3A_88 = tpu.memref_squeeze %dma_start3A_87 : memref<1x1x2x128xi32, #tpu.memory_space<hbm>> -> memref<2x128xi32, #tpu.memory_space<hbm>>
      %dma_start3A_89 = arith.constant 0 : i32
      %dma_start3A_90 = arith.constant 0 : i32
      %dma_start3A_91 = tpu.memref_slice %arg6[%run_scoped3A_23, %dma_start3A_89, %dma_start3A_90] : memref<2x2x128xi32, #tpu.memory_space<vmem>> -> memref<1x2x128xi32, #tpu.memory_space<vmem>>
      %dma_start3A_92 = tpu.memref_squeeze %dma_start3A_91 : memref<1x2x128xi32, #tpu.memory_space<vmem>> -> memref<2x128xi32, #tpu.memory_space<vmem>>
      %dma_start3A_93 = arith.constant 0 : i32
      %dma_start3A_94 = arith.constant 0 : i32
      %dma_start3A_95 = tpu.memref_slice %arg3[%add3A, %run_scoped3A, %dma_start3A_93, %dma_start3A_94] : memref<32x80x2x128xi32, #tpu.memory_space<hbm>> -> memref<1x1x2x128xi32, #tpu.memory_space<hbm>>
      %dma_start3A_96 = tpu.memref_squeeze %dma_start3A_95 : memref<1x1x2x128xi32, #tpu.memory_space<hbm>> -> memref<2x128xi32, #tpu.memory_space<hbm>>
      tpu.enqueue_dma source(%dma_start3A_96 : memref<2x128xi32, #tpu.memory_space<hbm>>) target(%dma_start3A_92 : memref<2x128xi32, #tpu.memory_space<vmem>>) target_semaphore(%run_scoped3A_80 : memref<!tpu.dma_semaphore, #tpu.memory_space<semaphore_mem>>)
      %dma_wait3A_97 = arith.constant 0 : i32
      %dma_wait3A_98 = arith.constant 0 : i32
      %dma_wait3A_99 = tpu.memref_slice %arg6[%run_scoped3A_23, %dma_wait3A_97, %dma_wait3A_98] : memref<2x2x128xi32, #tpu.memory_space<vmem>> -> memref<1x2x128xi32, #tpu.memory_space<vmem>>
      %dma_wait3A_100 = tpu.memref_squeeze %dma_wait3A_99 : memref<1x2x128xi32, #tpu.memory_space<vmem>> -> memref<2x128xi32, #tpu.memory_space<vmem>>
      %dma_wait3A_101 = arith.constant 0 : i32
      %dma_wait3A_102 = arith.constant 0 : i32
      %dma_wait3A_103 = tpu.memref_slice %arg3[%add3A, %run_scoped3A, %dma_wait3A_101, %dma_wait3A_102] : memref<32x80x2x128xi32, #tpu.memory_space<hbm>> -> memref<1x1x2x128xi32, #tpu.memory_space<hbm>>
      %dma_wait3A_104 = tpu.memref_squeeze %dma_wait3A_103 : memref<1x1x2x128xi32, #tpu.memory_space<hbm>> -> memref<2x128xi32, #tpu.memory_space<hbm>>
      %dma_wait3A_105 = arith.constant 0 : i32
      %dma_wait3A_106 = arith.constant 0 : i32
      %dma_wait3A_107 = tpu.memref_slice %arg6[%run_scoped3A_23, %dma_wait3A_105, %dma_wait3A_106] : memref<2x2x128xi32, #tpu.memory_space<vmem>> -> memref<1x2x128xi32, #tpu.memory_space<vmem>>
      %dma_wait3A_108 = tpu.memref_squeeze %dma_wait3A_107 : memref<1x2x128xi32, #tpu.memory_space<vmem>> -> memref<2x128xi32, #tpu.memory_space<vmem>>
      %dma_wait3A_109 = arith.constant 0 : i32
      %dma_wait3A_110 = arith.constant 0 : i32
      %dma_wait3A_111 = tpu.memref_slice %arg3[%add3A, %run_scoped3A, %dma_wait3A_109, %dma_wait3A_110] : memref<32x80x2x128xi32, #tpu.memory_space<hbm>> -> memref<1x1x2x128xi32, #tpu.memory_space<hbm>>
      %dma_wait3A_112 = tpu.memref_squeeze %dma_wait3A_111 : memref<1x1x2x128xi32, #tpu.memory_space<hbm>> -> memref<2x128xi32, #tpu.memory_space<hbm>>
      tpu.wait_dma2 semaphore(%run_scoped3A_80 : memref<!tpu.dma_semaphore, #tpu.memory_space<semaphore_mem>>) src(%dma_wait3A_112 : memref<2x128xi32, #tpu.memory_space<hbm>>) dst(%dma_wait3A_108 : memref<2x128xi32, #tpu.memory_space<vmem>>)
      tpu.yield
    }) : () -> ()
    %dma_start3A = arith.constant 1 : i32
    %dma_start3A_24 = arith.constant 1 : i32
    %dma_start3A_25 = arith.constant 0 : i32
    %dma_start3A_26 = arith.constant 0 : i32
    %dma_start3A_27 = tpu.memref_slice %arg6[%dma_start3A_24, %dma_start3A_25, %dma_start3A_26] : memref<2x2x128xi32, #tpu.memory_space<vmem>> -> memref<1x2x128xi32, #tpu.memory_space<vmem>>
    %dma_start3A_28 = tpu.memref_squeeze %dma_start3A_27 : memref<1x2x128xi32, #tpu.memory_space<vmem>> -> memref<2x128xi32, #tpu.memory_space<vmem>>
    %dma_start3A_29 = arith.constant 0 : i32
    %dma_start3A_30 = arith.constant 0 : i32
    %dma_start3A_31 = tpu.memref_slice %arg3[%add3A, %dma_start3A, %dma_start3A_29, %dma_start3A_30] : memref<32x80x2x128xi32, #tpu.memory_space<hbm>> -> memref<1x1x2x128xi32, #tpu.memory_space<hbm>>
    %dma_start3A_32 = tpu.memref_squeeze %dma_start3A_31 : memref<1x1x2x128xi32, #tpu.memory_space<hbm>> -> memref<2x128xi32, #tpu.memory_space<hbm>>
    %dma_start3A_33 = arith.constant 0 : i32
    %dma_start3A_34 = arith.constant 0 : i32
    %dma_start3A_35 = tpu.memref_slice %arg6[%dma_start3A_24, %dma_start3A_33, %dma_start3A_34] : memref<2x2x128xi32, #tpu.memory_space<vmem>> -> memref<1x2x128xi32, #tpu.memory_space<vmem>>
    %dma_start3A_36 = tpu.memref_squeeze %dma_start3A_35 : memref<1x2x128xi32, #tpu.memory_space<vmem>> -> memref<2x128xi32, #tpu.memory_space<vmem>>
    %dma_start3A_37 = arith.constant 0 : i32
    %dma_start3A_38 = arith.constant 0 : i32
    %dma_start3A_39 = tpu.memref_slice %arg3[%add3A, %dma_start3A, %dma_start3A_37, %dma_start3A_38] : memref<32x80x2x128xi32, #tpu.memory_space<hbm>> -> memref<1x1x2x128xi32, #tpu.memory_space<hbm>>
    %dma_start3A_40 = tpu.memref_squeeze %dma_start3A_39 : memref<1x1x2x128xi32, #tpu.memory_space<hbm>> -> memref<2x128xi32, #tpu.memory_space<hbm>>
    tpu.enqueue_dma source(%dma_start3A_40 : memref<2x128xi32, #tpu.memory_space<hbm>>) target(%dma_start3A_36 : memref<2x128xi32, #tpu.memory_space<vmem>>) target_semaphore(%arg12 : memref<!tpu.dma_semaphore, #tpu.memory_space<semaphore_mem>>)
    %barrier3A = arith.constant 0 : index
    tpu.barrier barrier_id(%barrier3A)
    %dma_start3A_41 = arith.constant 0 : i32
    %dma_start3A_42 = arith.constant 0 : i32
    %dma_start3A_43 = arith.constant 0 : i32
    %dma_start3A_44 = tpu.memref_slice %arg6[%dma_start3A_41, %dma_start3A_42, %dma_start3A_43] : memref<2x2x128xi32, #tpu.memory_space<vmem>> -> memref<1x1x128xi32, #tpu.memory_space<vmem>>
    %dma_start3A_45 = tpu.memref_squeeze %dma_start3A_44 : memref<1x1x128xi32, #tpu.memory_space<vmem>> -> memref<128xi32, #tpu.memory_space<vmem>>
    %dma_start3A_46 = arith.constant 0 : i32
    %dma_start3A_47 = arith.constant 0 : i32
    %dma_start3A_48 = tpu.memref_slice %arg2[%dma_start3A_46, %dma_start3A_47] : memref<10240x128xf32, #tpu.memory_space<hbm>> -> memref<10240x128xf32, #tpu.memory_space<hbm>>
    tpu.enqueue_indirect_dma source(%dma_start3A_48 : memref<10240x128xf32, #tpu.memory_space<hbm>>) target(%arg7 : memref<128x128xf32, #tpu.memory_space<vmem>>) offsets(%dma_start3A_45 : memref<128xi32, #tpu.memory_space<vmem>>) semaphore(%arg11 : memref<!tpu.dma_semaphore, #tpu.memory_space<semaphore_mem>>)
    %scan3A = arith.constant 0 : i32
    %scan3A_49 = arith.constant 0 : i32
    %scan3A_50 = arith.constant 40 : i32
    %scan3A_51 = arith.addi %scan3A_49, %scan3A_50 : i32
    %scan3A_52 = arith.constant 1 : i32
    scf.for %scan3A_80 = %scan3A_49 to %scan3A_51 step %scan3A_52  : i32 {
      %mul3A_81 = arith.constant 2 : i32
      %mul3A_82 = arith.muli %mul3A_81, %scan3A_80 : i32
      %add3A_83 = arith.constant 0 : i32
      %add3A_84 = arith.addi %mul3A_82, %add3A_83 : i32
      %add3A_85 = arith.constant 1 : i32
      %add3A_86 = arith.addi %add3A_84, %add3A_85 : i32
      %min3A = arith.constant 79 : i32
      %min3A_87 = arith.minsi %add3A_86, %min3A : i32
      %add3A_88 = arith.constant 2 : i32
      %add3A_89 = arith.addi %add3A_84, %add3A_88 : i32
      %min3A_90 = arith.constant 79 : i32
      %min3A_91 = arith.minsi %add3A_89, %min3A_90 : i32
      %dma_wait3A_92 = arith.constant 0 : i32
      %dma_wait3A_93 = arith.constant 0 : i32
      %dma_wait3A_94 = arith.constant 0 : i32
      %dma_wait3A_95 = tpu.memref_slice %arg6[%dma_wait3A_92, %dma_wait3A_93, %dma_wait3A_94] : memref<2x2x128xi32, #tpu.memory_space<vmem>> -> memref<1x1x128xi32, #tpu.memory_space<vmem>>
      %dma_wait3A_96 = tpu.memref_squeeze %dma_wait3A_95 : memref<1x1x128xi32, #tpu.memory_space<vmem>> -> memref<128xi32, #tpu.memory_space<vmem>>
      %dma_wait3A_97 = arith.constant 0 : i32
      %dma_wait3A_98 = arith.constant 0 : i32
      %dma_wait3A_99 = tpu.memref_slice %arg2[%dma_wait3A_97, %dma_wait3A_98] : memref<10240x128xf32, #tpu.memory_space<hbm>> -> memref<10240x128xf32, #tpu.memory_space<hbm>>
      tpu.wait_indirect_dma semaphore(%arg11 : memref<!tpu.dma_semaphore, #tpu.memory_space<semaphore_mem>>) src(%dma_wait3A_99 : memref<10240x128xf32, #tpu.memory_space<hbm>>) dst(%arg7 : memref<128x128xf32, #tpu.memory_space<vmem>>)
      %dma_wait3A_100 = arith.constant 0 : i32
      %dma_wait3A_101 = arith.constant 0 : i32
      %dma_wait3A_102 = arith.constant 0 : i32
      %dma_wait3A_103 = arith.constant 0 : i32
      %dma_wait3A_104 = tpu.memref_slice %arg6[%dma_wait3A_101, %dma_wait3A_102, %dma_wait3A_103] : memref<2x2x128xi32, #tpu.memory_space<vmem>> -> memref<1x2x128xi32, #tpu.memory_space<vmem>>
      %dma_wait3A_105 = tpu.memref_squeeze %dma_wait3A_104 : memref<1x2x128xi32, #tpu.memory_space<vmem>> -> memref<2x128xi32, #tpu.memory_space<vmem>>
      %dma_wait3A_106 = arith.constant 0 : i32
      %dma_wait3A_107 = arith.constant 0 : i32
      %dma_wait3A_108 = tpu.memref_slice %arg3[%add3A, %dma_wait3A_100, %dma_wait3A_106, %dma_wait3A_107] : memref<32x80x2x128xi32, #tpu.memory_space<hbm>> -> memref<1x1x2x128xi32, #tpu.memory_space<hbm>>
      %dma_wait3A_109 = tpu.memref_squeeze %dma_wait3A_108 : memref<1x1x2x128xi32, #tpu.memory_space<hbm>> -> memref<2x128xi32, #tpu.memory_space<hbm>>
      %dma_wait3A_110 = arith.constant 0 : i32
      %dma_wait3A_111 = arith.constant 0 : i32
      %dma_wait3A_112 = tpu.memref_slice %arg6[%dma_wait3A_101, %dma_wait3A_110, %dma_wait3A_111] : memref<2x2x128xi32, #tpu.memory_space<vmem>> -> memref<1x2x128xi32, #tpu.memory_space<vmem>>
      %dma_wait3A_113 = tpu.memref_squeeze %dma_wait3A_112 : memref<1x2x128xi32, #tpu.memory_space<vmem>> -> memref<2x128xi32, #tpu.memory_space<vmem>>
      %dma_wait3A_114 = arith.constant 0 : i32
      %dma_wait3A_115 = arith.constant 0 : i32
      %dma_wait3A_116 = tpu.memref_slice %arg3[%add3A, %dma_wait3A_100, %dma_wait3A_114, %dma_wait3A_115] : memref<32x80x2x128xi32, #tpu.memory_space<hbm>> -> memref<1x1x2x128xi32, #tpu.memory_space<hbm>>
      %dma_wait3A_117 = tpu.memref_squeeze %dma_wait3A_116 : memref<1x1x2x128xi32, #tpu.memory_space<hbm>> -> memref<2x128xi32, #tpu.memory_space<hbm>>
      tpu.wait_dma2 semaphore(%arg12 : memref<!tpu.dma_semaphore, #tpu.memory_space<semaphore_mem>>) src(%dma_wait3A_117 : memref<2x128xi32, #tpu.memory_space<hbm>>) dst(%dma_wait3A_113 : memref<2x128xi32, #tpu.memory_space<vmem>>)
      %dma_start3A_118 = arith.constant 1 : i32
      %dma_start3A_119 = arith.constant 0 : i32
      %dma_start3A_120 = arith.constant 0 : i32
      %dma_start3A_121 = tpu.memref_slice %arg6[%dma_start3A_118, %dma_start3A_119, %dma_start3A_120] : memref<2x2x128xi32, #tpu.memory_space<vmem>> -> memref<1x1x128xi32, #tpu.memory_space<vmem>>
      %dma_start3A_122 = tpu.memref_squeeze %dma_start3A_121 : memref<1x1x128xi32, #tpu.memory_space<vmem>> -> memref<128xi32, #tpu.memory_space<vmem>>
      %dma_start3A_123 = arith.constant 0 : i32
      %dma_start3A_124 = arith.constant 0 : i32
      %dma_start3A_125 = tpu.memref_slice %arg2[%dma_start3A_123, %dma_start3A_124] : memref<10240x128xf32, #tpu.memory_space<hbm>> -> memref<10240x128xf32, #tpu.memory_space<hbm>>
      tpu.enqueue_indirect_dma source(%dma_start3A_125 : memref<10240x128xf32, #tpu.memory_space<hbm>>) target(%arg8 : memref<128x128xf32, #tpu.memory_space<vmem>>) offsets(%dma_start3A_122 : memref<128xi32, #tpu.memory_space<vmem>>) semaphore(%arg11 : memref<!tpu.dma_semaphore, #tpu.memory_space<semaphore_mem>>)
      %run_scoped3A_126 = arith.constant 0 : i32
      %run_scoped3A_127 = arith.constant 1 : i32
      "tpu.region"() ({
        %run_scoped3A_210 = tpu.sem_alloc : memref<!tpu.dma_semaphore, #tpu.memory_space<semaphore_mem>>
        %dma_start3A_211 = arith.constant 0 : i32
        %dma_start3A_212 = tpu.memref_slice %arg6[%run_scoped3A_126, %run_scoped3A_127, %dma_start3A_211] : memref<2x2x128xi32, #tpu.memory_space<vmem>> -> memref<1x1x128xi32, #tpu.memory_space<vmem>>
        %dma_start3A_213 = tpu.memref_squeeze %dma_start3A_212 : memref<1x1x128xi32, #tpu.memory_space<vmem>> -> memref<128xi32, #tpu.memory_space<vmem>>
        %dma_start3A_214 = arith.constant 0 : i32
        %dma_start3A_215 = arith.constant 0 : i32
        %dma_start3A_216 = tpu.memref_slice %arg10[%dma_start3A_214, %dma_start3A_215] : memref<10240x128xf32, #tpu.memory_space<vmem_shared>> -> memref<10240x128xf32, #tpu.memory_space<vmem_shared>>
        tpu.enqueue_indirect_dma source(%arg7 : memref<128x128xf32, #tpu.memory_space<vmem>>) target(%dma_start3A_216 : memref<10240x128xf32, #tpu.memory_space<vmem_shared>>) offsets(%dma_start3A_213 : memref<128xi32, #tpu.memory_space<vmem>>) semaphore(%run_scoped3A_210 : memref<!tpu.dma_semaphore, #tpu.memory_space<semaphore_mem>>) {add = true}
        %dma_wait3A_217 = arith.constant 0 : i32
        %dma_wait3A_218 = tpu.memref_slice %arg6[%run_scoped3A_126, %run_scoped3A_127, %dma_wait3A_217] : memref<2x2x128xi32, #tpu.memory_space<vmem>> -> memref<1x1x128xi32, #tpu.memory_space<vmem>>
        %dma_wait3A_219 = tpu.memref_squeeze %dma_wait3A_218 : memref<1x1x128xi32, #tpu.memory_space<vmem>> -> memref<128xi32, #tpu.memory_space<vmem>>
        %dma_wait3A_220 = arith.constant 0 : i32
        %dma_wait3A_221 = arith.constant 0 : i32
        %dma_wait3A_222 = tpu.memref_slice %arg10[%dma_wait3A_220, %dma_wait3A_221] : memref<10240x128xf32, #tpu.memory_space<vmem_shared>> -> memref<10240x128xf32, #tpu.memory_space<vmem_shared>>
        tpu.wait_indirect_dma semaphore(%run_scoped3A_210 : memref<!tpu.dma_semaphore, #tpu.memory_space<semaphore_mem>>) src(%arg7 : memref<128x128xf32, #tpu.memory_space<vmem>>) dst(%dma_wait3A_222 : memref<10240x128xf32, #tpu.memory_space<vmem_shared>>)
        tpu.yield
      }) : () -> ()
      %dma_start3A_128 = arith.constant 0 : i32
      %dma_start3A_129 = arith.constant 0 : i32
      %dma_start3A_130 = arith.constant 0 : i32
      %dma_start3A_131 = tpu.memref_slice %arg6[%dma_start3A_128, %dma_start3A_129, %dma_start3A_130] : memref<2x2x128xi32, #tpu.memory_space<vmem>> -> memref<1x2x128xi32, #tpu.memory_space<vmem>>
      %dma_start3A_132 = tpu.memref_squeeze %dma_start3A_131 : memref<1x2x128xi32, #tpu.memory_space<vmem>> -> memref<2x128xi32, #tpu.memory_space<vmem>>
      %dma_start3A_133 = arith.constant 0 : i32
      %dma_start3A_134 = arith.constant 0 : i32
      %dma_start3A_135 = tpu.memref_slice %arg3[%add3A, %min3A_91, %dma_start3A_133, %dma_start3A_134] : memref<32x80x2x128xi32, #tpu.memory_space<hbm>> -> memref<1x1x2x128xi32, #tpu.memory_space<hbm>>
      %dma_start3A_136 = tpu.memref_squeeze %dma_start3A_135 : memref<1x1x2x128xi32, #tpu.memory_space<hbm>> -> memref<2x128xi32, #tpu.memory_space<hbm>>
      %dma_start3A_137 = arith.constant 0 : i32
      %dma_start3A_138 = arith.constant 0 : i32
      %dma_start3A_139 = tpu.memref_slice %arg6[%dma_start3A_128, %dma_start3A_137, %dma_start3A_138] : memref<2x2x128xi32, #tpu.memory_space<vmem>> -> memref<1x2x128xi32, #tpu.memory_space<vmem>>
      %dma_start3A_140 = tpu.memref_squeeze %dma_start3A_139 : memref<1x2x128xi32, #tpu.memory_space<vmem>> -> memref<2x128xi32, #tpu.memory_space<vmem>>
      %dma_start3A_141 = arith.constant 0 : i32
      %dma_start3A_142 = arith.constant 0 : i32
      %dma_start3A_143 = tpu.memref_slice %arg3[%add3A, %min3A_91, %dma_start3A_141, %dma_start3A_142] : memref<32x80x2x128xi32, #tpu.memory_space<hbm>> -> memref<1x1x2x128xi32, #tpu.memory_space<hbm>>
      %dma_start3A_144 = tpu.memref_squeeze %dma_start3A_143 : memref<1x1x2x128xi32, #tpu.memory_space<hbm>> -> memref<2x128xi32, #tpu.memory_space<hbm>>
      tpu.enqueue_dma source(%dma_start3A_144 : memref<2x128xi32, #tpu.memory_space<hbm>>) target(%dma_start3A_140 : memref<2x128xi32, #tpu.memory_space<vmem>>) target_semaphore(%arg12 : memref<!tpu.dma_semaphore, #tpu.memory_space<semaphore_mem>>)
      %mul3A_145 = arith.constant 2 : i32
      %mul3A_146 = arith.muli %mul3A_145, %scan3A_80 : i32
      %add3A_147 = arith.constant 1 : i32
      %add3A_148 = arith.addi %mul3A_146, %add3A_147 : i32
      %add3A_149 = arith.constant 1 : i32
      %add3A_150 = arith.addi %add3A_148, %add3A_149 : i32
      %min3A_151 = arith.constant 79 : i32
      %min3A_152 = arith.minsi %add3A_150, %min3A_151 : i32
      %add3A_153 = arith.constant 2 : i32
      %add3A_154 = arith.addi %add3A_148, %add3A_153 : i32
      %min3A_155 = arith.constant 79 : i32
      %min3A_156 = arith.minsi %add3A_154, %min3A_155 : i32
      %dma_wait3A_157 = arith.constant 0 : i32
      %dma_wait3A_158 = arith.constant 0 : i32
      %dma_wait3A_159 = arith.constant 0 : i32
      %dma_wait3A_160 = tpu.memref_slice %arg6[%dma_wait3A_157, %dma_wait3A_158, %dma_wait3A_159] : memref<2x2x128xi32, #tpu.memory_space<vmem>> -> memref<1x1x128xi32, #tpu.memory_space<vmem>>
      %dma_wait3A_161 = tpu.memref_squeeze %dma_wait3A_160 : memref<1x1x128xi32, #tpu.memory_space<vmem>> -> memref<128xi32, #tpu.memory_space<vmem>>
      %dma_wait3A_162 = arith.constant 0 : i32
      %dma_wait3A_163 = arith.constant 0 : i32
      %dma_wait3A_164 = tpu.memref_slice %arg2[%dma_wait3A_162, %dma_wait3A_163] : memref<10240x128xf32, #tpu.memory_space<hbm>> -> memref<10240x128xf32, #tpu.memory_space<hbm>>
      tpu.wait_indirect_dma semaphore(%arg11 : memref<!tpu.dma_semaphore, #tpu.memory_space<semaphore_mem>>) src(%dma_wait3A_164 : memref<10240x128xf32, #tpu.memory_space<hbm>>) dst(%arg8 : memref<128x128xf32, #tpu.memory_space<vmem>>)
      %dma_wait3A_165 = arith.constant 0 : i32
      %dma_wait3A_166 = arith.constant 0 : i32
      %dma_wait3A_167 = arith.constant 0 : i32
      %dma_wait3A_168 = arith.constant 0 : i32
      %dma_wait3A_169 = tpu.memref_slice %arg6[%dma_wait3A_166, %dma_wait3A_167, %dma_wait3A_168] : memref<2x2x128xi32, #tpu.memory_space<vmem>> -> memref<1x2x128xi32, #tpu.memory_space<vmem>>
      %dma_wait3A_170 = tpu.memref_squeeze %dma_wait3A_169 : memref<1x2x128xi32, #tpu.memory_space<vmem>> -> memref<2x128xi32, #tpu.memory_space<vmem>>
      %dma_wait3A_171 = arith.constant 0 : i32
      %dma_wait3A_172 = arith.constant 0 : i32
      %dma_wait3A_173 = tpu.memref_slice %arg3[%add3A, %dma_wait3A_165, %dma_wait3A_171, %dma_wait3A_172] : memref<32x80x2x128xi32, #tpu.memory_space<hbm>> -> memref<1x1x2x128xi32, #tpu.memory_space<hbm>>
      %dma_wait3A_174 = tpu.memref_squeeze %dma_wait3A_173 : memref<1x1x2x128xi32, #tpu.memory_space<hbm>> -> memref<2x128xi32, #tpu.memory_space<hbm>>
      %dma_wait3A_175 = arith.constant 0 : i32
      %dma_wait3A_176 = arith.constant 0 : i32
      %dma_wait3A_177 = tpu.memref_slice %arg6[%dma_wait3A_166, %dma_wait3A_175, %dma_wait3A_176] : memref<2x2x128xi32, #tpu.memory_space<vmem>> -> memref<1x2x128xi32, #tpu.memory_space<vmem>>
      %dma_wait3A_178 = tpu.memref_squeeze %dma_wait3A_177 : memref<1x2x128xi32, #tpu.memory_space<vmem>> -> memref<2x128xi32, #tpu.memory_space<vmem>>
      %dma_wait3A_179 = arith.constant 0 : i32
      %dma_wait3A_180 = arith.constant 0 : i32
      %dma_wait3A_181 = tpu.memref_slice %arg3[%add3A, %dma_wait3A_165, %dma_wait3A_179, %dma_wait3A_180] : memref<32x80x2x128xi32, #tpu.memory_space<hbm>> -> memref<1x1x2x128xi32, #tpu.memory_space<hbm>>
      %dma_wait3A_182 = tpu.memref_squeeze %dma_wait3A_181 : memref<1x1x2x128xi32, #tpu.memory_space<hbm>> -> memref<2x128xi32, #tpu.memory_space<hbm>>
      tpu.wait_dma2 semaphore(%arg12 : memref<!tpu.dma_semaphore, #tpu.memory_space<semaphore_mem>>) src(%dma_wait3A_182 : memref<2x128xi32, #tpu.memory_space<hbm>>) dst(%dma_wait3A_178 : memref<2x128xi32, #tpu.memory_space<vmem>>)
      %dma_start3A_183 = arith.constant 0 : i32
      %dma_start3A_184 = arith.constant 0 : i32
      %dma_start3A_185 = arith.constant 0 : i32
      %dma_start3A_186 = tpu.memref_slice %arg6[%dma_start3A_183, %dma_start3A_184, %dma_start3A_185] : memref<2x2x128xi32, #tpu.memory_space<vmem>> -> memref<1x1x128xi32, #tpu.memory_space<vmem>>
      %dma_start3A_187 = tpu.memref_squeeze %dma_start3A_186 : memref<1x1x128xi32, #tpu.memory_space<vmem>> -> memref<128xi32, #tpu.memory_space<vmem>>
      %dma_start3A_188 = arith.constant 0 : i32
      %dma_start3A_189 = arith.constant 0 : i32
      %dma_start3A_190 = tpu.memref_slice %arg2[%dma_start3A_188, %dma_start3A_189] : memref<10240x128xf32, #tpu.memory_space<hbm>> -> memref<10240x128xf32, #tpu.memory_space<hbm>>
      tpu.enqueue_indirect_dma source(%dma_start3A_190 : memref<10240x128xf32, #tpu.memory_space<hbm>>) target(%arg7 : memref<128x128xf32, #tpu.memory_space<vmem>>) offsets(%dma_start3A_187 : memref<128xi32, #tpu.memory_space<vmem>>) semaphore(%arg11 : memref<!tpu.dma_semaphore, #tpu.memory_space<semaphore_mem>>)
      %run_scoped3A_191 = arith.constant 1 : i32
      %run_scoped3A_192 = arith.constant 1 : i32
      "tpu.region"() ({
        %run_scoped3A_210 = tpu.sem_alloc : memref<!tpu.dma_semaphore, #tpu.memory_space<semaphore_mem>>
        %dma_start3A_211 = arith.constant 0 : i32
        %dma_start3A_212 = tpu.memref_slice %arg6[%run_scoped3A_191, %run_scoped3A_192, %dma_start3A_211] : memref<2x2x128xi32, #tpu.memory_space<vmem>> -> memref<1x1x128xi32, #tpu.memory_space<vmem>>
        %dma_start3A_213 = tpu.memref_squeeze %dma_start3A_212 : memref<1x1x128xi32, #tpu.memory_space<vmem>> -> memref<128xi32, #tpu.memory_space<vmem>>
        %dma_start3A_214 = arith.constant 0 : i32
        %dma_start3A_215 = arith.constant 0 : i32
        %dma_start3A_216 = tpu.memref_slice %arg10[%dma_start3A_214, %dma_start3A_215] : memref<10240x128xf32, #tpu.memory_space<vmem_shared>> -> memref<10240x128xf32, #tpu.memory_space<vmem_shared>>
        tpu.enqueue_indirect_dma source(%arg8 : memref<128x128xf32, #tpu.memory_space<vmem>>) target(%dma_start3A_216 : memref<10240x128xf32, #tpu.memory_space<vmem_shared>>) offsets(%dma_start3A_213 : memref<128xi32, #tpu.memory_space<vmem>>) semaphore(%run_scoped3A_210 : memref<!tpu.dma_semaphore, #tpu.memory_space<semaphore_mem>>) {add = true}
        %dma_wait3A_217 = arith.constant 0 : i32
        %dma_wait3A_218 = tpu.memref_slice %arg6[%run_scoped3A_191, %run_scoped3A_192, %dma_wait3A_217] : memref<2x2x128xi32, #tpu.memory_space<vmem>> -> memref<1x1x128xi32, #tpu.memory_space<vmem>>
        %dma_wait3A_219 = tpu.memref_squeeze %dma_wait3A_218 : memref<1x1x128xi32, #tpu.memory_space<vmem>> -> memref<128xi32, #tpu.memory_space<vmem>>
        %dma_wait3A_220 = arith.constant 0 : i32
        %dma_wait3A_221 = arith.constant 0 : i32
        %dma_wait3A_222 = tpu.memref_slice %arg10[%dma_wait3A_220, %dma_wait3A_221] : memref<10240x128xf32, #tpu.memory_space<vmem_shared>> -> memref<10240x128xf32, #tpu.memory_space<vmem_shared>>
        tpu.wait_indirect_dma semaphore(%run_scoped3A_210 : memref<!tpu.dma_semaphore, #tpu.memory_space<semaphore_mem>>) src(%arg8 : memref<128x128xf32, #tpu.memory_space<vmem>>) dst(%dma_wait3A_222 : memref<10240x128xf32, #tpu.memory_space<vmem_shared>>)
        tpu.yield
      }) : () -> ()
      %dma_start3A_193 = arith.constant 1 : i32
      %dma_start3A_194 = arith.constant 0 : i32
      %dma_start3A_195 = arith.constant 0 : i32
      %dma_start3A_196 = tpu.memref_slice %arg6[%dma_start3A_193, %dma_start3A_194, %dma_start3A_195] : memref<2x2x128xi32, #tpu.memory_space<vmem>> -> memref<1x2x128xi32, #tpu.memory_space<vmem>>
      %dma_start3A_197 = tpu.memref_squeeze %dma_start3A_196 : memref<1x2x128xi32, #tpu.memory_space<vmem>> -> memref<2x128xi32, #tpu.memory_space<vmem>>
      %dma_start3A_198 = arith.constant 0 : i32
      %dma_start3A_199 = arith.constant 0 : i32
      %dma_start3A_200 = tpu.memref_slice %arg3[%add3A, %min3A_156, %dma_start3A_198, %dma_start3A_199] : memref<32x80x2x128xi32, #tpu.memory_space<hbm>> -> memref<1x1x2x128xi32, #tpu.memory_space<hbm>>
      %dma_start3A_201 = tpu.memref_squeeze %dma_start3A_200 : memref<1x1x2x128xi32, #tpu.memory_space<hbm>> -> memref<2x128xi32, #tpu.memory_space<hbm>>
      %dma_start3A_202 = arith.constant 0 : i32
      %dma_start3A_203 = arith.constant 0 : i32
      %dma_start3A_204 = tpu.memref_slice %arg6[%dma_start3A_193, %dma_start3A_202, %dma_start3A_203] : memref<2x2x128xi32, #tpu.memory_space<vmem>> -> memref<1x2x128xi32, #tpu.memory_space<vmem>>
      %dma_start3A_205 = tpu.memref_squeeze %dma_start3A_204 : memref<1x2x128xi32, #tpu.memory_space<vmem>> -> memref<2x128xi32, #tpu.memory_space<vmem>>
      %dma_start3A_206 = arith.constant 0 : i32
      %dma_start3A_207 = arith.constant 0 : i32
      %dma_start3A_208 = tpu.memref_slice %arg3[%add3A, %min3A_156, %dma_start3A_206, %dma_start3A_207] : memref<32x80x2x128xi32, #tpu.memory_space<hbm>> -> memref<1x1x2x128xi32, #tpu.memory_space<hbm>>
      %dma_start3A_209 = tpu.memref_squeeze %dma_start3A_208 : memref<1x1x2x128xi32, #tpu.memory_space<hbm>> -> memref<2x128xi32, #tpu.memory_space<hbm>>
      tpu.enqueue_dma source(%dma_start3A_209 : memref<2x128xi32, #tpu.memory_space<hbm>>) target(%dma_start3A_205 : memref<2x128xi32, #tpu.memory_space<vmem>>) target_semaphore(%arg12 : memref<!tpu.dma_semaphore, #tpu.memory_space<semaphore_mem>>)
    }
    %scan3A_53 = arith.constant 40 : i32
    %dma_wait3A = arith.constant 0 : i32
    %dma_wait3A_54 = arith.constant 0 : i32
    %dma_wait3A_55 = arith.constant 0 : i32
    %dma_wait3A_56 = tpu.memref_slice %arg6[%dma_wait3A, %dma_wait3A_54, %dma_wait3A_55] : memref<2x2x128xi32, #tpu.memory_space<vmem>> -> memref<1x1x128xi32, #tpu.memory_space<vmem>>
    %dma_wait3A_57 = tpu.memref_squeeze %dma_wait3A_56 : memref<1x1x128xi32, #tpu.memory_space<vmem>> -> memref<128xi32, #tpu.memory_space<vmem>>
    %dma_wait3A_58 = arith.constant 0 : i32
    %dma_wait3A_59 = arith.constant 0 : i32
    %dma_wait3A_60 = tpu.memref_slice %arg2[%dma_wait3A_58, %dma_wait3A_59] : memref<10240x128xf32, #tpu.memory_space<hbm>> -> memref<10240x128xf32, #tpu.memory_space<hbm>>
    tpu.wait_indirect_dma semaphore(%arg11 : memref<!tpu.dma_semaphore, #tpu.memory_space<semaphore_mem>>) src(%dma_wait3A_60 : memref<10240x128xf32, #tpu.memory_space<hbm>>) dst(%arg7 : memref<128x128xf32, #tpu.memory_space<vmem>>)
    %dma_wait3A_61 = arith.constant 0 : i32
    %dma_wait3A_62 = arith.constant 0 : i32
    %dma_wait3A_63 = arith.constant 0 : i32
    %dma_wait3A_64 = arith.constant 0 : i32
    %dma_wait3A_65 = tpu.memref_slice %arg6[%dma_wait3A_62, %dma_wait3A_63, %dma_wait3A_64] : memref<2x2x128xi32, #tpu.memory_space<vmem>> -> memref<1x2x128xi32, #tpu.memory_space<vmem>>
    %dma_wait3A_66 = tpu.memref_squeeze %dma_wait3A_65 : memref<1x2x128xi32, #tpu.memory_space<vmem>> -> memref<2x128xi32, #tpu.memory_space<vmem>>
    %dma_wait3A_67 = arith.constant 0 : i32
    %dma_wait3A_68 = arith.constant 0 : i32
    %dma_wait3A_69 = tpu.memref_slice %arg3[%add3A, %dma_wait3A_61, %dma_wait3A_67, %dma_wait3A_68] : memref<32x80x2x128xi32, #tpu.memory_space<hbm>> -> memref<1x1x2x128xi32, #tpu.memory_space<hbm>>
    %dma_wait3A_70 = tpu.memref_squeeze %dma_wait3A_69 : memref<1x1x2x128xi32, #tpu.memory_space<hbm>> -> memref<2x128xi32, #tpu.memory_space<hbm>>
    %dma_wait3A_71 = arith.constant 0 : i32
    %dma_wait3A_72 = arith.constant 0 : i32
    %dma_wait3A_73 = tpu.memref_slice %arg6[%dma_wait3A_62, %dma_wait3A_71, %dma_wait3A_72] : memref<2x2x128xi32, #tpu.memory_space<vmem>> -> memref<1x2x128xi32, #tpu.memory_space<vmem>>
    %dma_wait3A_74 = tpu.memref_squeeze %dma_wait3A_73 : memref<1x2x128xi32, #tpu.memory_space<vmem>> -> memref<2x128xi32, #tpu.memory_space<vmem>>
    %dma_wait3A_75 = arith.constant 0 : i32
    %dma_wait3A_76 = arith.constant 0 : i32
    %dma_wait3A_77 = tpu.memref_slice %arg3[%add3A, %dma_wait3A_61, %dma_wait3A_75, %dma_wait3A_76] : memref<32x80x2x128xi32, #tpu.memory_space<hbm>> -> memref<1x1x2x128xi32, #tpu.memory_space<hbm>>
    %dma_wait3A_78 = tpu.memref_squeeze %dma_wait3A_77 : memref<1x1x2x128xi32, #tpu.memory_space<hbm>> -> memref<2x128xi32, #tpu.memory_space<hbm>>
    tpu.wait_dma2 semaphore(%arg12 : memref<!tpu.dma_semaphore, #tpu.memory_space<semaphore_mem>>) src(%dma_wait3A_78 : memref<2x128xi32, #tpu.memory_space<hbm>>) dst(%dma_wait3A_74 : memref<2x128xi32, #tpu.memory_space<vmem>>)
    %barrier3A_79 = arith.constant 0 : index
    tpu.barrier barrier_id(%barrier3A_79)
    "tpu.region"() ({
      %run_scoped3A_80 = tpu.sem_alloc : memref<!tpu.dma_semaphore, #tpu.memory_space<semaphore_mem>>
      %dma_start3A_81 = arith.constant 0 : i32
      %dma_start3A_82 = tpu.memref_slice %arg5[%arg0, %mul3A_2, %dma_start3A_81] : memref<2x10240x128xf32, #tpu.memory_space<hbm>> -> memref<1x640x128xf32, #tpu.memory_space<hbm>>
      %dma_start3A_83 = tpu.memref_squeeze %dma_start3A_82 : memref<1x640x128xf32, #tpu.memory_space<hbm>> -> memref<640x128xf32, #tpu.memory_space<hbm>>
      %dma_start3A_84 = arith.constant 0 : i32
      %dma_start3A_85 = tpu.memref_slice %arg10[%mul3A_2, %dma_start3A_84] : memref<10240x128xf32, #tpu.memory_space<vmem_shared>> -> memref<640x128xf32, #tpu.memory_space<vmem_shared>>
      tpu.enqueue_dma source(%dma_start3A_85 : memref<640x128xf32, #tpu.memory_space<vmem_shared>>) target(%dma_start3A_83 : memref<640x128xf32, #tpu.memory_space<hbm>>) target_semaphore(%run_scoped3A_80 : memref<!tpu.dma_semaphore, #tpu.memory_space<semaphore_mem>>)
      %dma_wait3A_86 = arith.constant 0 : i32
      %dma_wait3A_87 = tpu.memref_slice %arg5[%arg0, %mul3A_2, %dma_wait3A_86] : memref<2x10240x128xf32, #tpu.memory_space<hbm>> -> memref<1x640x128xf32, #tpu.memory_space<hbm>>
      %dma_wait3A_88 = tpu.memref_squeeze %dma_wait3A_87 : memref<1x640x128xf32, #tpu.memory_space<hbm>> -> memref<640x128xf32, #tpu.memory_space<hbm>>
      %dma_wait3A_89 = arith.constant 0 : i32
      %dma_wait3A_90 = tpu.memref_slice %arg10[%mul3A_2, %dma_wait3A_89] : memref<10240x128xf32, #tpu.memory_space<vmem_shared>> -> memref<640x128xf32, #tpu.memory_space<vmem_shared>>
      tpu.wait_dma2 semaphore(%run_scoped3A_80 : memref<!tpu.dma_semaphore, #tpu.memory_space<semaphore_mem>>) src(%dma_wait3A_90 : memref<640x128xf32, #tpu.memory_space<vmem_shared>>) dst(%dma_wait3A_88 : memref<640x128xf32, #tpu.memory_space<hbm>>)
      tpu.yield
    }) : () -> ()
    return
  }
}

#map = affine_map<(d0, d1) -> (0, 0)>
#map1 = affine_map<(d0, d1) -> (0, 0, 0, 0)>
#map2 = affine_map<(d0, d1) -> (0, 0, 0)>
module attributes {stable_mosaic.version = 14 : i64} {
  func.func @k(%arg0: i32, %arg1: i32, %arg2: memref<10240x128xf32, #tpu.memory_space<hbm>>, %arg3: memref<32x80x2x128xi32, #tpu.memory_space<hbm>>, %arg4: memref<64x128xf32, #tpu.memory_space<hbm>>, %arg5: memref<2x10240x128xf32, #tpu.memory_space<hbm>>, %arg6: memref<2x2x128xi32, #tpu.memory_space<vmem>>, %arg7: memref<128x128xf32, #tpu.memory_space<vmem>>, %arg8: memref<128x128xf32, #tpu.memory_space<vmem>>, %arg9: memref<64x128xf32, #tpu.memory_space<vmem>>, %arg10: memref<10240x128xf32, #tpu.memory_space<vmem_shared>>, %arg11: memref<!tpu.dma_semaphore, #tpu.memory_space<semaphore_mem>>, %arg12: memref<!tpu.dma_semaphore, #tpu.memory_space<semaphore_mem>>) attributes {dimension_semantics = [#tpu.dimension_semantics<core_parallel>, #tpu.dimension_semantics<subcore_parallel>], iteration_bounds = array<i64: 2, 16>, scalar_prefetch = 0 : i64, scratch_operands = 7 : i64, tpu.core_type = #tpu.core_type<sc_vector_subcore>, window_params = [{transform_indices = #map}, {transform_indices = #map1}, {transform_indices = #map}, {transform_indices = #map2}]} {
    %mul3A = arith.constant 16 : i32
    %mul3A_0 = arith.muli %arg0, %mul3A : i32
    %add3A = arith.addi %mul3A_0, %arg1 : i32
    %mul3A_1 = arith.constant 640 : i32
    %mul3A_2 = arith.muli %arg1, %mul3A_1 : i32
    "tpu.region"() ({
      %run_scoped3A_80 = tpu.sem_alloc : memref<!tpu.dma_semaphore, #tpu.memory_space<semaphore_mem>>
      tpu.enqueue_dma source(%arg4 : memref<64x128xf32, #tpu.memory_space<hbm>>) target(%arg9 : memref<64x128xf32, #tpu.memory_space<vmem>>) target_semaphore(%run_scoped3A_80 : memref<!tpu.dma_semaphore, #tpu.memory_space<semaphore_mem>>)
      tpu.wait_dma2 semaphore(%run_scoped3A_80 : memref<!tpu.dma_semaphore, #tpu.memory_space<semaphore_mem>>) src(%arg4 : memref<64x128xf32, #tpu.memory_space<hbm>>) dst(%arg9 : memref<64x128xf32, #tpu.memory_space<vmem>>)
      tpu.yield
    }) : () -> ()
    %add3A_3 = arith.constant 0 : i32
    %add3A_4 = arith.addi %mul3A_2, %add3A_3 : i32
    "tpu.region"() ({
      %run_scoped3A_80 = tpu.sem_alloc : memref<!tpu.dma_semaphore, #tpu.memory_space<semaphore_mem>>
      %dma_start3A_81 = arith.constant 0 : i32
      %dma_start3A_82 = tpu.memref_slice %arg10[%add3A_4, %dma_start3A_81] : memref<10240x128xf32, #tpu.memory_space<vmem_shared>> -> memref<64x128xf32, #tpu.memory_space<vmem_shared>>
      %dma_start3A_83 = arith.constant 0 : i32
      %dma_start3A_84 = tpu.memref_slice %arg10[%add3A_4, %dma_start3A_83] : memref<10240x128xf32, #tpu.memory_space<vmem_shared>> -> memref<64x128xf32, #tpu.memory_space<vmem_shared>>
      tpu.enqueue_dma source(%arg9 : memref<64x128xf32, #tpu.memory_space<vmem>>) target(%dma_start3A_84 : memref<64x128xf32, #tpu.memory_space<vmem_shared>>) target_semaphore(%run_scoped3A_80 : memref<!tpu.dma_semaphore, #tpu.memory_space<semaphore_mem>>)
      %dma_wait3A_85 = arith.constant 0 : i32
      %dma_wait3A_86 = tpu.memref_slice %arg10[%add3A_4, %dma_wait3A_85] : memref<10240x128xf32, #tpu.memory_space<vmem_shared>> -> memref<64x128xf32, #tpu.memory_space<vmem_shared>>
      %dma_wait3A_87 = arith.constant 0 : i32
      %dma_wait3A_88 = tpu.memref_slice %arg10[%add3A_4, %dma_wait3A_87] : memref<10240x128xf32, #tpu.memory_space<vmem_shared>> -> memref<64x128xf32, #tpu.memory_space<vmem_shared>>
      tpu.wait_dma2 semaphore(%run_scoped3A_80 : memref<!tpu.dma_semaphore, #tpu.memory_space<semaphore_mem>>) src(%arg9 : memref<64x128xf32, #tpu.memory_space<vmem>>) dst(%dma_wait3A_88 : memref<64x128xf32, #tpu.memory_space<vmem_shared>>)
      tpu.yield
    }) : () -> ()
    %add3A_5 = arith.constant 64 : i32
    %add3A_6 = arith.addi %mul3A_2, %add3A_5 : i32
    "tpu.region"() ({
      %run_scoped3A_80 = tpu.sem_alloc : memref<!tpu.dma_semaphore, #tpu.memory_space<semaphore_mem>>
      %dma_start3A_81 = arith.constant 0 : i32
      %dma_start3A_82 = tpu.memref_slice %arg10[%add3A_6, %dma_start3A_81] : memref<10240x128xf32, #tpu.memory_space<vmem_shared>> -> memref<64x128xf32, #tpu.memory_space<vmem_shared>>
      %dma_start3A_83 = arith.constant 0 : i32
      %dma_start3A_84 = tpu.memref_slice %arg10[%add3A_6, %dma_start3A_83] : memref<10240x128xf32, #tpu.memory_space<vmem_shared>> -> memref<64x128xf32, #tpu.memory_space<vmem_shared>>
      tpu.enqueue_dma source(%arg9 : memref<64x128xf32, #tpu.memory_space<vmem>>) target(%dma_start3A_84 : memref<64x128xf32, #tpu.memory_space<vmem_shared>>) target_semaphore(%run_scoped3A_80 : memref<!tpu.dma_semaphore, #tpu.memory_space<semaphore_mem>>)
      %dma_wait3A_85 = arith.constant 0 : i32
      %dma_wait3A_86 = tpu.memref_slice %arg10[%add3A_6, %dma_wait3A_85] : memref<10240x128xf32, #tpu.memory_space<vmem_shared>> -> memref<64x128xf32, #tpu.memory_space<vmem_shared>>
      %dma_wait3A_87 = arith.constant 0 : i32
      %dma_wait3A_88 = tpu.memref_slice %arg10[%add3A_6, %dma_wait3A_87] : memref<10240x128xf32, #tpu.memory_space<vmem_shared>> -> memref<64x128xf32, #tpu.memory_space<vmem_shared>>
      tpu.wait_dma2 semaphore(%run_scoped3A_80 : memref<!tpu.dma_semaphore, #tpu.memory_space<semaphore_mem>>) src(%arg9 : memref<64x128xf32, #tpu.memory_space<vmem>>) dst(%dma_wait3A_88 : memref<64x128xf32, #tpu.memory_space<vmem_shared>>)
      tpu.yield
    }) : () -> ()
    %add3A_7 = arith.constant 128 : i32
    %add3A_8 = arith.addi %mul3A_2, %add3A_7 : i32
    "tpu.region"() ({
      %run_scoped3A_80 = tpu.sem_alloc : memref<!tpu.dma_semaphore, #tpu.memory_space<semaphore_mem>>
      %dma_start3A_81 = arith.constant 0 : i32
      %dma_start3A_82 = tpu.memref_slice %arg10[%add3A_8, %dma_start3A_81] : memref<10240x128xf32, #tpu.memory_space<vmem_shared>> -> memref<64x128xf32, #tpu.memory_space<vmem_shared>>
      %dma_start3A_83 = arith.constant 0 : i32
      %dma_start3A_84 = tpu.memref_slice %arg10[%add3A_8, %dma_start3A_83] : memref<10240x128xf32, #tpu.memory_space<vmem_shared>> -> memref<64x128xf32, #tpu.memory_space<vmem_shared>>
      tpu.enqueue_dma source(%arg9 : memref<64x128xf32, #tpu.memory_space<vmem>>) target(%dma_start3A_84 : memref<64x128xf32, #tpu.memory_space<vmem_shared>>) target_semaphore(%run_scoped3A_80 : memref<!tpu.dma_semaphore, #tpu.memory_space<semaphore_mem>>)
      %dma_wait3A_85 = arith.constant 0 : i32
      %dma_wait3A_86 = tpu.memref_slice %arg10[%add3A_8, %dma_wait3A_85] : memref<10240x128xf32, #tpu.memory_space<vmem_shared>> -> memref<64x128xf32, #tpu.memory_space<vmem_shared>>
      %dma_wait3A_87 = arith.constant 0 : i32
      %dma_wait3A_88 = tpu.memref_slice %arg10[%add3A_8, %dma_wait3A_87] : memref<10240x128xf32, #tpu.memory_space<vmem_shared>> -> memref<64x128xf32, #tpu.memory_space<vmem_shared>>
      tpu.wait_dma2 semaphore(%run_scoped3A_80 : memref<!tpu.dma_semaphore, #tpu.memory_space<semaphore_mem>>) src(%arg9 : memref<64x128xf32, #tpu.memory_space<vmem>>) dst(%dma_wait3A_88 : memref<64x128xf32, #tpu.memory_space<vmem_shared>>)
      tpu.yield
    }) : () -> ()
    %add3A_9 = arith.constant 192 : i32
    %add3A_10 = arith.addi %mul3A_2, %add3A_9 : i32
    "tpu.region"() ({
      %run_scoped3A_80 = tpu.sem_alloc : memref<!tpu.dma_semaphore, #tpu.memory_space<semaphore_mem>>
      %dma_start3A_81 = arith.constant 0 : i32
      %dma_start3A_82 = tpu.memref_slice %arg10[%add3A_10, %dma_start3A_81] : memref<10240x128xf32, #tpu.memory_space<vmem_shared>> -> memref<64x128xf32, #tpu.memory_space<vmem_shared>>
      %dma_start3A_83 = arith.constant 0 : i32
      %dma_start3A_84 = tpu.memref_slice %arg10[%add3A_10, %dma_start3A_83] : memref<10240x128xf32, #tpu.memory_space<vmem_shared>> -> memref<64x128xf32, #tpu.memory_space<vmem_shared>>
      tpu.enqueue_dma source(%arg9 : memref<64x128xf32, #tpu.memory_space<vmem>>) target(%dma_start3A_84 : memref<64x128xf32, #tpu.memory_space<vmem_shared>>) target_semaphore(%run_scoped3A_80 : memref<!tpu.dma_semaphore, #tpu.memory_space<semaphore_mem>>)
      %dma_wait3A_85 = arith.constant 0 : i32
      %dma_wait3A_86 = tpu.memref_slice %arg10[%add3A_10, %dma_wait3A_85] : memref<10240x128xf32, #tpu.memory_space<vmem_shared>> -> memref<64x128xf32, #tpu.memory_space<vmem_shared>>
      %dma_wait3A_87 = arith.constant 0 : i32
      %dma_wait3A_88 = tpu.memref_slice %arg10[%add3A_10, %dma_wait3A_87] : memref<10240x128xf32, #tpu.memory_space<vmem_shared>> -> memref<64x128xf32, #tpu.memory_space<vmem_shared>>
      tpu.wait_dma2 semaphore(%run_scoped3A_80 : memref<!tpu.dma_semaphore, #tpu.memory_space<semaphore_mem>>) src(%arg9 : memref<64x128xf32, #tpu.memory_space<vmem>>) dst(%dma_wait3A_88 : memref<64x128xf32, #tpu.memory_space<vmem_shared>>)
      tpu.yield
    }) : () -> ()
    %add3A_11 = arith.constant 256 : i32
    %add3A_12 = arith.addi %mul3A_2, %add3A_11 : i32
    "tpu.region"() ({
      %run_scoped3A_80 = tpu.sem_alloc : memref<!tpu.dma_semaphore, #tpu.memory_space<semaphore_mem>>
      %dma_start3A_81 = arith.constant 0 : i32
      %dma_start3A_82 = tpu.memref_slice %arg10[%add3A_12, %dma_start3A_81] : memref<10240x128xf32, #tpu.memory_space<vmem_shared>> -> memref<64x128xf32, #tpu.memory_space<vmem_shared>>
      %dma_start3A_83 = arith.constant 0 : i32
      %dma_start3A_84 = tpu.memref_slice %arg10[%add3A_12, %dma_start3A_83] : memref<10240x128xf32, #tpu.memory_space<vmem_shared>> -> memref<64x128xf32, #tpu.memory_space<vmem_shared>>
      tpu.enqueue_dma source(%arg9 : memref<64x128xf32, #tpu.memory_space<vmem>>) target(%dma_start3A_84 : memref<64x128xf32, #tpu.memory_space<vmem_shared>>) target_semaphore(%run_scoped3A_80 : memref<!tpu.dma_semaphore, #tpu.memory_space<semaphore_mem>>)
      %dma_wait3A_85 = arith.constant 0 : i32
      %dma_wait3A_86 = tpu.memref_slice %arg10[%add3A_12, %dma_wait3A_85] : memref<10240x128xf32, #tpu.memory_space<vmem_shared>> -> memref<64x128xf32, #tpu.memory_space<vmem_shared>>
      %dma_wait3A_87 = arith.constant 0 : i32
      %dma_wait3A_88 = tpu.memref_slice %arg10[%add3A_12, %dma_wait3A_87] : memref<10240x128xf32, #tpu.memory_space<vmem_shared>> -> memref<64x128xf32, #tpu.memory_space<vmem_shared>>
      tpu.wait_dma2 semaphore(%run_scoped3A_80 : memref<!tpu.dma_semaphore, #tpu.memory_space<semaphore_mem>>) src(%arg9 : memref<64x128xf32, #tpu.memory_space<vmem>>) dst(%dma_wait3A_88 : memref<64x128xf32, #tpu.memory_space<vmem_shared>>)
      tpu.yield
    }) : () -> ()
    %add3A_13 = arith.constant 320 : i32
    %add3A_14 = arith.addi %mul3A_2, %add3A_13 : i32
    "tpu.region"() ({
      %run_scoped3A_80 = tpu.sem_alloc : memref<!tpu.dma_semaphore, #tpu.memory_space<semaphore_mem>>
      %dma_start3A_81 = arith.constant 0 : i32
      %dma_start3A_82 = tpu.memref_slice %arg10[%add3A_14, %dma_start3A_81] : memref<10240x128xf32, #tpu.memory_space<vmem_shared>> -> memref<64x128xf32, #tpu.memory_space<vmem_shared>>
      %dma_start3A_83 = arith.constant 0 : i32
      %dma_start3A_84 = tpu.memref_slice %arg10[%add3A_14, %dma_start3A_83] : memref<10240x128xf32, #tpu.memory_space<vmem_shared>> -> memref<64x128xf32, #tpu.memory_space<vmem_shared>>
      tpu.enqueue_dma source(%arg9 : memref<64x128xf32, #tpu.memory_space<vmem>>) target(%dma_start3A_84 : memref<64x128xf32, #tpu.memory_space<vmem_shared>>) target_semaphore(%run_scoped3A_80 : memref<!tpu.dma_semaphore, #tpu.memory_space<semaphore_mem>>)
      %dma_wait3A_85 = arith.constant 0 : i32
      %dma_wait3A_86 = tpu.memref_slice %arg10[%add3A_14, %dma_wait3A_85] : memref<10240x128xf32, #tpu.memory_space<vmem_shared>> -> memref<64x128xf32, #tpu.memory_space<vmem_shared>>
      %dma_wait3A_87 = arith.constant 0 : i32
      %dma_wait3A_88 = tpu.memref_slice %arg10[%add3A_14, %dma_wait3A_87] : memref<10240x128xf32, #tpu.memory_space<vmem_shared>> -> memref<64x128xf32, #tpu.memory_space<vmem_shared>>
      tpu.wait_dma2 semaphore(%run_scoped3A_80 : memref<!tpu.dma_semaphore, #tpu.memory_space<semaphore_mem>>) src(%arg9 : memref<64x128xf32, #tpu.memory_space<vmem>>) dst(%dma_wait3A_88 : memref<64x128xf32, #tpu.memory_space<vmem_shared>>)
      tpu.yield
    }) : () -> ()
    %add3A_15 = arith.constant 384 : i32
    %add3A_16 = arith.addi %mul3A_2, %add3A_15 : i32
    "tpu.region"() ({
      %run_scoped3A_80 = tpu.sem_alloc : memref<!tpu.dma_semaphore, #tpu.memory_space<semaphore_mem>>
      %dma_start3A_81 = arith.constant 0 : i32
      %dma_start3A_82 = tpu.memref_slice %arg10[%add3A_16, %dma_start3A_81] : memref<10240x128xf32, #tpu.memory_space<vmem_shared>> -> memref<64x128xf32, #tpu.memory_space<vmem_shared>>
      %dma_start3A_83 = arith.constant 0 : i32
      %dma_start3A_84 = tpu.memref_slice %arg10[%add3A_16, %dma_start3A_83] : memref<10240x128xf32, #tpu.memory_space<vmem_shared>> -> memref<64x128xf32, #tpu.memory_space<vmem_shared>>
      tpu.enqueue_dma source(%arg9 : memref<64x128xf32, #tpu.memory_space<vmem>>) target(%dma_start3A_84 : memref<64x128xf32, #tpu.memory_space<vmem_shared>>) target_semaphore(%run_scoped3A_80 : memref<!tpu.dma_semaphore, #tpu.memory_space<semaphore_mem>>)
      %dma_wait3A_85 = arith.constant 0 : i32
      %dma_wait3A_86 = tpu.memref_slice %arg10[%add3A_16, %dma_wait3A_85] : memref<10240x128xf32, #tpu.memory_space<vmem_shared>> -> memref<64x128xf32, #tpu.memory_space<vmem_shared>>
      %dma_wait3A_87 = arith.constant 0 : i32
      %dma_wait3A_88 = tpu.memref_slice %arg10[%add3A_16, %dma_wait3A_87] : memref<10240x128xf32, #tpu.memory_space<vmem_shared>> -> memref<64x128xf32, #tpu.memory_space<vmem_shared>>
      tpu.wait_dma2 semaphore(%run_scoped3A_80 : memref<!tpu.dma_semaphore, #tpu.memory_space<semaphore_mem>>) src(%arg9 : memref<64x128xf32, #tpu.memory_space<vmem>>) dst(%dma_wait3A_88 : memref<64x128xf32, #tpu.memory_space<vmem_shared>>)
      tpu.yield
    }) : () -> ()
    %add3A_17 = arith.constant 448 : i32
    %add3A_18 = arith.addi %mul3A_2, %add3A_17 : i32
    "tpu.region"() ({
      %run_scoped3A_80 = tpu.sem_alloc : memref<!tpu.dma_semaphore, #tpu.memory_space<semaphore_mem>>
      %dma_start3A_81 = arith.constant 0 : i32
      %dma_start3A_82 = tpu.memref_slice %arg10[%add3A_18, %dma_start3A_81] : memref<10240x128xf32, #tpu.memory_space<vmem_shared>> -> memref<64x128xf32, #tpu.memory_space<vmem_shared>>
      %dma_start3A_83 = arith.constant 0 : i32
      %dma_start3A_84 = tpu.memref_slice %arg10[%add3A_18, %dma_start3A_83] : memref<10240x128xf32, #tpu.memory_space<vmem_shared>> -> memref<64x128xf32, #tpu.memory_space<vmem_shared>>
      tpu.enqueue_dma source(%arg9 : memref<64x128xf32, #tpu.memory_space<vmem>>) target(%dma_start3A_84 : memref<64x128xf32, #tpu.memory_space<vmem_shared>>) target_semaphore(%run_scoped3A_80 : memref<!tpu.dma_semaphore, #tpu.memory_space<semaphore_mem>>)
      %dma_wait3A_85 = arith.constant 0 : i32
      %dma_wait3A_86 = tpu.memref_slice %arg10[%add3A_18, %dma_wait3A_85] : memref<10240x128xf32, #tpu.memory_space<vmem_shared>> -> memref<64x128xf32, #tpu.memory_space<vmem_shared>>
      %dma_wait3A_87 = arith.constant 0 : i32
      %dma_wait3A_88 = tpu.memref_slice %arg10[%add3A_18, %dma_wait3A_87] : memref<10240x128xf32, #tpu.memory_space<vmem_shared>> -> memref<64x128xf32, #tpu.memory_space<vmem_shared>>
      tpu.wait_dma2 semaphore(%run_scoped3A_80 : memref<!tpu.dma_semaphore, #tpu.memory_space<semaphore_mem>>) src(%arg9 : memref<64x128xf32, #tpu.memory_space<vmem>>) dst(%dma_wait3A_88 : memref<64x128xf32, #tpu.memory_space<vmem_shared>>)
      tpu.yield
    }) : () -> ()
    %add3A_19 = arith.constant 512 : i32
    %add3A_20 = arith.addi %mul3A_2, %add3A_19 : i32
    "tpu.region"() ({
      %run_scoped3A_80 = tpu.sem_alloc : memref<!tpu.dma_semaphore, #tpu.memory_space<semaphore_mem>>
      %dma_start3A_81 = arith.constant 0 : i32
      %dma_start3A_82 = tpu.memref_slice %arg10[%add3A_20, %dma_start3A_81] : memref<10240x128xf32, #tpu.memory_space<vmem_shared>> -> memref<64x128xf32, #tpu.memory_space<vmem_shared>>
      %dma_start3A_83 = arith.constant 0 : i32
      %dma_start3A_84 = tpu.memref_slice %arg10[%add3A_20, %dma_start3A_83] : memref<10240x128xf32, #tpu.memory_space<vmem_shared>> -> memref<64x128xf32, #tpu.memory_space<vmem_shared>>
      tpu.enqueue_dma source(%arg9 : memref<64x128xf32, #tpu.memory_space<vmem>>) target(%dma_start3A_84 : memref<64x128xf32, #tpu.memory_space<vmem_shared>>) target_semaphore(%run_scoped3A_80 : memref<!tpu.dma_semaphore, #tpu.memory_space<semaphore_mem>>)
      %dma_wait3A_85 = arith.constant 0 : i32
      %dma_wait3A_86 = tpu.memref_slice %arg10[%add3A_20, %dma_wait3A_85] : memref<10240x128xf32, #tpu.memory_space<vmem_shared>> -> memref<64x128xf32, #tpu.memory_space<vmem_shared>>
      %dma_wait3A_87 = arith.constant 0 : i32
      %dma_wait3A_88 = tpu.memref_slice %arg10[%add3A_20, %dma_wait3A_87] : memref<10240x128xf32, #tpu.memory_space<vmem_shared>> -> memref<64x128xf32, #tpu.memory_space<vmem_shared>>
      tpu.wait_dma2 semaphore(%run_scoped3A_80 : memref<!tpu.dma_semaphore, #tpu.memory_space<semaphore_mem>>) src(%arg9 : memref<64x128xf32, #tpu.memory_space<vmem>>) dst(%dma_wait3A_88 : memref<64x128xf32, #tpu.memory_space<vmem_shared>>)
      tpu.yield
    }) : () -> ()
    %add3A_21 = arith.constant 576 : i32
    %add3A_22 = arith.addi %mul3A_2, %add3A_21 : i32
    "tpu.region"() ({
      %run_scoped3A_80 = tpu.sem_alloc : memref<!tpu.dma_semaphore, #tpu.memory_space<semaphore_mem>>
      %dma_start3A_81 = arith.constant 0 : i32
      %dma_start3A_82 = tpu.memref_slice %arg10[%add3A_22, %dma_start3A_81] : memref<10240x128xf32, #tpu.memory_space<vmem_shared>> -> memref<64x128xf32, #tpu.memory_space<vmem_shared>>
      %dma_start3A_83 = arith.constant 0 : i32
      %dma_start3A_84 = tpu.memref_slice %arg10[%add3A_22, %dma_start3A_83] : memref<10240x128xf32, #tpu.memory_space<vmem_shared>> -> memref<64x128xf32, #tpu.memory_space<vmem_shared>>
      tpu.enqueue_dma source(%arg9 : memref<64x128xf32, #tpu.memory_space<vmem>>) target(%dma_start3A_84 : memref<64x128xf32, #tpu.memory_space<vmem_shared>>) target_semaphore(%run_scoped3A_80 : memref<!tpu.dma_semaphore, #tpu.memory_space<semaphore_mem>>)
      %dma_wait3A_85 = arith.constant 0 : i32
      %dma_wait3A_86 = tpu.memref_slice %arg10[%add3A_22, %dma_wait3A_85] : memref<10240x128xf32, #tpu.memory_space<vmem_shared>> -> memref<64x128xf32, #tpu.memory_space<vmem_shared>>
      %dma_wait3A_87 = arith.constant 0 : i32
      %dma_wait3A_88 = tpu.memref_slice %arg10[%add3A_22, %dma_wait3A_87] : memref<10240x128xf32, #tpu.memory_space<vmem_shared>> -> memref<64x128xf32, #tpu.memory_space<vmem_shared>>
      tpu.wait_dma2 semaphore(%run_scoped3A_80 : memref<!tpu.dma_semaphore, #tpu.memory_space<semaphore_mem>>) src(%arg9 : memref<64x128xf32, #tpu.memory_space<vmem>>) dst(%dma_wait3A_88 : memref<64x128xf32, #tpu.memory_space<vmem_shared>>)
      tpu.yield
    }) : () -> ()
    %run_scoped3A = arith.constant 0 : i32
    %run_scoped3A_23 = arith.constant 0 : i32
    "tpu.region"() ({
      %run_scoped3A_80 = tpu.sem_alloc : memref<!tpu.dma_semaphore, #tpu.memory_space<semaphore_mem>>
      %dma_start3A_81 = arith.constant 0 : i32
      %dma_start3A_82 = arith.constant 0 : i32
      %dma_start3A_83 = tpu.memref_slice %arg6[%run_scoped3A_23, %dma_start3A_81, %dma_start3A_82] : memref<2x2x128xi32, #tpu.memory_space<vmem>> -> memref<1x2x128xi32, #tpu.memory_space<vmem>>
      %dma_start3A_84 = tpu.memref_squeeze %dma_start3A_83 : memref<1x2x128xi32, #tpu.memory_space<vmem>> -> memref<2x128xi32, #tpu.memory_space<vmem>>
      %dma_start3A_85 = arith.constant 0 : i32
      %dma_start3A_86 = arith.constant 0 : i32
      %dma_start3A_87 = tpu.memref_slice %arg3[%add3A, %run_scoped3A, %dma_start3A_85, %dma_start3A_86] : memref<32x80x2x128xi32, #tpu.memory_space<hbm>> -> memref<1x1x2x128xi32, #tpu.memory_space<hbm>>
      %dma_start3A_88 = tpu.memref_squeeze %dma_start3A_87 : memref<1x1x2x128xi32, #tpu.memory_space<hbm>> -> memref<2x128xi32, #tpu.memory_space<hbm>>
      %dma_start3A_89 = arith.constant 0 : i32
      %dma_start3A_90 = arith.constant 0 : i32
      %dma_start3A_91 = tpu.memref_slice %arg6[%run_scoped3A_23, %dma_start3A_89, %dma_start3A_90] : memref<2x2x128xi32, #tpu.memory_space<vmem>> -> memref<1x2x128xi32, #tpu.memory_space<vmem>>
      %dma_start3A_92 = tpu.memref_squeeze %dma_start3A_91 : memref<1x2x128xi32, #tpu.memory_space<vmem>> -> memref<2x128xi32, #tpu.memory_space<vmem>>
      %dma_start3A_93 = arith.constant 0 : i32
      %dma_start3A_94 = arith.constant 0 : i32
      %dma_start3A_95 = tpu.memref_slice %arg3[%add3A, %run_scoped3A, %dma_start3A_93, %dma_start3A_94] : memref<32x80x2x128xi32, #tpu.memory_space<hbm>> -> memref<1x1x2x128xi32, #tpu.memory_space<hbm>>
      %dma_start3A_96 = tpu.memref_squeeze %dma_start3A_95 : memref<1x1x2x128xi32, #tpu.memory_space<hbm>> -> memref<2x128xi32, #tpu.memory_space<hbm>>
      tpu.enqueue_dma source(%dma_start3A_96 : memref<2x128xi32, #tpu.memory_space<hbm>>) target(%dma_start3A_92 : memref<2x128xi32, #tpu.memory_space<vmem>>) target_semaphore(%run_scoped3A_80 : memref<!tpu.dma_semaphore, #tpu.memory_space<semaphore_mem>>)
      %dma_wait3A_97 = arith.constant 0 : i32
      %dma_wait3A_98 = arith.constant 0 : i32
      %dma_wait3A_99 = tpu.memref_slice %arg6[%run_scoped3A_23, %dma_wait3A_97, %dma_wait3A_98] : memref<2x2x128xi32, #tpu.memory_space<vmem>> -> memref<1x2x128xi32, #tpu.memory_space<vmem>>
      %dma_wait3A_100 = tpu.memref_squeeze %dma_wait3A_99 : memref<1x2x128xi32, #tpu.memory_space<vmem>> -> memref<2x128xi32, #tpu.memory_space<vmem>>
      %dma_wait3A_101 = arith.constant 0 : i32
      %dma_wait3A_102 = arith.constant 0 : i32
      %dma_wait3A_103 = tpu.memref_slice %arg3[%add3A, %run_scoped3A, %dma_wait3A_101, %dma_wait3A_102] : memref<32x80x2x128xi32, #tpu.memory_space<hbm>> -> memref<1x1x2x128xi32, #tpu.memory_space<hbm>>
      %dma_wait3A_104 = tpu.memref_squeeze %dma_wait3A_103 : memref<1x1x2x128xi32, #tpu.memory_space<hbm>> -> memref<2x128xi32, #tpu.memory_space<hbm>>
      %dma_wait3A_105 = arith.constant 0 : i32
      %dma_wait3A_106 = arith.constant 0 : i32
      %dma_wait3A_107 = tpu.memref_slice %arg6[%run_scoped3A_23, %dma_wait3A_105, %dma_wait3A_106] : memref<2x2x128xi32, #tpu.memory_space<vmem>> -> memref<1x2x128xi32, #tpu.memory_space<vmem>>
      %dma_wait3A_108 = tpu.memref_squeeze %dma_wait3A_107 : memref<1x2x128xi32, #tpu.memory_space<vmem>> -> memref<2x128xi32, #tpu.memory_space<vmem>>
      %dma_wait3A_109 = arith.constant 0 : i32
      %dma_wait3A_110 = arith.constant 0 : i32
      %dma_wait3A_111 = tpu.memref_slice %arg3[%add3A, %run_scoped3A, %dma_wait3A_109, %dma_wait3A_110] : memref<32x80x2x128xi32, #tpu.memory_space<hbm>> -> memref<1x1x2x128xi32, #tpu.memory_space<hbm>>
      %dma_wait3A_112 = tpu.memref_squeeze %dma_wait3A_111 : memref<1x1x2x128xi32, #tpu.memory_space<hbm>> -> memref<2x128xi32, #tpu.memory_space<hbm>>
      tpu.wait_dma2 semaphore(%run_scoped3A_80 : memref<!tpu.dma_semaphore, #tpu.memory_space<semaphore_mem>>) src(%dma_wait3A_112 : memref<2x128xi32, #tpu.memory_space<hbm>>) dst(%dma_wait3A_108 : memref<2x128xi32, #tpu.memory_space<vmem>>)
      tpu.yield
    }) : () -> ()
    %dma_start3A = arith.constant 1 : i32
    %dma_start3A_24 = arith.constant 1 : i32
    %dma_start3A_25 = arith.constant 0 : i32
    %dma_start3A_26 = arith.constant 0 : i32
    %dma_start3A_27 = tpu.memref_slice %arg6[%dma_start3A_24, %dma_start3A_25, %dma_start3A_26] : memref<2x2x128xi32, #tpu.memory_space<vmem>> -> memref<1x2x128xi32, #tpu.memory_space<vmem>>
    %dma_start3A_28 = tpu.memref_squeeze %dma_start3A_27 : memref<1x2x128xi32, #tpu.memory_space<vmem>> -> memref<2x128xi32, #tpu.memory_space<vmem>>
    %dma_start3A_29 = arith.constant 0 : i32
    %dma_start3A_30 = arith.constant 0 : i32
    %dma_start3A_31 = tpu.memref_slice %arg3[%add3A, %dma_start3A, %dma_start3A_29, %dma_start3A_30] : memref<32x80x2x128xi32, #tpu.memory_space<hbm>> -> memref<1x1x2x128xi32, #tpu.memory_space<hbm>>
    %dma_start3A_32 = tpu.memref_squeeze %dma_start3A_31 : memref<1x1x2x128xi32, #tpu.memory_space<hbm>> -> memref<2x128xi32, #tpu.memory_space<hbm>>
    %dma_start3A_33 = arith.constant 0 : i32
    %dma_start3A_34 = arith.constant 0 : i32
    %dma_start3A_35 = tpu.memref_slice %arg6[%dma_start3A_24, %dma_start3A_33, %dma_start3A_34] : memref<2x2x128xi32, #tpu.memory_space<vmem>> -> memref<1x2x128xi32, #tpu.memory_space<vmem>>
    %dma_start3A_36 = tpu.memref_squeeze %dma_start3A_35 : memref<1x2x128xi32, #tpu.memory_space<vmem>> -> memref<2x128xi32, #tpu.memory_space<vmem>>
    %dma_start3A_37 = arith.constant 0 : i32
    %dma_start3A_38 = arith.constant 0 : i32
    %dma_start3A_39 = tpu.memref_slice %arg3[%add3A, %dma_start3A, %dma_start3A_37, %dma_start3A_38] : memref<32x80x2x128xi32, #tpu.memory_space<hbm>> -> memref<1x1x2x128xi32, #tpu.memory_space<hbm>>
    %dma_start3A_40 = tpu.memref_squeeze %dma_start3A_39 : memref<1x1x2x128xi32, #tpu.memory_space<hbm>> -> memref<2x128xi32, #tpu.memory_space<hbm>>
    tpu.enqueue_dma source(%dma_start3A_40 : memref<2x128xi32, #tpu.memory_space<hbm>>) target(%dma_start3A_36 : memref<2x128xi32, #tpu.memory_space<vmem>>) target_semaphore(%arg12 : memref<!tpu.dma_semaphore, #tpu.memory_space<semaphore_mem>>)
    %barrier3A = arith.constant 0 : index
    tpu.barrier barrier_id(%barrier3A)
    %dma_start3A_41 = arith.constant 0 : i32
    %dma_start3A_42 = arith.constant 0 : i32
    %dma_start3A_43 = arith.constant 0 : i32
    %dma_start3A_44 = tpu.memref_slice %arg6[%dma_start3A_41, %dma_start3A_42, %dma_start3A_43] : memref<2x2x128xi32, #tpu.memory_space<vmem>> -> memref<1x1x128xi32, #tpu.memory_space<vmem>>
    %dma_start3A_45 = tpu.memref_squeeze %dma_start3A_44 : memref<1x1x128xi32, #tpu.memory_space<vmem>> -> memref<128xi32, #tpu.memory_space<vmem>>
    %dma_start3A_46 = arith.constant 0 : i32
    %dma_start3A_47 = arith.constant 0 : i32
    %dma_start3A_48 = tpu.memref_slice %arg2[%dma_start3A_46, %dma_start3A_47] : memref<10240x128xf32, #tpu.memory_space<hbm>> -> memref<10240x128xf32, #tpu.memory_space<hbm>>
    tpu.enqueue_indirect_dma source(%dma_start3A_48 : memref<10240x128xf32, #tpu.memory_space<hbm>>) target(%arg7 : memref<128x128xf32, #tpu.memory_space<vmem>>) offsets(%dma_start3A_45 : memref<128xi32, #tpu.memory_space<vmem>>) semaphore(%arg11 : memref<!tpu.dma_semaphore, #tpu.memory_space<semaphore_mem>>)
    %scan3A = arith.constant 0 : i32
    %scan3A_49 = arith.constant 0 : i32
    %scan3A_50 = arith.constant 40 : i32
    %scan3A_51 = arith.addi %scan3A_49, %scan3A_50 : i32
    %scan3A_52 = arith.constant 1 : i32
    scf.for %scan3A_80 = %scan3A_49 to %scan3A_51 step %scan3A_52  : i32 {
      %mul3A_81 = arith.constant 2 : i32
      %mul3A_82 = arith.muli %mul3A_81, %scan3A_80 : i32
      %add3A_83 = arith.constant 0 : i32
      %add3A_84 = arith.addi %mul3A_82, %add3A_83 : i32
      %add3A_85 = arith.constant 1 : i32
      %add3A_86 = arith.addi %add3A_84, %add3A_85 : i32
      %min3A = arith.constant 79 : i32
      %min3A_87 = arith.minsi %add3A_86, %min3A : i32
      %add3A_88 = arith.constant 2 : i32
      %add3A_89 = arith.addi %add3A_84, %add3A_88 : i32
      %min3A_90 = arith.constant 79 : i32
      %min3A_91 = arith.minsi %add3A_89, %min3A_90 : i32
      %dma_wait3A_92 = arith.constant 0 : i32
      %dma_wait3A_93 = arith.constant 0 : i32
      %dma_wait3A_94 = arith.constant 0 : i32
      %dma_wait3A_95 = tpu.memref_slice %arg6[%dma_wait3A_92, %dma_wait3A_93, %dma_wait3A_94] : memref<2x2x128xi32, #tpu.memory_space<vmem>> -> memref<1x1x128xi32, #tpu.memory_space<vmem>>
      %dma_wait3A_96 = tpu.memref_squeeze %dma_wait3A_95 : memref<1x1x128xi32, #tpu.memory_space<vmem>> -> memref<128xi32, #tpu.memory_space<vmem>>
      %dma_wait3A_97 = arith.constant 0 : i32
      %dma_wait3A_98 = arith.constant 0 : i32
      %dma_wait3A_99 = tpu.memref_slice %arg2[%dma_wait3A_97, %dma_wait3A_98] : memref<10240x128xf32, #tpu.memory_space<hbm>> -> memref<10240x128xf32, #tpu.memory_space<hbm>>
      tpu.wait_indirect_dma semaphore(%arg11 : memref<!tpu.dma_semaphore, #tpu.memory_space<semaphore_mem>>) src(%dma_wait3A_99 : memref<10240x128xf32, #tpu.memory_space<hbm>>) dst(%arg7 : memref<128x128xf32, #tpu.memory_space<vmem>>)
      %dma_wait3A_100 = arith.constant 0 : i32
      %dma_wait3A_101 = arith.constant 0 : i32
      %dma_wait3A_102 = arith.constant 0 : i32
      %dma_wait3A_103 = arith.constant 0 : i32
      %dma_wait3A_104 = tpu.memref_slice %arg6[%dma_wait3A_101, %dma_wait3A_102, %dma_wait3A_103] : memref<2x2x128xi32, #tpu.memory_space<vmem>> -> memref<1x2x128xi32, #tpu.memory_space<vmem>>
      %dma_wait3A_105 = tpu.memref_squeeze %dma_wait3A_104 : memref<1x2x128xi32, #tpu.memory_space<vmem>> -> memref<2x128xi32, #tpu.memory_space<vmem>>
      %dma_wait3A_106 = arith.constant 0 : i32
      %dma_wait3A_107 = arith.constant 0 : i32
      %dma_wait3A_108 = tpu.memref_slice %arg3[%add3A, %dma_wait3A_100, %dma_wait3A_106, %dma_wait3A_107] : memref<32x80x2x128xi32, #tpu.memory_space<hbm>> -> memref<1x1x2x128xi32, #tpu.memory_space<hbm>>
      %dma_wait3A_109 = tpu.memref_squeeze %dma_wait3A_108 : memref<1x1x2x128xi32, #tpu.memory_space<hbm>> -> memref<2x128xi32, #tpu.memory_space<hbm>>
      %dma_wait3A_110 = arith.constant 0 : i32
      %dma_wait3A_111 = arith.constant 0 : i32
      %dma_wait3A_112 = tpu.memref_slice %arg6[%dma_wait3A_101, %dma_wait3A_110, %dma_wait3A_111] : memref<2x2x128xi32, #tpu.memory_space<vmem>> -> memref<1x2x128xi32, #tpu.memory_space<vmem>>
      %dma_wait3A_113 = tpu.memref_squeeze %dma_wait3A_112 : memref<1x2x128xi32, #tpu.memory_space<vmem>> -> memref<2x128xi32, #tpu.memory_space<vmem>>
      %dma_wait3A_114 = arith.constant 0 : i32
      %dma_wait3A_115 = arith.constant 0 : i32
      %dma_wait3A_116 = tpu.memref_slice %arg3[%add3A, %dma_wait3A_100, %dma_wait3A_114, %dma_wait3A_115] : memref<32x80x2x128xi32, #tpu.memory_space<hbm>> -> memref<1x1x2x128xi32, #tpu.memory_space<hbm>>
      %dma_wait3A_117 = tpu.memref_squeeze %dma_wait3A_116 : memref<1x1x2x128xi32, #tpu.memory_space<hbm>> -> memref<2x128xi32, #tpu.memory_space<hbm>>
      tpu.wait_dma2 semaphore(%arg12 : memref<!tpu.dma_semaphore, #tpu.memory_space<semaphore_mem>>) src(%dma_wait3A_117 : memref<2x128xi32, #tpu.memory_space<hbm>>) dst(%dma_wait3A_113 : memref<2x128xi32, #tpu.memory_space<vmem>>)
      %dma_start3A_118 = arith.constant 1 : i32
      %dma_start3A_119 = arith.constant 0 : i32
      %dma_start3A_120 = arith.constant 0 : i32
      %dma_start3A_121 = tpu.memref_slice %arg6[%dma_start3A_118, %dma_start3A_119, %dma_start3A_120] : memref<2x2x128xi32, #tpu.memory_space<vmem>> -> memref<1x1x128xi32, #tpu.memory_space<vmem>>
      %dma_start3A_122 = tpu.memref_squeeze %dma_start3A_121 : memref<1x1x128xi32, #tpu.memory_space<vmem>> -> memref<128xi32, #tpu.memory_space<vmem>>
      %dma_start3A_123 = arith.constant 0 : i32
      %dma_start3A_124 = arith.constant 0 : i32
      %dma_start3A_125 = tpu.memref_slice %arg2[%dma_start3A_123, %dma_start3A_124] : memref<10240x128xf32, #tpu.memory_space<hbm>> -> memref<10240x128xf32, #tpu.memory_space<hbm>>
      tpu.enqueue_indirect_dma source(%dma_start3A_125 : memref<10240x128xf32, #tpu.memory_space<hbm>>) target(%arg8 : memref<128x128xf32, #tpu.memory_space<vmem>>) offsets(%dma_start3A_122 : memref<128xi32, #tpu.memory_space<vmem>>) semaphore(%arg11 : memref<!tpu.dma_semaphore, #tpu.memory_space<semaphore_mem>>)
      %run_scoped3A_126 = arith.constant 0 : i32
      %run_scoped3A_127 = arith.constant 1 : i32
      "tpu.region"() ({
        %run_scoped3A_210 = tpu.sem_alloc : memref<!tpu.dma_semaphore, #tpu.memory_space<semaphore_mem>>
        %dma_start3A_211 = arith.constant 0 : i32
        %dma_start3A_212 = tpu.memref_slice %arg6[%run_scoped3A_126, %run_scoped3A_127, %dma_start3A_211] : memref<2x2x128xi32, #tpu.memory_space<vmem>> -> memref<1x1x128xi32, #tpu.memory_space<vmem>>
        %dma_start3A_213 = tpu.memref_squeeze %dma_start3A_212 : memref<1x1x128xi32, #tpu.memory_space<vmem>> -> memref<128xi32, #tpu.memory_space<vmem>>
        %dma_start3A_214 = arith.constant 0 : i32
        %dma_start3A_215 = arith.constant 0 : i32
        %dma_start3A_216 = tpu.memref_slice %arg10[%dma_start3A_214, %dma_start3A_215] : memref<10240x128xf32, #tpu.memory_space<vmem_shared>> -> memref<10240x128xf32, #tpu.memory_space<vmem_shared>>
        tpu.enqueue_indirect_dma source(%arg7 : memref<128x128xf32, #tpu.memory_space<vmem>>) target(%dma_start3A_216 : memref<10240x128xf32, #tpu.memory_space<vmem_shared>>) offsets(%dma_start3A_213 : memref<128xi32, #tpu.memory_space<vmem>>) semaphore(%run_scoped3A_210 : memref<!tpu.dma_semaphore, #tpu.memory_space<semaphore_mem>>) {add = true}
        %dma_wait3A_217 = arith.constant 0 : i32
        %dma_wait3A_218 = tpu.memref_slice %arg6[%run_scoped3A_126, %run_scoped3A_127, %dma_wait3A_217] : memref<2x2x128xi32, #tpu.memory_space<vmem>> -> memref<1x1x128xi32, #tpu.memory_space<vmem>>
        %dma_wait3A_219 = tpu.memref_squeeze %dma_wait3A_218 : memref<1x1x128xi32, #tpu.memory_space<vmem>> -> memref<128xi32, #tpu.memory_space<vmem>>
        %dma_wait3A_220 = arith.constant 0 : i32
        %dma_wait3A_221 = arith.constant 0 : i32
        %dma_wait3A_222 = tpu.memref_slice %arg10[%dma_wait3A_220, %dma_wait3A_221] : memref<10240x128xf32, #tpu.memory_space<vmem_shared>> -> memref<10240x128xf32, #tpu.memory_space<vmem_shared>>
        tpu.wait_indirect_dma semaphore(%run_scoped3A_210 : memref<!tpu.dma_semaphore, #tpu.memory_space<semaphore_mem>>) src(%arg7 : memref<128x128xf32, #tpu.memory_space<vmem>>) dst(%dma_wait3A_222 : memref<10240x128xf32, #tpu.memory_space<vmem_shared>>)
        tpu.yield
      }) : () -> ()
      %dma_start3A_128 = arith.constant 0 : i32
      %dma_start3A_129 = arith.constant 0 : i32
      %dma_start3A_130 = arith.constant 0 : i32
      %dma_start3A_131 = tpu.memref_slice %arg6[%dma_start3A_128, %dma_start3A_129, %dma_start3A_130] : memref<2x2x128xi32, #tpu.memory_space<vmem>> -> memref<1x2x128xi32, #tpu.memory_space<vmem>>
      %dma_start3A_132 = tpu.memref_squeeze %dma_start3A_131 : memref<1x2x128xi32, #tpu.memory_space<vmem>> -> memref<2x128xi32, #tpu.memory_space<vmem>>
      %dma_start3A_133 = arith.constant 0 : i32
      %dma_start3A_134 = arith.constant 0 : i32
      %dma_start3A_135 = tpu.memref_slice %arg3[%add3A, %min3A_91, %dma_start3A_133, %dma_start3A_134] : memref<32x80x2x128xi32, #tpu.memory_space<hbm>> -> memref<1x1x2x128xi32, #tpu.memory_space<hbm>>
      %dma_start3A_136 = tpu.memref_squeeze %dma_start3A_135 : memref<1x1x2x128xi32, #tpu.memory_space<hbm>> -> memref<2x128xi32, #tpu.memory_space<hbm>>
      %dma_start3A_137 = arith.constant 0 : i32
      %dma_start3A_138 = arith.constant 0 : i32
      %dma_start3A_139 = tpu.memref_slice %arg6[%dma_start3A_128, %dma_start3A_137, %dma_start3A_138] : memref<2x2x128xi32, #tpu.memory_space<vmem>> -> memref<1x2x128xi32, #tpu.memory_space<vmem>>
      %dma_start3A_140 = tpu.memref_squeeze %dma_start3A_139 : memref<1x2x128xi32, #tpu.memory_space<vmem>> -> memref<2x128xi32, #tpu.memory_space<vmem>>
      %dma_start3A_141 = arith.constant 0 : i32
      %dma_start3A_142 = arith.constant 0 : i32
      %dma_start3A_143 = tpu.memref_slice %arg3[%add3A, %min3A_91, %dma_start3A_141, %dma_start3A_142] : memref<32x80x2x128xi32, #tpu.memory_space<hbm>> -> memref<1x1x2x128xi32, #tpu.memory_space<hbm>>
      %dma_start3A_144 = tpu.memref_squeeze %dma_start3A_143 : memref<1x1x2x128xi32, #tpu.memory_space<hbm>> -> memref<2x128xi32, #tpu.memory_space<hbm>>
      tpu.enqueue_dma source(%dma_start3A_144 : memref<2x128xi32, #tpu.memory_space<hbm>>) target(%dma_start3A_140 : memref<2x128xi32, #tpu.memory_space<vmem>>) target_semaphore(%arg12 : memref<!tpu.dma_semaphore, #tpu.memory_space<semaphore_mem>>)
      %mul3A_145 = arith.constant 2 : i32
      %mul3A_146 = arith.muli %mul3A_145, %scan3A_80 : i32
      %add3A_147 = arith.constant 1 : i32
      %add3A_148 = arith.addi %mul3A_146, %add3A_147 : i32
      %add3A_149 = arith.constant 1 : i32
      %add3A_150 = arith.addi %add3A_148, %add3A_149 : i32
      %min3A_151 = arith.constant 79 : i32
      %min3A_152 = arith.minsi %add3A_150, %min3A_151 : i32
      %add3A_153 = arith.constant 2 : i32
      %add3A_154 = arith.addi %add3A_148, %add3A_153 : i32
      %min3A_155 = arith.constant 79 : i32
      %min3A_156 = arith.minsi %add3A_154, %min3A_155 : i32
      %dma_wait3A_157 = arith.constant 0 : i32
      %dma_wait3A_158 = arith.constant 0 : i32
      %dma_wait3A_159 = arith.constant 0 : i32
      %dma_wait3A_160 = tpu.memref_slice %arg6[%dma_wait3A_157, %dma_wait3A_158, %dma_wait3A_159] : memref<2x2x128xi32, #tpu.memory_space<vmem>> -> memref<1x1x128xi32, #tpu.memory_space<vmem>>
      %dma_wait3A_161 = tpu.memref_squeeze %dma_wait3A_160 : memref<1x1x128xi32, #tpu.memory_space<vmem>> -> memref<128xi32, #tpu.memory_space<vmem>>
      %dma_wait3A_162 = arith.constant 0 : i32
      %dma_wait3A_163 = arith.constant 0 : i32
      %dma_wait3A_164 = tpu.memref_slice %arg2[%dma_wait3A_162, %dma_wait3A_163] : memref<10240x128xf32, #tpu.memory_space<hbm>> -> memref<10240x128xf32, #tpu.memory_space<hbm>>
      tpu.wait_indirect_dma semaphore(%arg11 : memref<!tpu.dma_semaphore, #tpu.memory_space<semaphore_mem>>) src(%dma_wait3A_164 : memref<10240x128xf32, #tpu.memory_space<hbm>>) dst(%arg8 : memref<128x128xf32, #tpu.memory_space<vmem>>)
      %dma_wait3A_165 = arith.constant 0 : i32
      %dma_wait3A_166 = arith.constant 0 : i32
      %dma_wait3A_167 = arith.constant 0 : i32
      %dma_wait3A_168 = arith.constant 0 : i32
      %dma_wait3A_169 = tpu.memref_slice %arg6[%dma_wait3A_166, %dma_wait3A_167, %dma_wait3A_168] : memref<2x2x128xi32, #tpu.memory_space<vmem>> -> memref<1x2x128xi32, #tpu.memory_space<vmem>>
      %dma_wait3A_170 = tpu.memref_squeeze %dma_wait3A_169 : memref<1x2x128xi32, #tpu.memory_space<vmem>> -> memref<2x128xi32, #tpu.memory_space<vmem>>
      %dma_wait3A_171 = arith.constant 0 : i32
      %dma_wait3A_172 = arith.constant 0 : i32
      %dma_wait3A_173 = tpu.memref_slice %arg3[%add3A, %dma_wait3A_165, %dma_wait3A_171, %dma_wait3A_172] : memref<32x80x2x128xi32, #tpu.memory_space<hbm>> -> memref<1x1x2x128xi32, #tpu.memory_space<hbm>>
      %dma_wait3A_174 = tpu.memref_squeeze %dma_wait3A_173 : memref<1x1x2x128xi32, #tpu.memory_space<hbm>> -> memref<2x128xi32, #tpu.memory_space<hbm>>
      %dma_wait3A_175 = arith.constant 0 : i32
      %dma_wait3A_176 = arith.constant 0 : i32
      %dma_wait3A_177 = tpu.memref_slice %arg6[%dma_wait3A_166, %dma_wait3A_175, %dma_wait3A_176] : memref<2x2x128xi32, #tpu.memory_space<vmem>> -> memref<1x2x128xi32, #tpu.memory_space<vmem>>
      %dma_wait3A_178 = tpu.memref_squeeze %dma_wait3A_177 : memref<1x2x128xi32, #tpu.memory_space<vmem>> -> memref<2x128xi32, #tpu.memory_space<vmem>>
      %dma_wait3A_179 = arith.constant 0 : i32
      %dma_wait3A_180 = arith.constant 0 : i32
      %dma_wait3A_181 = tpu.memref_slice %arg3[%add3A, %dma_wait3A_165, %dma_wait3A_179, %dma_wait3A_180] : memref<32x80x2x128xi32, #tpu.memory_space<hbm>> -> memref<1x1x2x128xi32, #tpu.memory_space<hbm>>
      %dma_wait3A_182 = tpu.memref_squeeze %dma_wait3A_181 : memref<1x1x2x128xi32, #tpu.memory_space<hbm>> -> memref<2x128xi32, #tpu.memory_space<hbm>>
      tpu.wait_dma2 semaphore(%arg12 : memref<!tpu.dma_semaphore, #tpu.memory_space<semaphore_mem>>) src(%dma_wait3A_182 : memref<2x128xi32, #tpu.memory_space<hbm>>) dst(%dma_wait3A_178 : memref<2x128xi32, #tpu.memory_space<vmem>>)
      %dma_start3A_183 = arith.constant 0 : i32
      %dma_start3A_184 = arith.constant 0 : i32
      %dma_start3A_185 = arith.constant 0 : i32
      %dma_start3A_186 = tpu.memref_slice %arg6[%dma_start3A_183, %dma_start3A_184, %dma_start3A_185] : memref<2x2x128xi32, #tpu.memory_space<vmem>> -> memref<1x1x128xi32, #tpu.memory_space<vmem>>
      %dma_start3A_187 = tpu.memref_squeeze %dma_start3A_186 : memref<1x1x128xi32, #tpu.memory_space<vmem>> -> memref<128xi32, #tpu.memory_space<vmem>>
      %dma_start3A_188 = arith.constant 0 : i32
      %dma_start3A_189 = arith.constant 0 : i32
      %dma_start3A_190 = tpu.memref_slice %arg2[%dma_start3A_188, %dma_start3A_189] : memref<10240x128xf32, #tpu.memory_space<hbm>> -> memref<10240x128xf32, #tpu.memory_space<hbm>>
      tpu.enqueue_indirect_dma source(%dma_start3A_190 : memref<10240x128xf32, #tpu.memory_space<hbm>>) target(%arg7 : memref<128x128xf32, #tpu.memory_space<vmem>>) offsets(%dma_start3A_187 : memref<128xi32, #tpu.memory_space<vmem>>) semaphore(%arg11 : memref<!tpu.dma_semaphore, #tpu.memory_space<semaphore_mem>>)
      %run_scoped3A_191 = arith.constant 1 : i32
      %run_scoped3A_192 = arith.constant 1 : i32
      "tpu.region"() ({
        %run_scoped3A_210 = tpu.sem_alloc : memref<!tpu.dma_semaphore, #tpu.memory_space<semaphore_mem>>
        %dma_start3A_211 = arith.constant 0 : i32
        %dma_start3A_212 = tpu.memref_slice %arg6[%run_scoped3A_191, %run_scoped3A_192, %dma_start3A_211] : memref<2x2x128xi32, #tpu.memory_space<vmem>> -> memref<1x1x128xi32, #tpu.memory_space<vmem>>
        %dma_start3A_213 = tpu.memref_squeeze %dma_start3A_212 : memref<1x1x128xi32, #tpu.memory_space<vmem>> -> memref<128xi32, #tpu.memory_space<vmem>>
        %dma_start3A_214 = arith.constant 0 : i32
        %dma_start3A_215 = arith.constant 0 : i32
        %dma_start3A_216 = tpu.memref_slice %arg10[%dma_start3A_214, %dma_start3A_215] : memref<10240x128xf32, #tpu.memory_space<vmem_shared>> -> memref<10240x128xf32, #tpu.memory_space<vmem_shared>>
        tpu.enqueue_indirect_dma source(%arg8 : memref<128x128xf32, #tpu.memory_space<vmem>>) target(%dma_start3A_216 : memref<10240x128xf32, #tpu.memory_space<vmem_shared>>) offsets(%dma_start3A_213 : memref<128xi32, #tpu.memory_space<vmem>>) semaphore(%run_scoped3A_210 : memref<!tpu.dma_semaphore, #tpu.memory_space<semaphore_mem>>) {add = true}
        %dma_wait3A_217 = arith.constant 0 : i32
        %dma_wait3A_218 = tpu.memref_slice %arg6[%run_scoped3A_191, %run_scoped3A_192, %dma_wait3A_217] : memref<2x2x128xi32, #tpu.memory_space<vmem>> -> memref<1x1x128xi32, #tpu.memory_space<vmem>>
        %dma_wait3A_219 = tpu.memref_squeeze %dma_wait3A_218 : memref<1x1x128xi32, #tpu.memory_space<vmem>> -> memref<128xi32, #tpu.memory_space<vmem>>
        %dma_wait3A_220 = arith.constant 0 : i32
        %dma_wait3A_221 = arith.constant 0 : i32
        %dma_wait3A_222 = tpu.memref_slice %arg10[%dma_wait3A_220, %dma_wait3A_221] : memref<10240x128xf32, #tpu.memory_space<vmem_shared>> -> memref<10240x128xf32, #tpu.memory_space<vmem_shared>>
        tpu.wait_indirect_dma semaphore(%run_scoped3A_210 : memref<!tpu.dma_semaphore, #tpu.memory_space<semaphore_mem>>) src(%arg8 : memref<128x128xf32, #tpu.memory_space<vmem>>) dst(%dma_wait3A_222 : memref<10240x128xf32, #tpu.memory_space<vmem_shared>>)
        tpu.yield
      }) : () -> ()
      %dma_start3A_193 = arith.constant 1 : i32
      %dma_start3A_194 = arith.constant 0 : i32
      %dma_start3A_195 = arith.constant 0 : i32
      %dma_start3A_196 = tpu.memref_slice %arg6[%dma_start3A_193, %dma_start3A_194, %dma_start3A_195] : memref<2x2x128xi32, #tpu.memory_space<vmem>> -> memref<1x2x128xi32, #tpu.memory_space<vmem>>
      %dma_start3A_197 = tpu.memref_squeeze %dma_start3A_196 : memref<1x2x128xi32, #tpu.memory_space<vmem>> -> memref<2x128xi32, #tpu.memory_space<vmem>>
      %dma_start3A_198 = arith.constant 0 : i32
      %dma_start3A_199 = arith.constant 0 : i32
      %dma_start3A_200 = tpu.memref_slice %arg3[%add3A, %min3A_156, %dma_start3A_198, %dma_start3A_199] : memref<32x80x2x128xi32, #tpu.memory_space<hbm>> -> memref<1x1x2x128xi32, #tpu.memory_space<hbm>>
      %dma_start3A_201 = tpu.memref_squeeze %dma_start3A_200 : memref<1x1x2x128xi32, #tpu.memory_space<hbm>> -> memref<2x128xi32, #tpu.memory_space<hbm>>
      %dma_start3A_202 = arith.constant 0 : i32
      %dma_start3A_203 = arith.constant 0 : i32
      %dma_start3A_204 = tpu.memref_slice %arg6[%dma_start3A_193, %dma_start3A_202, %dma_start3A_203] : memref<2x2x128xi32, #tpu.memory_space<vmem>> -> memref<1x2x128xi32, #tpu.memory_space<vmem>>
      %dma_start3A_205 = tpu.memref_squeeze %dma_start3A_204 : memref<1x2x128xi32, #tpu.memory_space<vmem>> -> memref<2x128xi32, #tpu.memory_space<vmem>>
      %dma_start3A_206 = arith.constant 0 : i32
      %dma_start3A_207 = arith.constant 0 : i32
      %dma_start3A_208 = tpu.memref_slice %arg3[%add3A, %min3A_156, %dma_start3A_206, %dma_start3A_207] : memref<32x80x2x128xi32, #tpu.memory_space<hbm>> -> memref<1x1x2x128xi32, #tpu.memory_space<hbm>>
      %dma_start3A_209 = tpu.memref_squeeze %dma_start3A_208 : memref<1x1x2x128xi32, #tpu.memory_space<hbm>> -> memref<2x128xi32, #tpu.memory_space<hbm>>
      tpu.enqueue_dma source(%dma_start3A_209 : memref<2x128xi32, #tpu.memory_space<hbm>>) target(%dma_start3A_205 : memref<2x128xi32, #tpu.memory_space<vmem>>) target_semaphore(%arg12 : memref<!tpu.dma_semaphore, #tpu.memory_space<semaphore_mem>>)
    }
    %scan3A_53 = arith.constant 40 : i32
    %dma_wait3A = arith.constant 0 : i32
    %dma_wait3A_54 = arith.constant 0 : i32
    %dma_wait3A_55 = arith.constant 0 : i32
    %dma_wait3A_56 = tpu.memref_slice %arg6[%dma_wait3A, %dma_wait3A_54, %dma_wait3A_55] : memref<2x2x128xi32, #tpu.memory_space<vmem>> -> memref<1x1x128xi32, #tpu.memory_space<vmem>>
    %dma_wait3A_57 = tpu.memref_squeeze %dma_wait3A_56 : memref<1x1x128xi32, #tpu.memory_space<vmem>> -> memref<128xi32, #tpu.memory_space<vmem>>
    %dma_wait3A_58 = arith.constant 0 : i32
    %dma_wait3A_59 = arith.constant 0 : i32
    %dma_wait3A_60 = tpu.memref_slice %arg2[%dma_wait3A_58, %dma_wait3A_59] : memref<10240x128xf32, #tpu.memory_space<hbm>> -> memref<10240x128xf32, #tpu.memory_space<hbm>>
    tpu.wait_indirect_dma semaphore(%arg11 : memref<!tpu.dma_semaphore, #tpu.memory_space<semaphore_mem>>) src(%dma_wait3A_60 : memref<10240x128xf32, #tpu.memory_space<hbm>>) dst(%arg7 : memref<128x128xf32, #tpu.memory_space<vmem>>)
    %dma_wait3A_61 = arith.constant 0 : i32
    %dma_wait3A_62 = arith.constant 0 : i32
    %dma_wait3A_63 = arith.constant 0 : i32
    %dma_wait3A_64 = arith.constant 0 : i32
    %dma_wait3A_65 = tpu.memref_slice %arg6[%dma_wait3A_62, %dma_wait3A_63, %dma_wait3A_64] : memref<2x2x128xi32, #tpu.memory_space<vmem>> -> memref<1x2x128xi32, #tpu.memory_space<vmem>>
    %dma_wait3A_66 = tpu.memref_squeeze %dma_wait3A_65 : memref<1x2x128xi32, #tpu.memory_space<vmem>> -> memref<2x128xi32, #tpu.memory_space<vmem>>
    %dma_wait3A_67 = arith.constant 0 : i32
    %dma_wait3A_68 = arith.constant 0 : i32
    %dma_wait3A_69 = tpu.memref_slice %arg3[%add3A, %dma_wait3A_61, %dma_wait3A_67, %dma_wait3A_68] : memref<32x80x2x128xi32, #tpu.memory_space<hbm>> -> memref<1x1x2x128xi32, #tpu.memory_space<hbm>>
    %dma_wait3A_70 = tpu.memref_squeeze %dma_wait3A_69 : memref<1x1x2x128xi32, #tpu.memory_space<hbm>> -> memref<2x128xi32, #tpu.memory_space<hbm>>
    %dma_wait3A_71 = arith.constant 0 : i32
    %dma_wait3A_72 = arith.constant 0 : i32
    %dma_wait3A_73 = tpu.memref_slice %arg6[%dma_wait3A_62, %dma_wait3A_71, %dma_wait3A_72] : memref<2x2x128xi32, #tpu.memory_space<vmem>> -> memref<1x2x128xi32, #tpu.memory_space<vmem>>
    %dma_wait3A_74 = tpu.memref_squeeze %dma_wait3A_73 : memref<1x2x128xi32, #tpu.memory_space<vmem>> -> memref<2x128xi32, #tpu.memory_space<vmem>>
    %dma_wait3A_75 = arith.constant 0 : i32
    %dma_wait3A_76 = arith.constant 0 : i32
    %dma_wait3A_77 = tpu.memref_slice %arg3[%add3A, %dma_wait3A_61, %dma_wait3A_75, %dma_wait3A_76] : memref<32x80x2x128xi32, #tpu.memory_space<hbm>> -> memref<1x1x2x128xi32, #tpu.memory_space<hbm>>
    %dma_wait3A_78 = tpu.memref_squeeze %dma_wait3A_77 : memref<1x1x2x128xi32, #tpu.memory_space<hbm>> -> memref<2x128xi32, #tpu.memory_space<hbm>>
    tpu.wait_dma2 semaphore(%arg12 : memref<!tpu.dma_semaphore, #tpu.memory_space<semaphore_mem>>) src(%dma_wait3A_78 : memref<2x128xi32, #tpu.memory_space<hbm>>) dst(%dma_wait3A_74 : memref<2x128xi32, #tpu.memory_space<vmem>>)
    %barrier3A_79 = arith.constant 0 : index
    tpu.barrier barrier_id(%barrier3A_79)
    "tpu.region"() ({
      %run_scoped3A_80 = tpu.sem_alloc : memref<!tpu.dma_semaphore, #tpu.memory_space<semaphore_mem>>
      %dma_start3A_81 = arith.constant 0 : i32
      %dma_start3A_82 = tpu.memref_slice %arg5[%arg0, %mul3A_2, %dma_start3A_81] : memref<2x10240x128xf32, #tpu.memory_space<hbm>> -> memref<1x640x128xf32, #tpu.memory_space<hbm>>
      %dma_start3A_83 = tpu.memref_squeeze %dma_start3A_82 : memref<1x640x128xf32, #tpu.memory_space<hbm>> -> memref<640x128xf32, #tpu.memory_space<hbm>>
      %dma_start3A_84 = arith.constant 0 : i32
      %dma_start3A_85 = tpu.memref_slice %arg10[%mul3A_2, %dma_start3A_84] : memref<10240x128xf32, #tpu.memory_space<vmem_shared>> -> memref<640x128xf32, #tpu.memory_space<vmem_shared>>
      tpu.enqueue_dma source(%dma_start3A_85 : memref<640x128xf32, #tpu.memory_space<vmem_shared>>) target(%dma_start3A_83 : memref<640x128xf32, #tpu.memory_space<hbm>>) target_semaphore(%run_scoped3A_80 : memref<!tpu.dma_semaphore, #tpu.memory_space<semaphore_mem>>)
      %dma_wait3A_86 = arith.constant 0 : i32
      %dma_wait3A_87 = tpu.memref_slice %arg5[%arg0, %mul3A_2, %dma_wait3A_86] : memref<2x10240x128xf32, #tpu.memory_space<hbm>> -> memref<1x640x128xf32, #tpu.memory_space<hbm>>
      %dma_wait3A_88 = tpu.memref_squeeze %dma_wait3A_87 : memref<1x640x128xf32, #tpu.memory_space<hbm>> -> memref<640x128xf32, #tpu.memory_space<hbm>>
      %dma_wait3A_89 = arith.constant 0 : i32
      %dma_wait3A_90 = tpu.memref_slice %arg10[%mul3A_2, %dma_wait3A_89] : memref<10240x128xf32, #tpu.memory_space<vmem_shared>> -> memref<640x128xf32, #tpu.memory_space<vmem_shared>>
      tpu.wait_dma2 semaphore(%run_scoped3A_80 : memref<!tpu.dma_semaphore, #tpu.memory_space<semaphore_mem>>) src(%dma_wait3A_90 : memref<640x128xf32, #tpu.memory_space<vmem_shared>>) dst(%dma_wait3A_88 : memref<640x128xf32, #tpu.memory_space<hbm>>)
      tpu.yield
    }) : () -> ()
    return
  }
}

module attributes {stable_mosaic.version = 14 : i64} {
  func.func @body(%arg0: i32, %arg1: memref<1280x128xf32, #tpu.memory_space<vmem>>, %arg2: memref<128x128xf32, #tpu.memory_space<vmem>>, %arg3: memref<32x1280xf32, #tpu.memory_space<vmem>>, %arg4: memref<1280x128xf32, #tpu.memory_space<vmem>>, %arg5: memref<1280x8xf32, #tpu.memory_space<vmem>>) attributes {dimension_semantics = [#tpu.dimension_semantics<arbitrary>], iteration_bounds = array<i64: 8>, scalar_prefetch = 0 : i64, scratch_operands = 0 : i64, tpu.core_type = #tpu.core_type<tc>, window_params = [{transform_indices = @transform_0, window_bounds = array<i64: 1280, 128>}, {pipeline_mode = #tpu.pipeline_mode<synchronous>, transform_indices = @transform_1, window_bounds = array<i64: 128, 128>}, {transform_indices = @transform_2, window_bounds = array<i64: 32, 1280>}, {transform_indices = @transform_3, window_bounds = array<i64: 1280, 128>}, {transform_indices = @transform_4, window_bounds = array<i64: 1280, 8>}]} {
    %get3A = arith.constant 0 : index
    %get3A_0 = arith.constant 0 : index
    %get3A_1 = vector.load %arg3[%get3A, %get3A_0] : memref<32x1280xf32, #tpu.memory_space<vmem>>, vector<32x1280xf32>
    %broadcast_in_dim3A = arith.constant 1.000000e+00 : f32
    %broadcast_in_dim3A_2 = vector.broadcast %broadcast_in_dim3A : f32 to vector<32x1xf32>
    %dot_general3A = arith.constant dense<0.000000e+00> : vector<1280x1xf32>
    %dot_general3A_3 = tpu.matmul %get3A_1, %broadcast_in_dim3A_2, %dot_general3A {dimension_numbers = #tpu.dot_dimension_numbers<[0], [0], [1], [1], [0, 1, 1, 1], [], []>, transpose_lhs_hint = false} : vector<32x1280xf32>, vector<32x1xf32>, vector<1280x1xf32> -> vector<1280x1xf32>
    %add3A = arith.constant 1.000000e+00 : f32
    %add3A_4 = vector.broadcast %add3A : f32 to vector<1280x1xf32>
    %add3A_5 = arith.addf %dot_general3A_3, %add3A_4 : vector<1280x1xf32>
    %sqrt3A = math.sqrt %add3A_5 : vector<1280x1xf32>
    %div3A = arith.constant 1.000000e+00 : f32
    %div3A_6 = vector.broadcast %div3A : f32 to vector<1280x1xf32>
    %div3A_7 = arith.divf %div3A_6, %sqrt3A : vector<1280x1xf32>
    %get3A_8 = arith.constant 0 : index
    %get3A_9 = arith.constant 0 : index
    %get3A_10 = vector.load %arg1[%get3A_8, %get3A_9] : memref<1280x128xf32, #tpu.memory_space<vmem>>, vector<1280x128xf32>
    %get3A_11 = arith.constant 0 : index
    %get3A_12 = arith.constant 0 : index
    %get3A_13 = vector.load %arg2[%get3A_11, %get3A_12] : memref<128x128xf32, #tpu.memory_space<vmem>>, vector<128x128xf32>
    %dot_general3A_14 = arith.constant dense<0.000000e+00> : vector<1280x128xf32>
    %dot_general3A_15 = tpu.matmul %get3A_10, %get3A_13, %dot_general3A_14 {dimension_numbers = #tpu.dot_dimension_numbers<[1], [0], [0], [1], [0, 0, 1, 1], [], []>, transpose_lhs_hint = false} : vector<1280x128xf32>, vector<128x128xf32>, vector<1280x128xf32> -> vector<1280x128xf32>
    %mul3A = vector.broadcast %div3A_7 : vector<1280x1xf32> to vector<1280x128xf32>
    %mul3A_16 = arith.mulf %dot_general3A_15, %mul3A : vector<1280x128xf32>
    %swap3A = arith.constant 0 : index
    %swap3A_17 = arith.constant 0 : index
    %swap3A_18 = vector.load %arg4[%swap3A, %swap3A_17] : memref<1280x128xf32, #tpu.memory_space<vmem>>, vector<1280x128xf32>
    tpu.vector_store %arg4[%swap3A, %swap3A_17], %mul3A_16 {strides = array<i32>} : memref<1280x128xf32, #tpu.memory_space<vmem>>, vector<1280x128xf32>,
    %broadcast_in_dim3A_19 = vector.shape_cast %div3A_7 : vector<1280x1xf32> to vector<1280x1xf32>
    %broadcast_in_dim3A_20 = vector.broadcast %broadcast_in_dim3A_19 : vector<1280x1xf32> to vector<1280x8xf32>
    %swap3A_21 = arith.constant 0 : index
    %swap3A_22 = arith.constant 0 : index
    %swap3A_23 = vector.load %arg5[%swap3A_21, %swap3A_22] : memref<1280x8xf32, #tpu.memory_space<vmem>>, vector<1280x8xf32>
    tpu.vector_store %arg5[%swap3A_21, %swap3A_22], %broadcast_in_dim3A_20 {strides = array<i32>} : memref<1280x8xf32, #tpu.memory_space<vmem>>, vector<1280x8xf32>,
    return
  }
  func.func @transform_0(%arg0: i32) -> (i32, i32) {
    %c0_i32 = arith.constant 0 : i32
    %c0_i32_0 = arith.constant 0 : i32
    return %arg0, %c0_i32 : i32, i32
  }
  func.func @transform_1(%arg0: i32) -> (i32, i32) {
    %c0_i32 = arith.constant 0 : i32
    %c0_i32_0 = arith.constant 0 : i32
    %c0_i32_1 = arith.constant 0 : i32
    return %c0_i32, %c0_i32_0 : i32, i32
  }
  func.func @transform_2(%arg0: i32) -> (i32, i32) {
    %c0_i32 = arith.constant 0 : i32
    %c0_i32_0 = arith.constant 0 : i32
    return %c0_i32, %arg0 : i32, i32
  }
  func.func @transform_3(%arg0: i32) -> (i32, i32) {
    %c0_i32 = arith.constant 0 : i32
    %c0_i32_0 = arith.constant 0 : i32
    return %arg0, %c0_i32 : i32, i32
  }
  func.func @transform_4(%arg0: i32) -> (i32, i32) {
    %c0_i32 = arith.constant 0 : i32
    %c0_i32_0 = arith.constant 0 : i32
    return %arg0, %c0_i32 : i32, i32
  }
}

module attributes {stable_mosaic.version = 14 : i64} {
  func.func @body(%arg0: i32, %arg1: memref<2x1280x128xf32, #tpu.memory_space<vmem>>, %arg2: memref<1280x128xf32, #tpu.memory_space<vmem>>, %arg3: memref<1280x8xf32, #tpu.memory_space<vmem>>, %arg4: memref<1x128xf32, #tpu.memory_space<vmem>>, %arg5: memref<128x128xf32, #tpu.memory_space<vmem>>, %arg6: memref<1280x128xf32, #tpu.memory_space<vmem>>) attributes {dimension_semantics = [#tpu.dimension_semantics<arbitrary>], iteration_bounds = array<i64: 8>, scalar_prefetch = 0 : i64, scratch_operands = 0 : i64, tpu.core_type = #tpu.core_type<tc>, window_params = [{transform_indices = @transform_0, window_bounds = array<i64: 2, 1280, 128>}, {transform_indices = @transform_1, window_bounds = array<i64: 1280, 128>}, {transform_indices = @transform_2, window_bounds = array<i64: 1280, 8>}, {pipeline_mode = #tpu.pipeline_mode<synchronous>, transform_indices = @transform_3, window_bounds = array<i64: 1, 128>}, {pipeline_mode = #tpu.pipeline_mode<synchronous>, transform_indices = @transform_4, window_bounds = array<i64: 128, 128>}, {transform_indices = @transform_5, window_bounds = array<i64: 1280, 128>}]} {
    %get3A = arith.constant 0 : index
    %get3A_0 = arith.constant 0 : index
    %get3A_1 = vector.load %arg3[%get3A, %get3A_0] : memref<1280x8xf32, #tpu.memory_space<vmem>>, vector<1280x1xf32>
    %get3A_2 = arith.constant 0 : index
    %get3A_3 = arith.constant 0 : index
    %get3A_4 = arith.constant 0 : index
    %get3A_5 = vector.load %arg1[%get3A_2, %get3A_3, %get3A_4] : memref<2x1280x128xf32, #tpu.memory_space<vmem>>, vector<1x1280x128xf32>
    %get3A_6 = vector.shape_cast %get3A_5 : vector<1x1280x128xf32> to vector<1280x128xf32>
    %get3A_7 = arith.constant 1 : index
    %get3A_8 = arith.constant 0 : index
    %get3A_9 = arith.constant 0 : index
    %get3A_10 = vector.load %arg1[%get3A_7, %get3A_8, %get3A_9] : memref<2x1280x128xf32, #tpu.memory_space<vmem>>, vector<1x1280x128xf32>
    %get3A_11 = vector.shape_cast %get3A_10 : vector<1x1280x128xf32> to vector<1280x128xf32>
    %add3A = arith.addf %get3A_6, %get3A_11 : vector<1280x128xf32>
    %get3A_12 = arith.constant 0 : index
    %get3A_13 = arith.constant 0 : index
    %get3A_14 = vector.load %arg2[%get3A_12, %get3A_13] : memref<1280x128xf32, #tpu.memory_space<vmem>>, vector<1280x128xf32>
    %add3A_15 = arith.addf %add3A, %get3A_14 : vector<1280x128xf32>
    %mul3A = vector.broadcast %get3A_1 : vector<1280x1xf32> to vector<1280x128xf32>
    %mul3A_16 = arith.mulf %add3A_15, %mul3A : vector<1280x128xf32>
    %get3A_17 = arith.constant 0 : index
    %get3A_18 = arith.constant 0 : index
    %get3A_19 = vector.load %arg4[%get3A_17, %get3A_18] : memref<1x128xf32, #tpu.memory_space<vmem>>, vector<1x128xf32>
    %add3A_20 = vector.broadcast %get3A_19 : vector<1x128xf32> to vector<1280x128xf32>
    %add3A_21 = arith.addf %mul3A_16, %add3A_20 : vector<1280x128xf32>
    %max3A = arith.constant 0.000000e+00 : f32
    %max3A_22 = vector.broadcast %max3A : f32 to vector<1280x128xf32>
    %max3A_23 = arith.maximumf %add3A_21, %max3A_22 : vector<1280x128xf32>
    %get3A_24 = arith.constant 0 : index
    %get3A_25 = arith.constant 0 : index
    %get3A_26 = vector.load %arg5[%get3A_24, %get3A_25] : memref<128x128xf32, #tpu.memory_space<vmem>>, vector<128x128xf32>
    %dot_general3A = arith.constant dense<0.000000e+00> : vector<1280x128xf32>
    %dot_general3A_27 = tpu.matmul %max3A_23, %get3A_26, %dot_general3A {dimension_numbers = #tpu.dot_dimension_numbers<[1], [0], [0], [1], [0, 0, 1, 1], [], []>, transpose_lhs_hint = false} : vector<1280x128xf32>, vector<128x128xf32>, vector<1280x128xf32> -> vector<1280x128xf32>
    %mul3A_28 = vector.broadcast %get3A_1 : vector<1280x1xf32> to vector<1280x128xf32>
    %mul3A_29 = arith.mulf %dot_general3A_27, %mul3A_28 : vector<1280x128xf32>
    %swap3A = arith.constant 0 : index
    %swap3A_30 = arith.constant 0 : index
    %swap3A_31 = vector.load %arg6[%swap3A, %swap3A_30] : memref<1280x128xf32, #tpu.memory_space<vmem>>, vector<1280x128xf32>
    tpu.vector_store %arg6[%swap3A, %swap3A_30], %mul3A_29 {strides = array<i32>} : memref<1280x128xf32, #tpu.memory_space<vmem>>, vector<1280x128xf32>,
    return
  }
  func.func @transform_0(%arg0: i32) -> (i32, i32, i32) {
    %c0_i32 = arith.constant 0 : i32
    %c0_i32_0 = arith.constant 0 : i32
    %c0_i32_1 = arith.constant 0 : i32
    return %c0_i32, %arg0, %c0_i32_0 : i32, i32, i32
  }
  func.func @transform_1(%arg0: i32) -> (i32, i32) {
    %c0_i32 = arith.constant 0 : i32
    %c0_i32_0 = arith.constant 0 : i32
    return %arg0, %c0_i32 : i32, i32
  }
  func.func @transform_2(%arg0: i32) -> (i32, i32) {
    %c0_i32 = arith.constant 0 : i32
    %c0_i32_0 = arith.constant 0 : i32
    return %arg0, %c0_i32 : i32, i32
  }
  func.func @transform_3(%arg0: i32) -> (i32, i32) {
    %c0_i32 = arith.constant 0 : i32
    %c0_i32_0 = arith.constant 0 : i32
    %c0_i32_1 = arith.constant 0 : i32
    return %c0_i32, %c0_i32_0 : i32, i32
  }
  func.func @transform_4(%arg0: i32) -> (i32, i32) {
    %c0_i32 = arith.constant 0 : i32
    %c0_i32_0 = arith.constant 0 : i32
    %c0_i32_1 = arith.constant 0 : i32
    return %c0_i32, %c0_i32_0 : i32, i32
  }
  func.func @transform_5(%arg0: i32) -> (i32, i32) {
    %c0_i32 = arith.constant 0 : i32
    %c0_i32_0 = arith.constant 0 : i32
    return %arg0, %c0_i32 : i32, i32
  }
}

module attributes {stable_mosaic.version = 14 : i64} {
  func.func @body(%arg0: i32, %arg1: memref<2x1280x128xf32, #tpu.memory_space<vmem>>, %arg2: memref<1280x128xf32, #tpu.memory_space<vmem>>, %arg3: memref<1280x8xf32, #tpu.memory_space<vmem>>, %arg4: memref<1x128xf32, #tpu.memory_space<vmem>>, %arg5: memref<1280x1xi32, #tpu.memory_space<vmem>>, %arg6: memref<128x512xf32, #tpu.memory_space<vmem>>, %arg7: memref<1x512xf32, #tpu.memory_space<vmem>>, %arg8: memref<512x256xf32, #tpu.memory_space<vmem>>, %arg9: memref<1x256xf32, #tpu.memory_space<vmem>>, %arg10: memref<256x128xf32, #tpu.memory_space<vmem>>, %arg11: memref<1x128xf32, #tpu.memory_space<vmem>>, %arg12: memref<128x32xf32, #tpu.memory_space<vmem>>, %arg13: memref<1x32xf32, #tpu.memory_space<vmem>>, %arg14: memref<64x128xf32, #tpu.memory_space<vmem>>, %arg15: memref<64x32xf32, #tpu.memory_space<vmem>>, %arg16: memref<64x128xf32, #tpu.memory_space<vmem>>, %arg17: memref<64x8xf32, #tpu.memory_space<vmem>>) attributes {dimension_semantics = [#tpu.dimension_semantics<arbitrary>], iteration_bounds = array<i64: 8>, scalar_prefetch = 0 : i64, scratch_operands = 2 : i64, tpu.core_type = #tpu.core_type<tc>, window_params = [{transform_indices = @transform_0, window_bounds = array<i64: 2, 1280, 128>}, {transform_indices = @transform_1, window_bounds = array<i64: 1280, 128>}, {transform_indices = @transform_2, window_bounds = array<i64: 1280, 8>}, {pipeline_mode = #tpu.pipeline_mode<synchronous>, transform_indices = @transform_3, window_bounds = array<i64: 1, 128>}, {transform_indices = @transform_4, window_bounds = array<i64: 1280, 1>}, {pipeline_mode = #tpu.pipeline_mode<synchronous>, transform_indices = @transform_5, window_bounds = array<i64: 128, 512>}, {pipeline_mode = #tpu.pipeline_mode<synchronous>, transform_indices = @transform_6, window_bounds = array<i64: 1, 512>}, {pipeline_mode = #tpu.pipeline_mode<synchronous>, transform_indices = @transform_7, window_bounds = array<i64: 512, 256>}, {pipeline_mode = #tpu.pipeline_mode<synchronous>, transform_indices = @transform_8, window_bounds = array<i64: 1, 256>}, {pipeline_mode = #tpu.pipeline_mode<synchronous>, transform_indices = @transform_9, window_bounds = array<i64: 256, 128>}, {pipeline_mode = #tpu.pipeline_mode<synchronous>, transform_indices = @transform_10, window_bounds = array<i64: 1, 128>}, {pipeline_mode = #tpu.pipeline_mode<synchronous>, transform_indices = @transform_11, window_bounds = array<i64: 128, 32>}, {pipeline_mode = #tpu.pipeline_mode<synchronous>, transform_indices = @transform_12, window_bounds = array<i64: 1, 32>}, {pipeline_mode = #tpu.pipeline_mode<synchronous>, transform_indices = @transform_13, window_bounds = array<i64: 64, 128>}, {pipeline_mode = #tpu.pipeline_mode<synchronous>, transform_indices = @transform_14, window_bounds = array<i64: 64, 32>}]} {
    %eq3A = arith.constant 0 : i32
    %eq3A_0 = arith.cmpi eq, %arg0, %eq3A : i32
    %convert_element_type3A = arith.extui %eq3A_0 : i1 to i32
    %cond3A = arith.constant 0 : i32
    %cond3A_1 = arith.cmpi ne, %convert_element_type3A, %cond3A : i32
    scf.if %cond3A_1 {
      %broadcast_in_dim3A_53 = arith.constant 0.000000e+00 : f32
      %broadcast_in_dim3A_54 = vector.broadcast %broadcast_in_dim3A_53 : f32 to vector<64x128xf32>
      %swap3A_55 = arith.constant 0 : index
      %swap3A_56 = arith.constant 0 : index
      %swap3A_57 = vector.load %arg16[%swap3A_55, %swap3A_56] : memref<64x128xf32, #tpu.memory_space<vmem>>, vector<64x128xf32>
      tpu.vector_store %arg16[%swap3A_55, %swap3A_56], %broadcast_in_dim3A_54 {strides = array<i32>} : memref<64x128xf32, #tpu.memory_space<vmem>>, vector<64x128xf32>,
      %broadcast_in_dim3A_58 = arith.constant 0.000000e+00 : f32
      %broadcast_in_dim3A_59 = vector.broadcast %broadcast_in_dim3A_58 : f32 to vector<64x8xf32>
      %swap3A_60 = arith.constant 0 : index
      %swap3A_61 = arith.constant 0 : index
      %swap3A_62 = vector.load %arg17[%swap3A_60, %swap3A_61] : memref<64x8xf32, #tpu.memory_space<vmem>>, vector<64x8xf32>
      tpu.vector_store %arg17[%swap3A_60, %swap3A_61], %broadcast_in_dim3A_59 {strides = array<i32>} : memref<64x8xf32, #tpu.memory_space<vmem>>, vector<64x8xf32>,
    } else {
    }
    %get3A = arith.constant 0 : index
    %get3A_2 = arith.constant 0 : index
    %get3A_3 = vector.load %arg3[%get3A, %get3A_2] : memref<1280x8xf32, #tpu.memory_space<vmem>>, vector<1280x1xf32>
    %get3A_4 = arith.constant 0 : index
    %get3A_5 = arith.constant 0 : index
    %get3A_6 = arith.constant 0 : index
    %get3A_7 = vector.load %arg1[%get3A_4, %get3A_5, %get3A_6] : memref<2x1280x128xf32, #tpu.memory_space<vmem>>, vector<1x1280x128xf32>
    %get3A_8 = vector.shape_cast %get3A_7 : vector<1x1280x128xf32> to vector<1280x128xf32>
    %get3A_9 = arith.constant 1 : index
    %get3A_10 = arith.constant 0 : index
    %get3A_11 = arith.constant 0 : index
    %get3A_12 = vector.load %arg1[%get3A_9, %get3A_10, %get3A_11] : memref<2x1280x128xf32, #tpu.memory_space<vmem>>, vector<1x1280x128xf32>
    %get3A_13 = vector.shape_cast %get3A_12 : vector<1x1280x128xf32> to vector<1280x128xf32>
    %add3A = arith.addf %get3A_8, %get3A_13 : vector<1280x128xf32>
    %get3A_14 = arith.constant 0 : index
    %get3A_15 = arith.constant 0 : index
    %get3A_16 = vector.load %arg2[%get3A_14, %get3A_15] : memref<1280x128xf32, #tpu.memory_space<vmem>>, vector<1280x128xf32>
    %add3A_17 = arith.addf %add3A, %get3A_16 : vector<1280x128xf32>
    %mul3A = vector.broadcast %get3A_3 : vector<1280x1xf32> to vector<1280x128xf32>
    %mul3A_18 = arith.mulf %add3A_17, %mul3A : vector<1280x128xf32>
    %get3A_19 = arith.constant 0 : index
    %get3A_20 = arith.constant 0 : index
    %get3A_21 = vector.load %arg4[%get3A_19, %get3A_20] : memref<1x128xf32, #tpu.memory_space<vmem>>, vector<1x128xf32>
    %add3A_22 = vector.broadcast %get3A_21 : vector<1x128xf32> to vector<1280x128xf32>
    %add3A_23 = arith.addf %mul3A_18, %add3A_22 : vector<1280x128xf32>
    %get3A_24 = arith.constant 0 : index
    %get3A_25 = arith.constant 0 : index
    %get3A_26 = vector.load %arg5[%get3A_24, %get3A_25] : memref<1280x1xi32, #tpu.memory_space<vmem>>, vector<1280x1xi32>
    %iota3A = tpu.iota {dimensions = array<i32: 1>} : vector<1280x64xi32>
    %eq3A_27 = vector.broadcast %get3A_26 : vector<1280x1xi32> to vector<1280x64xi32>
    %eq3A_28 = arith.cmpi eq, %eq3A_27, %iota3A : vector<1280x64xi32>
    %convert_element_type3A_29 = arith.extui %eq3A_28 : vector<1280x64xi1> to vector<1280x64xi32>
    %convert_element_type3A_30 = arith.sitofp %convert_element_type3A_29 : vector<1280x64xi32> to vector<1280x64xf32>
    %get3A_31 = arith.constant 0 : index
    %get3A_32 = arith.constant 0 : index
    %get3A_33 = vector.load %arg16[%get3A_31, %get3A_32] : memref<64x128xf32, #tpu.memory_space<vmem>>, vector<64x128xf32>
    %dot_general3A = arith.constant dense<0.000000e+00> : vector<64x128xf32>
    %dot_general3A_34 = tpu.matmul %convert_element_type3A_30, %add3A_23, %dot_general3A {dimension_numbers = #tpu.dot_dimension_numbers<[0], [0], [1], [1], [0, 1, 1, 1], [], []>, transpose_lhs_hint = false} : vector<1280x64xf32>, vector<1280x128xf32>, vector<64x128xf32> -> vector<64x128xf32>
    %add3A_35 = arith.addf %get3A_33, %dot_general3A_34 : vector<64x128xf32>
    %swap3A = arith.constant 0 : index
    %swap3A_36 = arith.constant 0 : index
    %swap3A_37 = vector.load %arg16[%swap3A, %swap3A_36] : memref<64x128xf32, #tpu.memory_space<vmem>>, vector<64x128xf32>
    tpu.vector_store %arg16[%swap3A, %swap3A_36], %add3A_35 {strides = array<i32>} : memref<64x128xf32, #tpu.memory_space<vmem>>, vector<64x128xf32>,
    %get3A_38 = arith.constant 0 : index
    %get3A_39 = arith.constant 0 : index
    %get3A_40 = vector.load %arg17[%get3A_38, %get3A_39] : memref<64x8xf32, #tpu.memory_space<vmem>>, vector<64x8xf32>
    %broadcast_in_dim3A = arith.constant 1.000000e+00 : f32
    %broadcast_in_dim3A_41 = vector.broadcast %broadcast_in_dim3A : f32 to vector<1280x8xf32>
    %dot_general3A_42 = arith.constant dense<0.000000e+00> : vector<64x8xf32>
    %dot_general3A_43 = tpu.matmul %convert_element_type3A_30, %broadcast_in_dim3A_41, %dot_general3A_42 {dimension_numbers = #tpu.dot_dimension_numbers<[0], [0], [1], [1], [0, 1, 1, 1], [], []>, transpose_lhs_hint = false} : vector<1280x64xf32>, vector<1280x8xf32>, vector<64x8xf32> -> vector<64x8xf32>
    %add3A_44 = arith.addf %get3A_40, %dot_general3A_43 : vector<64x8xf32>
    %swap3A_45 = arith.constant 0 : index
    %swap3A_46 = arith.constant 0 : index
    %swap3A_47 = vector.load %arg17[%swap3A_45, %swap3A_46] : memref<64x8xf32, #tpu.memory_space<vmem>>, vector<64x8xf32>
    tpu.vector_store %arg17[%swap3A_45, %swap3A_46], %add3A_44 {strides = array<i32>} : memref<64x8xf32, #tpu.memory_space<vmem>>, vector<64x8xf32>,
    %eq3A_48 = arith.constant 7 : i32
    %eq3A_49 = arith.cmpi eq, %arg0, %eq3A_48 : i32
    %convert_element_type3A_50 = arith.extui %eq3A_49 : i1 to i32
    %cond3A_51 = arith.constant 0 : i32
    %cond3A_52 = arith.cmpi ne, %convert_element_type3A_50, %cond3A_51 : i32
    scf.if %cond3A_52 {
      %get3A_53 = arith.constant 0 : index
      %get3A_54 = arith.constant 0 : index
      %get3A_55 = vector.load %arg16[%get3A_53, %get3A_54] : memref<64x128xf32, #tpu.memory_space<vmem>>, vector<64x128xf32>
      %get3A_56 = arith.constant 0 : index
      %get3A_57 = arith.constant 0 : index
      %get3A_58 = vector.load %arg17[%get3A_56, %get3A_57] : memref<64x8xf32, #tpu.memory_space<vmem>>, vector<64x1xf32>
      %max3A = arith.constant 1.000000e+00 : f32
      %max3A_59 = vector.broadcast %max3A : f32 to vector<64x1xf32>
      %max3A_60 = arith.maximumf %get3A_58, %max3A_59 : vector<64x1xf32>
      %div3A = vector.broadcast %max3A_60 : vector<64x1xf32> to vector<64x128xf32>
      %div3A_61 = arith.divf %get3A_55, %div3A : vector<64x128xf32>
      %get3A_62 = arith.constant 0 : index
      %get3A_63 = arith.constant 0 : index
      %get3A_64 = vector.load %arg6[%get3A_62, %get3A_63] : memref<128x512xf32, #tpu.memory_space<vmem>>, vector<128x512xf32>
      %dot_general3A_65 = arith.constant dense<0.000000e+00> : vector<64x512xf32>
      %dot_general3A_66 = tpu.matmul %div3A_61, %get3A_64, %dot_general3A_65 {dimension_numbers = #tpu.dot_dimension_numbers<[1], [0], [0], [1], [0, 0, 1, 1], [], []>, transpose_lhs_hint = false} : vector<64x128xf32>, vector<128x512xf32>, vector<64x512xf32> -> vector<64x512xf32>
      %get3A_67 = arith.constant 0 : index
      %get3A_68 = arith.constant 0 : index
      %get3A_69 = vector.load %arg7[%get3A_67, %get3A_68] : memref<1x512xf32, #tpu.memory_space<vmem>>, vector<1x512xf32>
      %add3A_70 = vector.broadcast %get3A_69 : vector<1x512xf32> to vector<64x512xf32>
      %add3A_71 = arith.addf %dot_general3A_66, %add3A_70 : vector<64x512xf32>
      %max3A_72 = arith.constant 0.000000e+00 : f32
      %max3A_73 = vector.broadcast %max3A_72 : f32 to vector<64x512xf32>
      %max3A_74 = arith.maximumf %add3A_71, %max3A_73 : vector<64x512xf32>
      %get3A_75 = arith.constant 0 : index
      %get3A_76 = arith.constant 0 : index
      %get3A_77 = vector.load %arg8[%get3A_75, %get3A_76] : memref<512x256xf32, #tpu.memory_space<vmem>>, vector<512x256xf32>
      %dot_general3A_78 = arith.constant dense<0.000000e+00> : vector<64x256xf32>
      %dot_general3A_79 = tpu.matmul %max3A_74, %get3A_77, %dot_general3A_78 {dimension_numbers = #tpu.dot_dimension_numbers<[1], [0], [0], [1], [0, 0, 1, 1], [], []>, transpose_lhs_hint = false} : vector<64x512xf32>, vector<512x256xf32>, vector<64x256xf32> -> vector<64x256xf32>
      %get3A_80 = arith.constant 0 : index
      %get3A_81 = arith.constant 0 : index
      %get3A_82 = vector.load %arg9[%get3A_80, %get3A_81] : memref<1x256xf32, #tpu.memory_space<vmem>>, vector<1x256xf32>
      %add3A_83 = vector.broadcast %get3A_82 : vector<1x256xf32> to vector<64x256xf32>
      %add3A_84 = arith.addf %dot_general3A_79, %add3A_83 : vector<64x256xf32>
      %max3A_85 = arith.constant 0.000000e+00 : f32
      %max3A_86 = vector.broadcast %max3A_85 : f32 to vector<64x256xf32>
      %max3A_87 = arith.maximumf %add3A_84, %max3A_86 : vector<64x256xf32>
      %get3A_88 = arith.constant 0 : index
      %get3A_89 = arith.constant 0 : index
      %get3A_90 = vector.load %arg10[%get3A_88, %get3A_89] : memref<256x128xf32, #tpu.memory_space<vmem>>, vector<256x128xf32>
      %dot_general3A_91 = arith.constant dense<0.000000e+00> : vector<64x128xf32>
      %dot_general3A_92 = tpu.matmul %max3A_87, %get3A_90, %dot_general3A_91 {dimension_numbers = #tpu.dot_dimension_numbers<[1], [0], [0], [1], [0, 0, 1, 1], [], []>, transpose_lhs_hint = false} : vector<64x256xf32>, vector<256x128xf32>, vector<64x128xf32> -> vector<64x128xf32>
      %get3A_93 = arith.constant 0 : index
      %get3A_94 = arith.constant 0 : index
      %get3A_95 = vector.load %arg11[%get3A_93, %get3A_94] : memref<1x128xf32, #tpu.memory_space<vmem>>, vector<1x128xf32>
      %add3A_96 = vector.broadcast %get3A_95 : vector<1x128xf32> to vector<64x128xf32>
      %add3A_97 = arith.addf %dot_general3A_92, %add3A_96 : vector<64x128xf32>
      %max3A_98 = arith.constant 0.000000e+00 : f32
      %max3A_99 = vector.broadcast %max3A_98 : f32 to vector<64x128xf32>
      %max3A_100 = arith.maximumf %add3A_97, %max3A_99 : vector<64x128xf32>
      %get3A_101 = arith.constant 0 : index
      %get3A_102 = arith.constant 0 : index
      %get3A_103 = vector.load %arg12[%get3A_101, %get3A_102] : memref<128x32xf32, #tpu.memory_space<vmem>>, vector<128x32xf32>
      %dot_general3A_104 = arith.constant dense<0.000000e+00> : vector<64x32xf32>
      %dot_general3A_105 = tpu.matmul %max3A_100, %get3A_103, %dot_general3A_104 {dimension_numbers = #tpu.dot_dimension_numbers<[1], [0], [0], [1], [0, 0, 1, 1], [], []>, transpose_lhs_hint = false} : vector<64x128xf32>, vector<128x32xf32>, vector<64x32xf32> -> vector<64x32xf32>
      %get3A_106 = arith.constant 0 : index
      %get3A_107 = arith.constant 0 : index
      %get3A_108 = vector.load %arg13[%get3A_106, %get3A_107] : memref<1x32xf32, #tpu.memory_space<vmem>>, vector<1x32xf32>
      %add3A_109 = vector.broadcast %get3A_108 : vector<1x32xf32> to vector<64x32xf32>
      %add3A_110 = arith.addf %dot_general3A_105, %add3A_109 : vector<64x32xf32>
      %swap3A_111 = arith.constant 0 : index
      %swap3A_112 = arith.constant 0 : index
      %swap3A_113 = vector.load %arg14[%swap3A_111, %swap3A_112] : memref<64x128xf32, #tpu.memory_space<vmem>>, vector<64x128xf32>
      tpu.vector_store %arg14[%swap3A_111, %swap3A_112], %div3A_61 {strides = array<i32>} : memref<64x128xf32, #tpu.memory_space<vmem>>, vector<64x128xf32>,
      %swap3A_114 = arith.constant 0 : index
      %swap3A_115 = arith.constant 0 : index
      %swap3A_116 = vector.load %arg15[%swap3A_114, %swap3A_115] : memref<64x32xf32, #tpu.memory_space<vmem>>, vector<64x32xf32>
      tpu.vector_store %arg15[%swap3A_114, %swap3A_115], %add3A_110 {strides = array<i32>} : memref<64x32xf32, #tpu.memory_space<vmem>>, vector<64x32xf32>,
    } else {
    }
    return
  }
  func.func @transform_0(%arg0: i32) -> (i32, i32, i32) {
    %c0_i32 = arith.constant 0 : i32
    %c0_i32_0 = arith.constant 0 : i32
    %c0_i32_1 = arith.constant 0 : i32
    return %c0_i32, %arg0, %c0_i32_0 : i32, i32, i32
  }
  func.func @transform_1(%arg0: i32) -> (i32, i32) {
    %c0_i32 = arith.constant 0 : i32
    %c0_i32_0 = arith.constant 0 : i32
    return %arg0, %c0_i32 : i32, i32
  }
  func.func @transform_2(%arg0: i32) -> (i32, i32) {
    %c0_i32 = arith.constant 0 : i32
    %c0_i32_0 = arith.constant 0 : i32
    return %arg0, %c0_i32 : i32, i32
  }
  func.func @transform_3(%arg0: i32) -> (i32, i32) {
    %c0_i32 = arith.constant 0 : i32
    %c0_i32_0 = arith.constant 0 : i32
    %c0_i32_1 = arith.constant 0 : i32
    return %c0_i32, %c0_i32_0 : i32, i32
  }
  func.func @transform_4(%arg0: i32) -> (i32, i32) {
    %c0_i32 = arith.constant 0 : i32
    %c0_i32_0 = arith.constant 0 : i32
    return %arg0, %c0_i32 : i32, i32
  }
  func.func @transform_5(%arg0: i32) -> (i32, i32) {
    %c0_i32 = arith.constant 0 : i32
    %c0_i32_0 = arith.constant 0 : i32
    %c0_i32_1 = arith.constant 0 : i32
    return %c0_i32, %c0_i32_0 : i32, i32
  }
  func.func @transform_6(%arg0: i32) -> (i32, i32) {
    %c0_i32 = arith.constant 0 : i32
    %c0_i32_0 = arith.constant 0 : i32
    %c0_i32_1 = arith.constant 0 : i32
    return %c0_i32, %c0_i32_0 : i32, i32
  }
  func.func @transform_7(%arg0: i32) -> (i32, i32) {
    %c0_i32 = arith.constant 0 : i32
    %c0_i32_0 = arith.constant 0 : i32
    %c0_i32_1 = arith.constant 0 : i32
    return %c0_i32, %c0_i32_0 : i32, i32
  }
  func.func @transform_8(%arg0: i32) -> (i32, i32) {
    %c0_i32 = arith.constant 0 : i32
    %c0_i32_0 = arith.constant 0 : i32
    %c0_i32_1 = arith.constant 0 : i32
    return %c0_i32, %c0_i32_0 : i32, i32
  }
  func.func @transform_9(%arg0: i32) -> (i32, i32) {
    %c0_i32 = arith.constant 0 : i32
    %c0_i32_0 = arith.constant 0 : i32
    %c0_i32_1 = arith.constant 0 : i32
    return %c0_i32, %c0_i32_0 : i32, i32
  }
  func.func @transform_10(%arg0: i32) -> (i32, i32) {
    %c0_i32 = arith.constant 0 : i32
    %c0_i32_0 = arith.constant 0 : i32
    %c0_i32_1 = arith.constant 0 : i32
    return %c0_i32, %c0_i32_0 : i32, i32
  }
  func.func @transform_11(%arg0: i32) -> (i32, i32) {
    %c0_i32 = arith.constant 0 : i32
    %c0_i32_0 = arith.constant 0 : i32
    %c0_i32_1 = arith.constant 0 : i32
    return %c0_i32, %c0_i32_0 : i32, i32
  }
  func.func @transform_12(%arg0: i32) -> (i32, i32) {
    %c0_i32 = arith.constant 0 : i32
    %c0_i32_0 = arith.constant 0 : i32
    %c0_i32_1 = arith.constant 0 : i32
    return %c0_i32, %c0_i32_0 : i32, i32
  }
  func.func @transform_13(%arg0: i32) -> (i32, i32) {
    %c0_i32 = arith.constant 0 : i32
    %c0_i32_0 = arith.constant 0 : i32
    %c0_i32_1 = arith.constant 0 : i32
    return %c0_i32, %c0_i32_0 : i32, i32
  }
  func.func @transform_14(%arg0: i32) -> (i32, i32) {
    %c0_i32 = arith.constant 0 : i32
    %c0_i32_0 = arith.constant 0 : i32
    %c0_i32_1 = arith.constant 0 : i32
    return %c0_i32, %c0_i32_0 : i32, i32
  }
}

</mosaic_0001>

<sc_bundles>
// kernel: kernel.10.cloned.1.call-start
scs
__scs_entry_jumppad:
0x0: {  	(pc) =	sbr.rel $0x88, $3  }
0x1: {  	(tag) =	ssettag $0x0;
	lr =	simm.s32 $0x1  }
0x2: {  	[smem:$0x3F90] =	sst lr;
	_ =	strace $0xD0000000  }
0x3: {  	_ = 	snop  }
0x4: {  	_ = 	snop  }
0x5: {  	_ = 	snop  }
0x6: {  	_ = 	snop  }
0x7: {  	_ = 	snop  }
__scs_overlays_trampoline_lowered:
0x8: {  	[smem:$0x3F9F] =	sst s0  }
0x9: {  	[smem:$0x3FA0] =	sst s1  }
0xa: {  	[smem:$0x3FA1] =	sst s2  }
0xb: {  	[smem:$0x3FA2] =	sst s3  }
0xc: {  	[smem:$0x3FA3] =	sst s4  }
0xd: {  	[smem:$0x3FA4] =	sst s5  }
0xe: {  	[smem:$0x3FA5] =	sst s6  }
0xf: {  	[smem:$0x3FA6] =	sst s7  }
0x10: {  	[smem:$0x3FA7] =	sst s8  }
0x11: {  	[smem:$0x3FA8] =	sst s9;
	s0 =	simm.s32 @!p0 $0x0  }
0x12: {  	s1 =	sld [smem:$0x3F8E];
	s0 =	simm.s32 @p0 $0x1  }
0x13: {  	[smem:$0x3FA9] =	sst s0;
	s0 =	simm.s32 @!p1 $0x0  }
0x14: {  	s2 =	sld [smem:$0x3F8D];
	s0 =	simm.s32 @p1 $0x1  }
0x15: {  	[smem:$0x3FAA] =	sst s0;
	s0 =	simm.s32 @!p2 $0x0  }
0x16: {  	s3 =	sld [smem:$0x3FDB];
	s0 =	simm.s32 @p2 $0x1  }
0x17: {  	s4 =	simm.s32 $0x1BF5;
	[smem:$0x3FAC] =	sst s0  }
0x18: {  	s0 =	sld [smem:$0x3F8F];
	_ =	swait.ge [sflag:s4], $0x0  }
0x19: {  	s7 =	sld [smem:$0x3F90]  }
0x1a: {  	s8 =	sadd.s32 $0xFFFFE003, lr  }
0x1b: {  	s9 =	sadd.s32 $0xFFFFFEF7, lr;
	s5 =	simm.s32 $0xFFFFFFFF;
	p2 =	slt.u32 s8, $0xFFFFF086  }
0x1c: {  	p1 =	slt.u32 s9, $0xF7A;
	s5 =	simm.s32 @!p2 $0x0  }
0x1d: {  	s5 =	simm.s32 @p1 $0x1;
	p0 =	seq.s32 s7, s2  }
0x1e: {  	s7 =	smul.u32 @!p0 $0xF7A, s2;
	p2 =	seq.s32 @!p0 s5, $0x0  }
0x1f: {  	s9 =	smul.u32 $0xF7A, s1;
	s8 =	simm.s32 @!p0 $0x1BF5;
	p2 =	por !p2, p0  }
0x20: {  	[sflag:s8] =	ssyncset.s32 @!p0 $0xFFFFF086;
	s6 =	sadd.s32 @!p0 s3, s7;
	s7 =	simm.s32 @!p0 $0x108  }
0x21: {  	s3 =	sadd.s32 s3, s9;
	s6 =	sadd.s32 @!p0 $0x88, s6;
	s7 =	simm.s32 @p2 $0x1082  }
0x22: {  	[simem:s7], [sflag:s8] =	dma.local @!p0 [hbm:s6], $0xF7A  }
0x23: {  	s9 =	sor.u32 $0xD0000000, s2;
	s6 =	simm.s32 $0x108;
	_ =	swait.ge @!p0 [sflag:s8], $0x0  }
0x24: {  	s3 =	sadd.s32 $0x88, s3;
	s6 =	simm.s32 @!p1 $0x1082;
	[sflag:s4] =	ssyncset.s32 $0xFFFFF086  }
0x25: {  	[simem:s6], [sflag:s4] =	dma.local [hbm:s3], $0xF7A  }
0x26: {  	[smem:$0x3F90] =	sst s1;
	(tag) =	ssettag s2;
	_ =	strace s9  }
0x27: {  	s1 =	sld [smem:$0x3FA0]  }
0x28: {  	s2 =	sld [smem:$0x3FA1]  }
0x29: {  	s4 =	sld [smem:$0x3FA3]  }
0x2a: {  	p0 =	seq.s32 s5, $0x0;
	s5 =	sld [smem:$0x3FA4]  }
0x2b: {  	s6 =	sld [smem:$0x3FA5]  }
0x2c: {  	s7 =	sld [smem:$0x3FA6]  }
0x2d: {  	s3 =	simm.s32 $0x108;
	s8 =	sld [smem:$0x3FA7]  }
0x2e: {  	s3 =	simm.s32 @!p0 $0x1082;
	s9 =	sld [smem:$0x3FA8]  }
0x2f: {  	lr =	sadd.s32 s0, s3;
	s0 =	sld [smem:$0x3F9F]  }
0x30: {  	s3 =	sld [smem:$0x3FA2]  }
0x31: {  	[smem:$0x3FAB] =	sst s10  }
0x32: {  	s10 =	sld [smem:$0x3FA9];
	_ =	sdelay $0x3  }
0x33: {  	p0 =	seq.s32 s10, $0x1;
	s10 =	sld [smem:$0x3FAB];
	_ =	sdelay $0x3  }
0x34: {  	[smem:$0x3FAB] =	sst s10  }
0x35: {  	s10 =	sld [smem:$0x3FAA];
	_ =	sdelay $0x3  }
0x36: {  	p1 =	seq.s32 s10, $0x1;
	s10 =	sld [smem:$0x3FAB];
	_ =	sdelay $0x3  }
0x37: {  	[smem:$0x3FAB] =	sst s10  }
0x38: {  	s10 =	sld [smem:$0x3FAC]  }
0x39: {  	_ = 	snop;
	(pc) =	sbr.ind lr, $3  }
0x3a: {  	_ = 	snop  }
0x3b: {  	_ = 	snop  }
0x3c: {  	p2 =	seq.s32 s10, $0x1;
	s10 =	sld [smem:$0x3FAB]  }
0x3d: {  	_ =	shalt  }
0x3e: {  	_ =	shalt  }
0x3f: {  	_ =	shalt  }
0x40: {  	_ =	shalt  }
0x41: {  	_ =	shalt  }
0x42: {  	_ =	shalt  }
0x43: {  	_ =	shalt  }
0x44: {  	_ =	shalt  }
0x45: {  	_ =	shalt  }
0x46: {  	_ =	shalt  }
0x47: {  	_ =	shalt  }
0x48: {  	_ =	shalt  }
0x49: {  	_ =	shalt  }
0x4a: {  	_ =	shalt  }
0x4b: {  	_ =	shalt  }
0x4c: {  	_ =	shalt  }
0x4d: {  	_ =	shalt  }
0x4e: {  	_ =	shalt  }
0x4f: {  	_ =	shalt  }
0x50: {  	_ =	shalt  }
0x51: {  	_ =	shalt  }
0x52: {  	_ =	shalt  }
0x53: {  	_ =	shalt  }
0x54: {  	_ =	shalt  }
0x55: {  	_ =	shalt  }
0x56: {  	_ =	shalt  }
0x57: {  	_ =	shalt  }
0x58: {  	_ =	shalt  }
0x59: {  	_ =	shalt  }
0x5a: {  	_ =	shalt  }
0x5b: {  	_ =	shalt  }
0x5c: {  	_ =	shalt  }
0x5d: {  	_ =	shalt  }
0x5e: {  	_ =	shalt  }
0x5f: {  	_ =	shalt  }
0x60: {  	_ =	shalt  }
0x61: {  	_ =	shalt  }
0x62: {  	_ =	shalt  }
0x63: {  	_ =	shalt  }
0x64: {  	_ =	shalt  }
0x65: {  	_ =	shalt  }
0x66: {  	_ =	shalt  }
0x67: {  	_ =	shalt  }
0x68: {  	_ =	shalt  }
0x69: {  	_ =	shalt  }
0x6a: {  	_ =	shalt  }
0x6b: {  	_ =	shalt  }
0x6c: {  	_ =	shalt  }
0x6d: {  	_ =	shalt  }
0x6e: {  	_ =	shalt  }
0x6f: {  	_ =	shalt  }
0x70: {  	_ =	shalt  }
0x71: {  	_ =	shalt  }
0x72: {  	_ =	shalt  }
0x73: {  	_ =	shalt  }
0x74: {  	_ =	shalt  }
0x75: {  	_ =	shalt  }
0x76: {  	_ =	shalt  }
0x77: {  	_ =	shalt  }
0x78: {  	_ =	shalt  }
0x79: {  	_ =	shalt  }
0x7a: {  	_ =	shalt  }
0x7b: {  	_ =	shalt  }
0x7c: {  	_ =	shalt  }
0x7d: {  	_ =	shalt  }
0x7e: {  	_ =	shalt  }
0x7f: {  	_ =	shalt  }
0x80: {  	_ =	shalt  }
0x81: {  	_ =	shalt  }
0x82: {  	_ =	shalt  }
0x83: {  	_ =	shalt  }
0x84: {  	_ =	shalt  }
0x85: {  	_ =	shalt  }
0x86: {  	_ =	shalt  }
0x87: {  	_ =	shalt  }
.Lfunc_end0:
.L_simem_size_0:
called_computation_lowered:
.L_overlay_start_0:
0x88: {  	s2 =	sld [smem:$0x3FD9]  }
0x89: {  	s3 =	sld [smem:$0x3FFE];
	_ =	sdelay $0x1  }
0x8a: {  	s1 =	srdreg.scid  }
0x8b: {  	s0 =	sand.u32 $0x1, s1  }
0x8c: {  	s16 =	sshll.u32 s0, $0xA;
	s2 =	sadd.s32 s3, s2  }
0x8d: {  	s2 =	sadd.s32 s2, s16  }
0x8e: {  	[smem:$0x3FB7] =	sst s2  }
0x8f: {  	_ = 	snop  }
0x90: {  	(tm) =	ssettm $0x1  }
0x91: {  	s17 =	sld [smem:$0x3FFB];
	_ =	sdelay $0x3  }
0x92: {  	_ =	strace s17  }
0x93: {  	s2 =	sld [smem:$0x3FFC];
	_ =	sdelay $0x3  }
0x94: {  	_ =	strace s2  }
0x95: {  	s2 =	sld [smem:$0x3FFD];
	_ =	sdelay $0x3  }
0x96: {  	_ =	strace s2  }
0x97: {  	_ =	strace $0x8FFFFFFF  }
0x98: {  	s18 =	sld [smem:$0x3FDB];
	_ =	sdelay $0x1  }
0x99: {  	s19 =	simm.s32 $_scs_section_size  }
0x9a: {  	s4 =	simm.s32 $_size__tile_overlayer_lowered;
	s5 =	simm.s32 $_tile_overlayer_lowered  }
0x9b: {  	s22 =	simm.s32 $0x1BFF;
	s21 =	sshll.u32 s5, $0x1;
	s2 =	sadd.s32 s19, s18  }
0x9c: {  	s6 =	simm.s32 $0x0;
	s20 =	sshll.u32 s4, $0x1;
	s4 =	sadd.s32 s21, s2  }
0x9d: {  	[timem:s6], [sflag:s22] =	dma.local [hbm:s4], s20  }
0x9e: {  	_ =	swait.ge [sflag:s22], s20  }
0x9f: {  	s3 =	ssub.s32 $0x0, s20;
	[sflag:s22] =	ssyncset.done $0x0  }
0xa0: {  	[sflag:s22] =	ssyncadd.s32 s3;
	_ =	sdelay $0x1  }
0xa1: {  	s23 =	simm.s32 $0x1B8B  }
0xa2: {  	_ =	swait.ge [sflag:s23], $0x1  }
0xa3: {  	[sflag:s23] =	ssyncset.done $0x0  }
0xa4: {  	s25 =	simm.s32 $0x1B8E;
	s24 =	sld [smem:$0x3FFE];
	[sflag:s23] =	ssyncadd.s32 $0xFFFFFFFF  }
0xa5: {  	s26 =	simm.s32 $execute0_lowered;
	[smem:$0x3FD2] =	sst s25  }
0xa6: {  	s4 =	sshll.u32 s26, $0x1;
	_ =	strace $0x80000046;
	[dreg:$0x1] =	wrdreg $0xFFFFFFFF  }
0xa7: {  	s28 =	simm.s32 $_size_execute0_lowered;
	s2 =	sadd.s32 s2, s4;
	[dreg:$0x0] =	wrdreg $0x0  }
0xa8: {  	s4 =	sshll.u32 s28, $0x1;
	[dreg:$0x2] =	wrdreg s2  }
0xa9: {  	[dreg:$0x3] =	wrdreg s4  }
0xaa: {  	[dreg:$0x4] =	wrdreg $0xC0  }
0xab: {  	_ =	task [dreg:s6], $0x5FFFF  }
0xac: {  	[dreg:$0x1] =	wrdreg $0xFFFFFFFF  }
0xad: {  	[dreg:$0x0] =	wrdreg $0x60  }
0xae: {  	[dreg:$0x2] =	wrdreg s24  }
0xaf: {  	[dreg:$0x3] =	wrdreg $0x9  }
0xb0: {  	_ =	task.clear_ibuf [dreg:s6], $0x4FFFF;
	_ =	strace $0x90000046  }
0xb1: {  	s29 =	simm.s32 $0x9;
	_ =	strace $0x80000048  }
0xb2: {  	_ =	swait.ge [sflag:s29], $0x1  }
0xb3: {  	[sflag:s29] =	ssyncadd.s32 $0xFFFFFFFF  }
0xb4: {  	_ =	strace $0x90000048  }
0xb5: {  	_ =	sfence  }
0xb6: {  	s30 =	sld [smem:$0x0];
	_ =	sdelay $0x2  }
0xb7: {  	s31 =	sshll.u32 s1, $0xD;
	s1 =	sshrl.u32 s1, $0x2  }
0xb8: {  	s3 =	sand.u32 $0x4000, s31;
	s1 =	sadd.s32 s1, s30  }
0xb9: {  	s0 =	sor.u32 s3, s0;
	s1 =	sshll.u32 s1, $0x11  }
0xba: {  	s0 =	sor.u32 s1, s0  }
0xbb: {  	s0 =	sadd.s32 $0x8F2B, s0  }
0xbc: {  	[sflag:s0] =	ssyncadd.remote.s32 $0x1  }
0xbd: {  	_ =	sfence.sel $0xFFFF  }
0xbe: {  	[dreg:$0x0] =	wrdreg $0xFFFFFFFF;
	(pc) =	sbr.abs _section_cstart, $3  }
0xbf: {  	[dreg:$0x1] =	wrdreg $0xFFFFFFFF  }
0xc0: {  	_ =	task.clear_ibuf [dreg:s6], $0x2FFFF;
	_ =	strace $0x9FFFFFFF  }
0xc1: {  	(tm) =	ssettm $0x7FFFFFFF  }
tec
execute0_lowered:
.L_overlay_start_1:
0x0: {  	(tag) =	ssettag $0x1  }
0x1: {  	s0 =	srdreg.scid  }
0x2: {  	s3 =	sand.u32 $0x1, s0  }
0x3: {  	s4 =	rddreg [dreg:$0x0];
	s0 =	stileid.u32;
	s1 =	sshll.u32 s3, $0x4  }
0x4: {  	s2 =	simm.s32 $0x0;
	s7 =	simm.s32 $0x80;
	s1 =	sor.u32 s0, s1  }
0x5: {  	s8 =	simm.s32 $0x400;
	s9 =	simm.s32 $0x1;
	s1 =	sshrl.u32 s1, $0x3  }
0x6: {  	s10 =	simm.s32 $0x2800;
	s6 =	sshll.u32 s0, $0x7;
	s5 =	smul.u32 $0x14000, s1  }
0x7: {  	s11 =	simm.s32 $0x0;
	[smem:$0x7FF] =	sst s2;
	s6 =	sand.u32 $0x380, s6  }
0x8: {  	s30 =	ssub.s32 $0x2, s3;
	s3 =	sadd.s32 $0x22C00, s4;
	s5 =	sor.u32 s6, s5  }
0x9: {  	s31 =	sshrl.u32 s30, $0x1;
	s1 =	rddreg [dreg:$0x1];
	s5 =	sshrl.u32 s5, $0x3  }
0xa: {  	_ =	strace $0x80000047;
	s6 =	ssub.s32 s30, s31;
	s5 =	sadd.s32 s5, s4  }
0xb: {  	v0 =	vimm.f32 $1.000000000e+00;
	s6 =	smax.u32 s6, $0x1;
	s4 =	sadd.s32 $0x18C00, s5;
	s5 =	sadd.s32 $0x23200, s5  }
.LBB2_1:
0xc: {  	[tilespmem:s2], [sflag:$0x1] =	stream.strided.gather [hbm4b:s4+s7], $0x2800, s8, s7, $0x38;
	[tilespmem:$0x5000] =	vst v63  }
0xd: {  	_ =	swait.ge [sflag:s9], $0x2800  }
0xe: {  	[sflag:s9] =	ssyncset.done $0x0  }
0xf: {  	[sflag:s9] =	ssyncadd.s32 $0xFFFFD800  }
0x10: {  	[tilespmem:s10], [sflag:$0x1] =	stream.linear.gather [hbm4b:s3+s2], $0x2800, $0x38;
	[tilespmem:$0x5000] =	vst v63  }
0x11: {  	_ =	swait.ge [sflag:s9], $0x2800  }
0x12: {  	[sflag:s9] =	ssyncset.done $0x0  }
0x13: {  	s13 =	simm.s32 $0x0;
	s12 =	simm.s32 $0x40;
	[sflag:s9] =	ssyncadd.s32 $0xFFFFD800  }
.LBB2_2:
0x14: {  	p0 =	sne.s32 s12, $0x9FC0;
	v1 =	vld [tilespmem:s13+$0x0];
	_ =	sdelay $0x3  }
.Ltmp0:
0x15: {  	(pc) =	sbr.rel @p0 .LBB2_2-.Ltmp0, $2  }
0x16: {  	_ =	sdelay $0x2  }
0x17: {  	s13 =	sshra.s32 s12, $0x2;
	s12 =	sadd.s32 $0x40, s12;
	[tilespmem:v1+s10+$0x0] =	vst.idx.add.f32.msk $0xffff, v0  }
0x18: {  	v1 =	vld [tilespmem:s13+$0x0];
	_ =	sdelay $0x5  }
0x19: {  	s11 =	sadd.s32 $0x1, s11  }
0x1a: {  	p0 =	sne.s32 s11, s6  }
.Ltmp1:
0x1b: {  	[tilespmem:v1+s10+$0x0] =	vst.idx.add.f32.msk $0xffff, v0;
	(pc) =	sbr.rel @p0 .LBB2_1-.Ltmp1, $4  }
0x1c: {  	[hbm4b:s5+s7] =	stream.strided.scatter [tilespmem:s10], [sflag:$0x1], $0x2800, s8, s7, $0x38;
	[tilespmem:$0x5000] =	vst v63  }
0x1d: {  	_ =	swait.ge [sflag:s9], $0x2800  }
0x1e: {  	[sflag:s9] =	ssyncset.done $0x0  }
0x1f: {  	[sflag:s9] =	ssyncadd.s32 $0xFFFFD800  }
0x20: {  	_ =	sfence.sel $0x180000  }
0x21: {  	[bflag:$0x0] =	sbarrier.arrive $0xFFFF  }
0x22: {  	p0 =	sne.s32 s0, $0x0;
	_ =	strace $0x90000047  }
0x23: {  	s0 =	sadd.s32 @!p0 $0x100000, s1;
	[bflag:$0x2] =	sbarrier.arrive $0xFFFF  }
0x24: {  	[sflag:s0] =	ssyncadd.tile.s32 @!p0 $0x1;
	_ =	shalt  }
.Lfunc_end2:
_tile_overlayer_lowered:
.L_overlay_start_2:
0x25: {  	(tag) =	ssettag $0x2  }
0x26: {  	s0 =	rddreg [dreg:$0x0];
	s2 =	stileid.u32  }
0x27: {  	s1 =	rddreg [dreg:$0x1];
	p0 =	sne.s32 s2, $0x0  }
0x28: {  	s3 =	rddreg [dreg:$0x2];
	[bflag:$0x3] =	sbarrier.arrive $0xFFFF;
	s2 =	simm.s32 @!p0 $0x1C01  }
0x29: {  	[timem:s3], [sflag:s2] =	dma.local @!p0 [hbm:s0], s1  }
0x2a: {  	s0 =	simm.s32 @!p0 $0x1  }
0x2b: {  	_ =	swait.ge @!p0 [sflag:s0], s1  }
0x2c: {  	s1 =	ssub.s32 @!p0 $0x0, s1;
	[sflag:s0] =	ssyncset.done @!p0 $0x0  }
0x2d: {  	[sflag:s0] =	ssyncadd.s32 @!p0 s1  }
0x2e: {  	[bflag:$0x3] =	sbarrier.arrive $0xFFFF  }
0x2f: {  	_ =	shalt  }

// kernel: kernel.13.cloned.1.call-start
scs
__scs_entry_jumppad:
0x0: {  	(pc) =	sbr.rel $0x88, $3  }
0x1: {  	(tag) =	ssettag $0x0;
	lr =	simm.s32 $0x1  }
0x2: {  	[smem:$0x3F90] =	sst lr;
	_ =	strace $0xD0000000  }
0x3: {  	_ = 	snop  }
0x4: {  	_ = 	snop  }
0x5: {  	_ = 	snop  }
0x6: {  	_ = 	snop  }
0x7: {  	_ = 	snop  }
__scs_overlays_trampoline_lowered:
0x8: {  	[smem:$0x3F9F] =	sst s0  }
0x9: {  	[smem:$0x3FA0] =	sst s1  }
0xa: {  	[smem:$0x3FA1] =	sst s2  }
0xb: {  	[smem:$0x3FA2] =	sst s3  }
0xc: {  	[smem:$0x3FA3] =	sst s4  }
0xd: {  	[smem:$0x3FA4] =	sst s5  }
0xe: {  	[smem:$0x3FA5] =	sst s6  }
0xf: {  	[smem:$0x3FA6] =	sst s7  }
0x10: {  	[smem:$0x3FA7] =	sst s8  }
0x11: {  	[smem:$0x3FA8] =	sst s9;
	s0 =	simm.s32 @!p0 $0x0  }
0x12: {  	s1 =	sld [smem:$0x3F8E];
	s0 =	simm.s32 @p0 $0x1  }
0x13: {  	[smem:$0x3FA9] =	sst s0;
	s0 =	simm.s32 @!p1 $0x0  }
0x14: {  	s2 =	sld [smem:$0x3F8D];
	s0 =	simm.s32 @p1 $0x1  }
0x15: {  	[smem:$0x3FAA] =	sst s0;
	s0 =	simm.s32 @!p2 $0x0  }
0x16: {  	s3 =	sld [smem:$0x3FDB];
	s0 =	simm.s32 @p2 $0x1  }
0x17: {  	s4 =	simm.s32 $0x1BF5;
	[smem:$0x3FAC] =	sst s0  }
0x18: {  	s0 =	sld [smem:$0x3F8F];
	_ =	swait.ge [sflag:s4], $0x0  }
0x19: {  	s7 =	sld [smem:$0x3F90]  }
0x1a: {  	s8 =	sadd.s32 $0xFFFFE003, lr  }
0x1b: {  	s9 =	sadd.s32 $0xFFFFFEF7, lr;
	s5 =	simm.s32 $0xFFFFFFFF;
	p2 =	slt.u32 s8, $0xFFFFF086  }
0x1c: {  	p1 =	slt.u32 s9, $0xF7A;
	s5 =	simm.s32 @!p2 $0x0  }
0x1d: {  	s5 =	simm.s32 @p1 $0x1;
	p0 =	seq.s32 s7, s2  }
0x1e: {  	s7 =	smul.u32 @!p0 $0xF7A, s2;
	p2 =	seq.s32 @!p0 s5, $0x0  }
0x1f: {  	s9 =	smul.u32 $0xF7A, s1;
	s8 =	simm.s32 @!p0 $0x1BF5;
	p2 =	por !p2, p0  }
0x20: {  	[sflag:s8] =	ssyncset.s32 @!p0 $0xFFFFF086;
	s6 =	sadd.s32 @!p0 s3, s7;
	s7 =	simm.s32 @!p0 $0x108  }
0x21: {  	s3 =	sadd.s32 s3, s9;
	s6 =	sadd.s32 @!p0 $0x88, s6;
	s7 =	simm.s32 @p2 $0x1082  }
0x22: {  	[simem:s7], [sflag:s8] =	dma.local @!p0 [hbm:s6], $0xF7A  }
0x23: {  	s9 =	sor.u32 $0xD0000000, s2;
	s6 =	simm.s32 $0x108;
	_ =	swait.ge @!p0 [sflag:s8], $0x0  }
0x24: {  	s3 =	sadd.s32 $0x88, s3;
	s6 =	simm.s32 @!p1 $0x1082;
	[sflag:s4] =	ssyncset.s32 $0xFFFFF086  }
0x25: {  	[simem:s6], [sflag:s4] =	dma.local [hbm:s3], $0xF7A  }
0x26: {  	[smem:$0x3F90] =	sst s1;
	(tag) =	ssettag s2;
	_ =	strace s9  }
0x27: {  	s1 =	sld [smem:$0x3FA0]  }
0x28: {  	s2 =	sld [smem:$0x3FA1]  }
0x29: {  	s4 =	sld [smem:$0x3FA3]  }
0x2a: {  	p0 =	seq.s32 s5, $0x0;
	s5 =	sld [smem:$0x3FA4]  }
0x2b: {  	s6 =	sld [smem:$0x3FA5]  }
0x2c: {  	s7 =	sld [smem:$0x3FA6]  }
0x2d: {  	s3 =	simm.s32 $0x108;
	s8 =	sld [smem:$0x3FA7]  }
0x2e: {  	s3 =	simm.s32 @!p0 $0x1082;
	s9 =	sld [smem:$0x3FA8]  }
0x2f: {  	lr =	sadd.s32 s0, s3;
	s0 =	sld [smem:$0x3F9F]  }
0x30: {  	s3 =	sld [smem:$0x3FA2]  }
0x31: {  	[smem:$0x3FAB] =	sst s10  }
0x32: {  	s10 =	sld [smem:$0x3FA9];
	_ =	sdelay $0x3  }
0x33: {  	p0 =	seq.s32 s10, $0x1;
	s10 =	sld [smem:$0x3FAB];
	_ =	sdelay $0x3  }
0x34: {  	[smem:$0x3FAB] =	sst s10  }
0x35: {  	s10 =	sld [smem:$0x3FAA];
	_ =	sdelay $0x3  }
0x36: {  	p1 =	seq.s32 s10, $0x1;
	s10 =	sld [smem:$0x3FAB];
	_ =	sdelay $0x3  }
0x37: {  	[smem:$0x3FAB] =	sst s10  }
0x38: {  	s10 =	sld [smem:$0x3FAC]  }
0x39: {  	_ = 	snop;
	(pc) =	sbr.ind lr, $3  }
0x3a: {  	_ = 	snop  }
0x3b: {  	_ = 	snop  }
0x3c: {  	p2 =	seq.s32 s10, $0x1;
	s10 =	sld [smem:$0x3FAB]  }
0x3d: {  	_ =	shalt  }
0x3e: {  	_ =	shalt  }
0x3f: {  	_ =	shalt  }
0x40: {  	_ =	shalt  }
0x41: {  	_ =	shalt  }
0x42: {  	_ =	shalt  }
0x43: {  	_ =	shalt  }
0x44: {  	_ =	shalt  }
0x45: {  	_ =	shalt  }
0x46: {  	_ =	shalt  }
0x47: {  	_ =	shalt  }
0x48: {  	_ =	shalt  }
0x49: {  	_ =	shalt  }
0x4a: {  	_ =	shalt  }
0x4b: {  	_ =	shalt  }
0x4c: {  	_ =	shalt  }
0x4d: {  	_ =	shalt  }
0x4e: {  	_ =	shalt  }
0x4f: {  	_ =	shalt  }
0x50: {  	_ =	shalt  }
0x51: {  	_ =	shalt  }
0x52: {  	_ =	shalt  }
0x53: {  	_ =	shalt  }
0x54: {  	_ =	shalt  }
0x55: {  	_ =	shalt  }
0x56: {  	_ =	shalt  }
0x57: {  	_ =	shalt  }
0x58: {  	_ =	shalt  }
0x59: {  	_ =	shalt  }
0x5a: {  	_ =	shalt  }
0x5b: {  	_ =	shalt  }
0x5c: {  	_ =	shalt  }
0x5d: {  	_ =	shalt  }
0x5e: {  	_ =	shalt  }
0x5f: {  	_ =	shalt  }
0x60: {  	_ =	shalt  }
0x61: {  	_ =	shalt  }
0x62: {  	_ =	shalt  }
0x63: {  	_ =	shalt  }
0x64: {  	_ =	shalt  }
0x65: {  	_ =	shalt  }
0x66: {  	_ =	shalt  }
0x67: {  	_ =	shalt  }
0x68: {  	_ =	shalt  }
0x69: {  	_ =	shalt  }
0x6a: {  	_ =	shalt  }
0x6b: {  	_ =	shalt  }
0x6c: {  	_ =	shalt  }
0x6d: {  	_ =	shalt  }
0x6e: {  	_ =	shalt  }
0x6f: {  	_ =	shalt  }
0x70: {  	_ =	shalt  }
0x71: {  	_ =	shalt  }
0x72: {  	_ =	shalt  }
0x73: {  	_ =	shalt  }
0x74: {  	_ =	shalt  }
0x75: {  	_ =	shalt  }
0x76: {  	_ =	shalt  }
0x77: {  	_ =	shalt  }
0x78: {  	_ =	shalt  }
0x79: {  	_ =	shalt  }
0x7a: {  	_ =	shalt  }
0x7b: {  	_ =	shalt  }
0x7c: {  	_ =	shalt  }
0x7d: {  	_ =	shalt  }
0x7e: {  	_ =	shalt  }
0x7f: {  	_ =	shalt  }
0x80: {  	_ =	shalt  }
0x81: {  	_ =	shalt  }
0x82: {  	_ =	shalt  }
0x83: {  	_ =	shalt  }
0x84: {  	_ =	shalt  }
0x85: {  	_ =	shalt  }
0x86: {  	_ =	shalt  }
0x87: {  	_ =	shalt  }
.Lfunc_end0:
.L_simem_size_0:
called_computation.1_lowered:
.L_overlay_start_0:
0x88: {  	s2 =	sld [smem:$0x3FD9]  }
0x89: {  	s3 =	sld [smem:$0x3FFE];
	_ =	sdelay $0x1  }
0x8a: {  	s1 =	srdreg.scid  }
0x8b: {  	s0 =	sand.u32 $0x1, s1  }
0x8c: {  	s14 =	sshll.u32 s0, $0xA;
	s2 =	sadd.s32 s3, s2  }
0x8d: {  	s2 =	sadd.s32 s2, s14  }
0x8e: {  	[smem:$0x3FB7] =	sst s2  }
0x8f: {  	_ = 	snop  }
0x90: {  	s2 =	sld [smem:$0x3FD0];
	_ =	sdelay $0x2  }
0x91: {  	s15 =	simm.s32 $0xA;
	s4 =	simm.s32 $0x10  }
0x92: {  	[smem:s4], [sflag:s15] =	dma.local [hbm:s2], $0x1  }
0x93: {  	_ =	swait.eq [sflag:s15], $0x1  }
0x94: {  	[sflag:s15] =	ssyncset.done $0x0  }
0x95: {  	[sflag:s15] =	ssyncadd.s32 $0xFFFFFFFF  }
0x96: {  	s16 =	sld [smem:$0x10];
	(tm) =	ssettm $0x1  }
0x97: {  	s17 =	sld [smem:$0x3FFB];
	_ =	sdelay $0x3  }
0x98: {  	_ =	strace s17  }
0x99: {  	s3 =	sld [smem:$0x3FFC];
	_ =	sdelay $0x3  }
0x9a: {  	_ =	strace s3  }
0x9b: {  	s3 =	sld [smem:$0x3FFD];
	_ =	sdelay $0x3  }
0x9c: {  	_ =	strace s3  }
0x9d: {  	_ =	strace $0x8FFFFFFF  }
0x9e: {  	s18 =	sld [smem:$0x3FDB];
	_ =	sdelay $0x1  }
0x9f: {  	s19 =	simm.s32 $_scs_section_size  }
0xa0: {  	s5 =	simm.s32 $_size__tile_overlayer_lowered;
	s6 =	simm.s32 $_tile_overlayer_lowered  }
0xa1: {  	s22 =	simm.s32 $0x1BFF;
	s21 =	sshll.u32 s6, $0x1;
	s3 =	sadd.s32 s19, s18  }
0xa2: {  	s7 =	simm.s32 $0x0;
	s20 =	sshll.u32 s5, $0x1;
	s5 =	sadd.s32 s21, s3  }
0xa3: {  	[timem:s7], [sflag:s22] =	dma.local [hbm:s5], s20  }
0xa4: {  	_ =	swait.ge [sflag:s22], s20  }
0xa5: {  	s4 =	ssub.s32 $0x0, s20;
	[sflag:s22] =	ssyncset.done $0x0  }
0xa6: {  	[sflag:s22] =	ssyncadd.s32 s4;
	_ =	sdelay $0x1  }
0xa7: {  	s23 =	simm.s32 $0x1B8B  }
0xa8: {  	_ =	swait.ge [sflag:s23], $0x1  }
0xa9: {  	[sflag:s23] =	ssyncset.done $0x0  }
0xaa: {  	s25 =	simm.s32 $0x1B8E;
	s24 =	sld [smem:$0x3FFE];
	[sflag:s23] =	ssyncadd.s32 $0xFFFFFFFF  }
0xab: {  	s26 =	simm.s32 $execute0_lowered;
	[smem:$0x3FD2] =	sst s25  }
0xac: {  	s5 =	sshll.u32 s26, $0x1;
	_ =	strace $0x80000049;
	[dreg:$0x1] =	wrdreg $0xFFFFFFFF  }
0xad: {  	s28 =	simm.s32 $_size_execute0_lowered;
	s3 =	sadd.s32 s3, s5;
	[dreg:$0x0] =	wrdreg $0x0  }
0xae: {  	s5 =	sshll.u32 s28, $0x1;
	[dreg:$0x2] =	wrdreg s3  }
0xaf: {  	[dreg:$0x3] =	wrdreg s5  }
0xb0: {  	[dreg:$0x4] =	wrdreg $0xC0  }
0xb1: {  	_ =	task [dreg:s7], $0x5FFFF  }
0xb2: {  	[dreg:$0x1] =	wrdreg $0xFFFFFFFF  }
0xb3: {  	[dreg:$0x0] =	wrdreg $0x60  }
0xb4: {  	[dreg:$0x2] =	wrdreg s24  }
0xb5: {  	[dreg:$0x3] =	wrdreg s16  }
0xb6: {  	[dreg:$0x4] =	wrdreg $0xA2000  }
0xb7: {  	[dreg:$0x5] =	wrdreg $0x9  }
0xb8: {  	_ =	task.clear_ibuf [dreg:s7], $0x6FFFF;
	_ =	strace $0x90000049  }
0xb9: {  	s29 =	simm.s32 $0x9;
	_ =	strace $0x8000004B  }
0xba: {  	_ =	swait.ge [sflag:s29], $0x1  }
0xbb: {  	[sflag:s29] =	ssyncadd.s32 $0xFFFFFFFF  }
0xbc: {  	_ =	strace $0x9000004B  }
0xbd: {  	_ =	sfence  }
0xbe: {  	s30 =	sld [smem:$0x0];
	_ =	sdelay $0x2  }
0xbf: {  	s31 =	sshll.u32 s1, $0xD;
	s1 =	sshrl.u32 s1, $0x2  }
0xc0: {  	s3 =	sand.u32 $0x4000, s31;
	s1 =	sadd.s32 s1, s30  }
0xc1: {  	s0 =	sor.u32 s3, s0;
	s1 =	sshll.u32 s1, $0x11  }
0xc2: {  	s0 =	sor.u32 s1, s0  }
0xc3: {  	s0 =	sadd.s32 $0x8F2B, s0  }
0xc4: {  	[sflag:s0] =	ssyncadd.remote.s32 $0x1  }
0xc5: {  	_ =	sfence.sel $0xFFFF  }
0xc6: {  	[dreg:$0x0] =	wrdreg $0xFFFFFFFF;
	(pc) =	sbr.abs _section_cstart, $3  }
0xc7: {  	[dreg:$0x1] =	wrdreg $0xFFFFFFFF  }
0xc8: {  	_ =	task.clear_ibuf [dreg:s7], $0x2FFFF;
	_ =	strace $0x9FFFFFFF  }
0xc9: {  	(tm) =	ssettm $0x7FFFFFFF  }
tec
execute0_lowered:
.L_overlay_start_1:
0x0: {  	(tag) =	ssettag $0x1  }
0x1: {  	s0 =	rddreg [dreg:$0x0];
	s1 =	srdreg.scid  }
0x2: {  	s3 =	rddreg [dreg:$0x2];
	s15 =	stileid.u32;
	s4 =	simm.s32 $0x0  }
0x3: {  	s28 =	simm.s32 $0x80;
	s29 =	simm.s32 $0x200;
	s5 =	smul.u32 $0x14000, s15  }
0x4: {  	s30 =	simm.s32 $0x1;
	s31 =	simm.s32 $0x2;
	s6 =	smul.u32 $0x50000, s15  }
0x5: {  	s1 =	sand.u32 $0x1, s1;
	[smem:$0x7FF] =	sst s4;
	s25 =	smul.u32 $0x5000, s15  }
0x6: {  	s7 =	sadd.s32 $0x4C00, s0;
	s2 =	smul.u32 $0x140000, s1;
	_ =	strace $0x8000004A  }
0x7: {  	s20 =	ssub.s32 $0x2, s1;
	s9 =	sshll.u32 s1, $0x4;
	s1 =	smul.u32 $0x50000, s1  }
0x8: {  	s8 =	sshrl.u32 s20, $0x1;
	s6 =	sshrl.u32 s6, $0x2;
	s21 =	sor.u32 s15, s9  }
0x9: {  	s2 =	sadd.s32 s5, s2;
	s5 =	sadd.s32 $0x18C00, s0;
	s6 =	sadd.s32 s6, s3  }
0xa: {  	s26 =	sadd.s32 s25, s1;
	s25 =	simm.s32 $0x3;
	s2 =	sshrl.u32 s2, $0x3  }
0xb: {  	s22 =	sadd.s32 $0x2000, s6;
	s23 =	sadd.s32 $0x4000, s6;
	s24 =	sadd.s32 $0x6000, s6  }
0xc: {  	s10 =	sadd.s32 $0x8000, s6;
	s11 =	sadd.s32 $0xA000, s6;
	s12 =	sadd.s32 $0xC000, s6  }
0xd: {  	s13 =	sadd.s32 $0xE000, s6;
	s15 =	sadd.s32 $0x10000, s6;
	s16 =	sadd.s32 $0x12000, s6  }
0xe: {  	s1 =	sor.u32 $0x200, s26;
	s0 =	sadd.s32 s2, s0;
	[dreg:$0x4] =	wrdreg s22  }
0xf: {  	s2 =	ssub.s32 s20, s8;
	[dreg:$0x5] =	wrdreg s23;
	s8 =	smul.u32 $0x5000, s21  }
0x10: {  	[dreg:$0x6] =	wrdreg s24;
	s1 =	sshrl.u32 s1, $0x3;
	s24 =	simm.s32 $0x8200  }
0x11: {  	s18 =	sadd.s32 $0x40C00, s0;
	s19 =	smax.u32 s2, $0x1;
	s0 =	sor.u32 $0x300, s26  }
0x12: {  	s22 =	sadd.s32 s1, s7;
	s26 =	simm.s32 $0x100;
	s2 =	simm.s32 $0x180  }
0x13: {  	s1 =	simm.s32 $0x0;
	s8 =	sshrl.u32 s8, $0x3;
	s0 =	sshrl.u32 s0, $0x3  }
0x14: {  	s14 =	sadd.s32 s7, s8;
	s23 =	sadd.s32 s0, s7;
	s0 =	simm.s32 $0x4200  }
0x15: {  	s17 =	sadd.s32 $0x20, s14;
	s20 =	sadd.s32 $0x9E0, s14;
	s21 =	sadd.s32 $0x9C0, s14  }
.LBB2_1:
0x16: {  	s7 =	rddreg [dreg:$0x1]  }
0x17: {  	[tilespmem:s24], [sflag:$0x3] =	stream.linear.gather [hbm4b:s7+s4], $0x2000, $0x38;
	[tilespmem:$0x1E200] =	vst v63  }
0x18: {  	_ =	swait.ge [sflag:s25], $0x2000  }
0x19: {  	[sflag:s25] =	ssyncset.done $0x0  }
0x1a: {  	[sflag:s25] =	ssyncadd.s32 $0xFFFFE000  }
0x1b: {  	[spmem:s6] =	stream.linear.scatter [tilespmem:s24], [sflag:$0x3], $0x2000, $0x38;
	[tilespmem:$0x1E200] =	vst v63  }
0x1c: {  	_ =	swait.ge [sflag:s25], $0x2000  }
0x1d: {  	[sflag:s25] =	ssyncset.done $0x0  }
0x1e: {  	s8 =	rddreg [dreg:$0x4];
	[sflag:s25] =	ssyncadd.s32 $0xFFFFE000  }
0x1f: {  	[spmem:s8] =	stream.linear.scatter [tilespmem:s24], [sflag:$0x3], $0x2000, $0x38;
	[tilespmem:$0x1E200] =	vst v63  }
0x20: {  	_ =	swait.ge [sflag:s25], $0x2000  }
0x21: {  	[sflag:s25] =	ssyncset.done $0x0  }
0x22: {  	s9 =	rddreg [dreg:$0x5];
	[sflag:s25] =	ssyncadd.s32 $0xFFFFE000  }
0x23: {  	[spmem:s9] =	stream.linear.scatter [tilespmem:s24], [sflag:$0x3], $0x2000, $0x38;
	[tilespmem:$0x1E200] =	vst v63  }
0x24: {  	_ =	swait.ge [sflag:s25], $0x2000  }
0x25: {  	[sflag:s25] =	ssyncset.done $0x0  }
0x26: {  	s8 =	rddreg [dreg:$0x6];
	[sflag:s25] =	ssyncadd.s32 $0xFFFFE000  }
0x27: {  	[spmem:s8] =	stream.linear.scatter [tilespmem:s24], [sflag:$0x3], $0x2000, $0x38;
	[tilespmem:$0x1E200] =	vst v63  }
0x28: {  	_ =	swait.ge [sflag:s25], $0x2000  }
0x29: {  	[sflag:s25] =	ssyncset.done $0x0  }
0x2a: {  	[sflag:s25] =	ssyncadd.s32 $0xFFFFE000  }
0x2b: {  	[spmem:s10] =	stream.linear.scatter [tilespmem:s24], [sflag:$0x3], $0x2000, $0x38;
	[tilespmem:$0x1E200] =	vst v63  }
0x2c: {  	_ =	swait.ge [sflag:s25], $0x2000  }
0x2d: {  	[sflag:s25] =	ssyncset.done $0x0  }
0x2e: {  	[sflag:s25] =	ssyncadd.s32 $0xFFFFE000  }
0x2f: {  	[spmem:s11] =	stream.linear.scatter [tilespmem:s24], [sflag:$0x3], $0x2000, $0x38;
	[tilespmem:$0x1E200] =	vst v63  }
0x30: {  	_ =	swait.ge [sflag:s25], $0x2000  }
0x31: {  	[sflag:s25] =	ssyncset.done $0x0  }
0x32: {  	[sflag:s25] =	ssyncadd.s32 $0xFFFFE000  }
0x33: {  	[spmem:s12] =	stream.linear.scatter [tilespmem:s24], [sflag:$0x3], $0x2000, $0x38;
	[tilespmem:$0x1E200] =	vst v63  }
0x34: {  	_ =	swait.ge [sflag:s25], $0x2000  }
0x35: {  	[sflag:s25] =	ssyncset.done $0x0  }
0x36: {  	[sflag:s25] =	ssyncadd.s32 $0xFFFFE000  }
0x37: {  	[spmem:s13] =	stream.linear.scatter [tilespmem:s24], [sflag:$0x3], $0x2000, $0x38;
	[tilespmem:$0x1E200] =	vst v63  }
0x38: {  	_ =	swait.ge [sflag:s25], $0x2000  }
0x39: {  	[sflag:s25] =	ssyncset.done $0x0  }
0x3a: {  	[sflag:s25] =	ssyncadd.s32 $0xFFFFE000  }
0x3b: {  	[spmem:s15] =	stream.linear.scatter [tilespmem:s24], [sflag:$0x3], $0x2000, $0x38;
	[tilespmem:$0x1E200] =	vst v63  }
0x3c: {  	_ =	swait.ge [sflag:s25], $0x2000  }
0x3d: {  	[sflag:s25] =	ssyncset.done $0x0  }
0x3e: {  	[sflag:s25] =	ssyncadd.s32 $0xFFFFE000  }
0x3f: {  	[spmem:s16] =	stream.linear.scatter [tilespmem:s24], [sflag:$0x3], $0x2000, $0x38;
	[tilespmem:$0x1E200] =	vst v63  }
0x40: {  	_ =	swait.ge [sflag:s25], $0x2000  }
0x41: {  	[sflag:s25] =	ssyncset.done $0x0  }
0x42: {  	[sflag:s25] =	ssyncadd.s32 $0xFFFFE000  }
0x43: {  	[tilespmem:s4], [sflag:$0x3] =	stream.linear.gather [hbm4b:s14+s4], $0x100, $0x38;
	[tilespmem:$0x1E200] =	vst v63  }
0x44: {  	_ =	swait.ge [sflag:s25], $0x100  }
0x45: {  	[sflag:s25] =	ssyncset.done $0x0  }
0x46: {  	[sflag:s25] =	ssyncadd.s32 $0xFFFFFF00  }
0x47: {  	[tilespmem:s26], [sflag:$0x2] =	stream.linear.gather [hbm4b:s17+s4], $0x100, $0x38;
	[tilespmem:$0x1E200] =	vst v63  }
0x48: {  	[bflag:$0x0] =	sbarrier.arrive $0xFFFF  }
0x49: {  	[tilespmem:s29], [sflag:$0x1] =	stream.indirect.gather [hbm4b:s5+s28], $0x80, s4, s28, $0xb8;
	[tilespmem:$0x1E200] =	vst v63  }
0x4a: {  	_ =	swait.ge [sflag:s30], $0x4000  }
0x4b: {  	[sflag:s30] =	ssyncset.done $0x0  }
0x4c: {  	[sflag:s30] =	ssyncadd.s32 $0xFFFFC000  }
0x4d: {  	_ =	swait.ge [sflag:s31], $0x100  }
0x4e: {  	[sflag:s31] =	ssyncset.done $0x0  }
0x4f: {  	[sflag:s31] =	ssyncadd.s32 $0xFFFFFF00  }
0x50: {  	[tilespmem:s0], [sflag:$0x1] =	stream.indirect.gather [hbm4b:s5+s28], $0x80, s26, s28, $0xb8;
	[tilespmem:$0x1E200] =	vst v63  }
0x51: {  	_ = 	snop  }
0x52: {  	[spmem:s3] =	stream.indirect.scatter.add.f32 [tilespmem:s29], [sflag:$0x3], $0x80, s28, s28, $0xb8;
	[tilespmem:$0x1E200] =	vst v63  }
0x53: {  	_ =	swait.ge [sflag:s25], $0x4000  }
0x54: {  	[sflag:s25] =	ssyncset.done $0x0  }
0x55: {  	s9 =	sadd.s32 $0x0, s22;
	[sflag:s25] =	ssyncadd.s32 $0xFFFFC000  }
0x56: {  	[tilespmem:s4], [sflag:$0x2] =	stream.linear.gather [hbm4b:s9+s4], $0x100, $0x38;
	[tilespmem:$0x1E200] =	vst v63  }
0x57: {  	_ =	swait.ge [sflag:s30], $0x4000  }
0x58: {  	[sflag:s30] =	ssyncset.done $0x0  }
0x59: {  	[sflag:s30] =	ssyncadd.s32 $0xFFFFC000  }
0x5a: {  	_ =	swait.ge [sflag:s31], $0x100  }
0x5b: {  	[sflag:s31] =	ssyncset.done $0x0  }
0x5c: {  	[sflag:s31] =	ssyncadd.s32 $0xFFFFFF00  }
0x5d: {  	[tilespmem:s29], [sflag:$0x1] =	stream.indirect.gather [hbm4b:s5+s28], $0x80, s4, s28, $0xb8;
	[tilespmem:$0x1E200] =	vst v63  }
0x5e: {  	_ = 	snop  }
0x5f: {  	[spmem:s3] =	stream.indirect.scatter.add.f32 [tilespmem:s0], [sflag:$0x3], $0x80, s2, s28, $0xb8;
	[tilespmem:$0x1E200] =	vst v63  }
0x60: {  	_ =	swait.ge [sflag:s25], $0x4000  }
0x61: {  	[sflag:s25] =	ssyncset.done $0x0  }
0x62: {  	s7 =	simm.s32 $0x40;
	s8 =	sadd.s32 $0x0, s23;
	[sflag:s25] =	ssyncadd.s32 $0xFFFFC000  }
.LBB2_2:
0x63: {  	[tilespmem:s26], [sflag:$0x2] =	stream.linear.gather [hbm4b:s8+s4], $0x100, $0x38;
	[tilespmem:$0x1E200] =	vst v63  }
0x64: {  	s8 =	smov.u32 s7  }
0x65: {  	p0 =	sne.s32 s7, $0x940;
	s7 =	sadd.s32 $0x40, s7;
	_ =	swait.ge [sflag:s30], $0x4000  }
0x66: {  	[sflag:s30] =	ssyncset.done $0x0  }
0x67: {  	[sflag:s30] =	ssyncadd.s32 $0xFFFFC000  }
0x68: {  	_ =	swait.ge [sflag:s31], $0x100  }
0x69: {  	[sflag:s31] =	ssyncset.done $0x0  }
0x6a: {  	[sflag:s31] =	ssyncadd.s32 $0xFFFFFF00  }
0x6b: {  	[tilespmem:s0], [sflag:$0x1] =	stream.indirect.gather [hbm4b:s5+s28], $0x80, s26, s28, $0xb8;
	[tilespmem:$0x1E200] =	vst v63  }
0x6c: {  	_ = 	snop  }
0x6d: {  	[spmem:s3] =	stream.indirect.scatter.add.f32 [tilespmem:s29], [sflag:$0x3], $0x80, s28, s28, $0xb8;
	[tilespmem:$0x1E200] =	vst v63  }
0x6e: {  	_ =	swait.ge [sflag:s25], $0x4000  }
0x6f: {  	[sflag:s25] =	ssyncset.done $0x0  }
0x70: {  	s9 =	sadd.s32 s8, s22;
	[sflag:s25] =	ssyncadd.s32 $0xFFFFC000  }
0x71: {  	[tilespmem:s4], [sflag:$0x2] =	stream.linear.gather [hbm4b:s9+s4], $0x100, $0x38;
	[tilespmem:$0x1E200] =	vst v63  }
0x72: {  	_ =	swait.ge [sflag:s30], $0x4000  }
0x73: {  	[sflag:s30] =	ssyncset.done $0x0  }
0x74: {  	[sflag:s30] =	ssyncadd.s32 $0xFFFFC000  }
0x75: {  	_ =	swait.ge [sflag:s31], $0x100  }
0x76: {  	[sflag:s31] =	ssyncset.done $0x0  }
0x77: {  	[sflag:s31] =	ssyncadd.s32 $0xFFFFFF00  }
0x78: {  	[tilespmem:s29], [sflag:$0x1] =	stream.indirect.gather [hbm4b:s5+s28], $0x80, s4, s28, $0xb8;
	[tilespmem:$0x1E200] =	vst v63  }
.Ltmp0:
0x79: {  	(pc) =	sbr.rel @p0 .LBB2_2-.Ltmp0, $4  }
0x7a: {  	[spmem:s3] =	stream.indirect.scatter.add.f32 [tilespmem:s0], [sflag:$0x3], $0x80, s2, s28, $0xb8;
	[tilespmem:$0x1E200] =	vst v63  }
0x7b: {  	_ =	swait.ge [sflag:s25], $0x4000  }
0x7c: {  	[sflag:s25] =	ssyncset.done $0x0  }
0x7d: {  	s8 =	sadd.s32 s8, s23;
	[sflag:s25] =	ssyncadd.s32 $0xFFFFC000  }
0x7e: {  	[tilespmem:s26], [sflag:$0x2] =	stream.linear.gather [hbm4b:s8+s4], $0x100, $0x38;
	[tilespmem:$0x1E200] =	vst v63  }
0x7f: {  	_ =	swait.ge [sflag:s30], $0x4000  }
0x80: {  	[sflag:s30] =	ssyncset.done $0x0  }
0x81: {  	[sflag:s30] =	ssyncadd.s32 $0xFFFFC000  }
0x82: {  	_ =	swait.ge [sflag:s31], $0x100  }
0x83: {  	[sflag:s31] =	ssyncset.done $0x0  }
0x84: {  	[sflag:s31] =	ssyncadd.s32 $0xFFFFFF00  }
0x85: {  	[tilespmem:s0], [sflag:$0x1] =	stream.indirect.gather [hbm4b:s5+s28], $0x80, s26, s28, $0xb8;
	[tilespmem:$0x1E200] =	vst v63  }
0x86: {  	_ = 	snop  }
0x87: {  	[spmem:s3] =	stream.indirect.scatter.add.f32 [tilespmem:s29], [sflag:$0x3], $0x80, s28, s28, $0xb8;
	[tilespmem:$0x1E200] =	vst v63  }
0x88: {  	_ =	swait.ge [sflag:s25], $0x4000  }
0x89: {  	[sflag:s25] =	ssyncset.done $0x0  }
0x8a: {  	[sflag:s25] =	ssyncadd.s32 $0xFFFFC000  }
0x8b: {  	[tilespmem:s4], [sflag:$0x2] =	stream.linear.gather [hbm4b:s21+s4], $0x100, $0x38;
	[tilespmem:$0x1E200] =	vst v63  }
0x8c: {  	_ =	swait.ge [sflag:s30], $0x4000  }
0x8d: {  	[sflag:s30] =	ssyncset.done $0x0  }
0x8e: {  	[sflag:s30] =	ssyncadd.s32 $0xFFFFC000  }
0x8f: {  	_ =	swait.ge [sflag:s31], $0x100  }
0x90: {  	[sflag:s31] =	ssyncset.done $0x0  }
0x91: {  	[sflag:s31] =	ssyncadd.s32 $0xFFFFFF00  }
0x92: {  	[tilespmem:s29], [sflag:$0x1] =	stream.indirect.gather [hbm4b:s5+s28], $0x80, s4, s28, $0xb8;
	[tilespmem:$0x1E200] =	vst v63  }
0x93: {  	_ = 	snop  }
0x94: {  	[spmem:s3] =	stream.indirect.scatter.add.f32 [tilespmem:s0], [sflag:$0x3], $0x80, s2, s28, $0xb8;
	[tilespmem:$0x1E200] =	vst v63  }
0x95: {  	_ =	swait.ge [sflag:s25], $0x4000  }
0x96: {  	[sflag:s25] =	ssyncset.done $0x0  }
0x97: {  	[sflag:s25] =	ssyncadd.s32 $0xFFFFC000  }
0x98: {  	[tilespmem:s26], [sflag:$0x2] =	stream.linear.gather [hbm4b:s20+s4], $0x100, $0x38;
	[tilespmem:$0x1E200] =	vst v63  }
0x99: {  	_ =	swait.ge [sflag:s30], $0x4000  }
0x9a: {  	[sflag:s30] =	ssyncset.done $0x0  }
0x9b: {  	[sflag:s30] =	ssyncadd.s32 $0xFFFFC000  }
0x9c: {  	_ =	swait.ge [sflag:s31], $0x100  }
0x9d: {  	[sflag:s31] =	ssyncset.done $0x0  }
0x9e: {  	[sflag:s31] =	ssyncadd.s32 $0xFFFFFF00  }
0x9f: {  	[tilespmem:s0], [sflag:$0x1] =	stream.indirect.gather [hbm4b:s5+s28], $0x80, s26, s28, $0xb8;
	[tilespmem:$0x1E200] =	vst v63  }
0xa0: {  	_ = 	snop  }
0xa1: {  	[spmem:s3] =	stream.indirect.scatter.add.f32 [tilespmem:s29], [sflag:$0x3], $0x80, s28, s28, $0xb8;
	[tilespmem:$0x1E200] =	vst v63  }
0xa2: {  	_ =	swait.ge [sflag:s25], $0x4000  }
0xa3: {  	[sflag:s25] =	ssyncset.done $0x0  }
0xa4: {  	[sflag:s25] =	ssyncadd.s32 $0xFFFFC000  }
0xa5: {  	[tilespmem:s4], [sflag:$0x2] =	stream.linear.gather [hbm4b:s20+s4], $0x100, $0x38;
	[tilespmem:$0x1E200] =	vst v63  }
0xa6: {  	_ =	swait.ge [sflag:s30], $0x4000  }
0xa7: {  	[sflag:s30] =	ssyncset.done $0x0  }
0xa8: {  	[sflag:s30] =	ssyncadd.s32 $0xFFFFC000  }
0xa9: {  	_ =	swait.ge [sflag:s31], $0x100  }
0xaa: {  	[sflag:s31] =	ssyncset.done $0x0  }
0xab: {  	[sflag:s31] =	ssyncadd.s32 $0xFFFFFF00  }
0xac: {  	[tilespmem:s29], [sflag:$0x1] =	stream.indirect.gather [hbm4b:s5+s28], $0x80, s4, s28, $0xb8;
	[tilespmem:$0x1E200] =	vst v63  }
0xad: {  	_ = 	snop  }
0xae: {  	[spmem:s3] =	stream.indirect.scatter.add.f32 [tilespmem:s0], [sflag:$0x3], $0x80, s2, s28, $0xb8;
	[tilespmem:$0x1E200] =	vst v63  }
0xaf: {  	_ =	swait.ge [sflag:s25], $0x4000  }
0xb0: {  	[sflag:s25] =	ssyncset.done $0x0  }
0xb1: {  	[sflag:s25] =	ssyncadd.s32 $0xFFFFC000  }
0xb2: {  	[tilespmem:s26], [sflag:$0x2] =	stream.linear.gather [hbm4b:s20+s4], $0x100, $0x38;
	[tilespmem:$0x1E200] =	vst v63  }
0xb3: {  	_ =	swait.ge [sflag:s30], $0x4000  }
0xb4: {  	[sflag:s30] =	ssyncset.done $0x0  }
0xb5: {  	[sflag:s30] =	ssyncadd.s32 $0xFFFFC000  }
0xb6: {  	s7 =	stileid.u32;
	_ =	swait.ge [sflag:s31], $0x100  }
0xb7: {  	s9 =	sshrl.u32 s6, $0x3;
	s1 =	sadd.s32 $0x1, s1;
	[sflag:s31] =	ssyncset.done $0x0  }
0xb8: {  	s7 =	sshll.u32 s7, $0x6;
	p0 =	sne.s32 s1, s19;
	[sflag:s31] =	ssyncadd.s32 $0xFFFFFF00  }
.Ltmp1:
0xb9: {  	s7 =	sor.u32 $0x1C03, s7;
	[bflag:$0x0] =	sbarrier.arrive $0xFFFF;
	(pc) =	sbr.rel @p0 .LBB2_1-.Ltmp1, $4  }
0xba: {  	[hbm:s18], [sflag:s7] =	dma.local [spmem:s9], $0x2800  }
0xbb: {  	_ =	swait.ge [sflag:s25], $0x2800  }
0xbc: {  	[sflag:s25] =	ssyncset.done $0x0  }
0xbd: {  	[sflag:s25] =	ssyncadd.s32 $0xFFFFD800  }
0xbe: {  	_ =	sfence.sel $0x180000  }
0xbf: {  	[bflag:$0x0] =	sbarrier.arrive $0xFFFF  }
0xc0: {  	_ =	strace $0x9000004A  }
0xc1: {  	s0 =	stileid.u32;
	[bflag:$0x2] =	sbarrier.arrive $0xFFFF  }
0xc2: {  	p0 =	sne.s32 s0, $0x0;
	s0 =	rddreg [dreg:$0x3]  }
0xc3: {  	s0 =	sadd.s32 @!p0 $0x100000, s0  }
0xc4: {  	[sflag:s0] =	ssyncadd.tile.s32 @!p0 $0x1;
	_ =	shalt  }
.Lfunc_end2:
_tile_overlayer_lowered:
.L_overlay_start_2:
0xc5: {  	(tag) =	ssettag $0x2  }
0xc6: {  	s0 =	rddreg [dreg:$0x0];
	s2 =	stileid.u32  }
0xc7: {  	s1 =	rddreg [dreg:$0x1];
	p0 =	sne.s32 s2, $0x0  }
0xc8: {  	s3 =	rddreg [dreg:$0x2];
	[bflag:$0x3] =	sbarrier.arrive $0xFFFF;
	s2 =	simm.s32 @!p0 $0x1C03  }
0xc9: {  	[timem:s3], [sflag:s2] =	dma.local @!p0 [hbm:s0], s1  }
0xca: {  	s0 =	simm.s32 @!p0 $0x3  }
0xcb: {  	_ =	swait.ge @!p0 [sflag:s0], s1  }
0xcc: {  	s1 =	ssub.s32 @!p0 $0x0, s1;
	[sflag:s0] =	ssyncset.done @!p0 $0x0  }
0xcd: {  	[sflag:s0] =	ssyncadd.s32 @!p0 s1  }
0xce: {  	[bflag:$0x3] =	sbarrier.arrive $0xFFFF  }
0xcf: {  	_ =	shalt  }

// kernel: kernel.16.cloned.1.call-start
scs
__scs_entry_jumppad:
0x0: {  	(pc) =	sbr.rel $0x88, $3  }
0x1: {  	(tag) =	ssettag $0x0;
	lr =	simm.s32 $0x1  }
0x2: {  	[smem:$0x3F90] =	sst lr;
	_ =	strace $0xD0000000  }
0x3: {  	_ = 	snop  }
0x4: {  	_ = 	snop  }
0x5: {  	_ = 	snop  }
0x6: {  	_ = 	snop  }
0x7: {  	_ = 	snop  }
__scs_overlays_trampoline_lowered:
0x8: {  	[smem:$0x3F9F] =	sst s0  }
0x9: {  	[smem:$0x3FA0] =	sst s1  }
0xa: {  	[smem:$0x3FA1] =	sst s2  }
0xb: {  	[smem:$0x3FA2] =	sst s3  }
0xc: {  	[smem:$0x3FA3] =	sst s4  }
0xd: {  	[smem:$0x3FA4] =	sst s5  }
0xe: {  	[smem:$0x3FA5] =	sst s6  }
0xf: {  	[smem:$0x3FA6] =	sst s7  }
0x10: {  	[smem:$0x3FA7] =	sst s8  }
0x11: {  	[smem:$0x3FA8] =	sst s9;
	s0 =	simm.s32 @!p0 $0x0  }
0x12: {  	s1 =	sld [smem:$0x3F8E];
	s0 =	simm.s32 @p0 $0x1  }
0x13: {  	[smem:$0x3FA9] =	sst s0;
	s0 =	simm.s32 @!p1 $0x0  }
0x14: {  	s2 =	sld [smem:$0x3F8D];
	s0 =	simm.s32 @p1 $0x1  }
0x15: {  	[smem:$0x3FAA] =	sst s0;
	s0 =	simm.s32 @!p2 $0x0  }
0x16: {  	s3 =	sld [smem:$0x3FDB];
	s0 =	simm.s32 @p2 $0x1  }
0x17: {  	s4 =	simm.s32 $0x1BF5;
	[smem:$0x3FAC] =	sst s0  }
0x18: {  	s0 =	sld [smem:$0x3F8F];
	_ =	swait.ge [sflag:s4], $0x0  }
0x19: {  	s7 =	sld [smem:$0x3F90]  }
0x1a: {  	s8 =	sadd.s32 $0xFFFFE003, lr  }
0x1b: {  	s9 =	sadd.s32 $0xFFFFFEF7, lr;
	s5 =	simm.s32 $0xFFFFFFFF;
	p2 =	slt.u32 s8, $0xFFFFF086  }
0x1c: {  	p1 =	slt.u32 s9, $0xF7A;
	s5 =	simm.s32 @!p2 $0x0  }
0x1d: {  	s5 =	simm.s32 @p1 $0x1;
	p0 =	seq.s32 s7, s2  }
0x1e: {  	s7 =	smul.u32 @!p0 $0xF7A, s2;
	p2 =	seq.s32 @!p0 s5, $0x0  }
0x1f: {  	s9 =	smul.u32 $0xF7A, s1;
	s8 =	simm.s32 @!p0 $0x1BF5;
	p2 =	por !p2, p0  }
0x20: {  	[sflag:s8] =	ssyncset.s32 @!p0 $0xFFFFF086;
	s6 =	sadd.s32 @!p0 s3, s7;
	s7 =	simm.s32 @!p0 $0x108  }
0x21: {  	s3 =	sadd.s32 s3, s9;
	s6 =	sadd.s32 @!p0 $0x88, s6;
	s7 =	simm.s32 @p2 $0x1082  }
0x22: {  	[simem:s7], [sflag:s8] =	dma.local @!p0 [hbm:s6], $0xF7A  }
0x23: {  	s9 =	sor.u32 $0xD0000000, s2;
	s6 =	simm.s32 $0x108;
	_ =	swait.ge @!p0 [sflag:s8], $0x0  }
0x24: {  	s3 =	sadd.s32 $0x88, s3;
	s6 =	simm.s32 @!p1 $0x1082;
	[sflag:s4] =	ssyncset.s32 $0xFFFFF086  }
0x25: {  	[simem:s6], [sflag:s4] =	dma.local [hbm:s3], $0xF7A  }
0x26: {  	[smem:$0x3F90] =	sst s1;
	(tag) =	ssettag s2;
	_ =	strace s9  }
0x27: {  	s1 =	sld [smem:$0x3FA0]  }
0x28: {  	s2 =	sld [smem:$0x3FA1]  }
0x29: {  	s4 =	sld [smem:$0x3FA3]  }
0x2a: {  	p0 =	seq.s32 s5, $0x0;
	s5 =	sld [smem:$0x3FA4]  }
0x2b: {  	s6 =	sld [smem:$0x3FA5]  }
0x2c: {  	s7 =	sld [smem:$0x3FA6]  }
0x2d: {  	s3 =	simm.s32 $0x108;
	s8 =	sld [smem:$0x3FA7]  }
0x2e: {  	s3 =	simm.s32 @!p0 $0x1082;
	s9 =	sld [smem:$0x3FA8]  }
0x2f: {  	lr =	sadd.s32 s0, s3;
	s0 =	sld [smem:$0x3F9F]  }
0x30: {  	s3 =	sld [smem:$0x3FA2]  }
0x31: {  	[smem:$0x3FAB] =	sst s10  }
0x32: {  	s10 =	sld [smem:$0x3FA9];
	_ =	sdelay $0x3  }
0x33: {  	p0 =	seq.s32 s10, $0x1;
	s10 =	sld [smem:$0x3FAB];
	_ =	sdelay $0x3  }
0x34: {  	[smem:$0x3FAB] =	sst s10  }
0x35: {  	s10 =	sld [smem:$0x3FAA];
	_ =	sdelay $0x3  }
0x36: {  	p1 =	seq.s32 s10, $0x1;
	s10 =	sld [smem:$0x3FAB];
	_ =	sdelay $0x3  }
0x37: {  	[smem:$0x3FAB] =	sst s10  }
0x38: {  	s10 =	sld [smem:$0x3FAC]  }
0x39: {  	_ = 	snop;
	(pc) =	sbr.ind lr, $3  }
0x3a: {  	_ = 	snop  }
0x3b: {  	_ = 	snop  }
0x3c: {  	p2 =	seq.s32 s10, $0x1;
	s10 =	sld [smem:$0x3FAB]  }
0x3d: {  	_ =	shalt  }
0x3e: {  	_ =	shalt  }
0x3f: {  	_ =	shalt  }
0x40: {  	_ =	shalt  }
0x41: {  	_ =	shalt  }
0x42: {  	_ =	shalt  }
0x43: {  	_ =	shalt  }
0x44: {  	_ =	shalt  }
0x45: {  	_ =	shalt  }
0x46: {  	_ =	shalt  }
0x47: {  	_ =	shalt  }
0x48: {  	_ =	shalt  }
0x49: {  	_ =	shalt  }
0x4a: {  	_ =	shalt  }
0x4b: {  	_ =	shalt  }
0x4c: {  	_ =	shalt  }
0x4d: {  	_ =	shalt  }
0x4e: {  	_ =	shalt  }
0x4f: {  	_ =	shalt  }
0x50: {  	_ =	shalt  }
0x51: {  	_ =	shalt  }
0x52: {  	_ =	shalt  }
0x53: {  	_ =	shalt  }
0x54: {  	_ =	shalt  }
0x55: {  	_ =	shalt  }
0x56: {  	_ =	shalt  }
0x57: {  	_ =	shalt  }
0x58: {  	_ =	shalt  }
0x59: {  	_ =	shalt  }
0x5a: {  	_ =	shalt  }
0x5b: {  	_ =	shalt  }
0x5c: {  	_ =	shalt  }
0x5d: {  	_ =	shalt  }
0x5e: {  	_ =	shalt  }
0x5f: {  	_ =	shalt  }
0x60: {  	_ =	shalt  }
0x61: {  	_ =	shalt  }
0x62: {  	_ =	shalt  }
0x63: {  	_ =	shalt  }
0x64: {  	_ =	shalt  }
0x65: {  	_ =	shalt  }
0x66: {  	_ =	shalt  }
0x67: {  	_ =	shalt  }
0x68: {  	_ =	shalt  }
0x69: {  	_ =	shalt  }
0x6a: {  	_ =	shalt  }
0x6b: {  	_ =	shalt  }
0x6c: {  	_ =	shalt  }
0x6d: {  	_ =	shalt  }
0x6e: {  	_ =	shalt  }
0x6f: {  	_ =	shalt  }
0x70: {  	_ =	shalt  }
0x71: {  	_ =	shalt  }
0x72: {  	_ =	shalt  }
0x73: {  	_ =	shalt  }
0x74: {  	_ =	shalt  }
0x75: {  	_ =	shalt  }
0x76: {  	_ =	shalt  }
0x77: {  	_ =	shalt  }
0x78: {  	_ =	shalt  }
0x79: {  	_ =	shalt  }
0x7a: {  	_ =	shalt  }
0x7b: {  	_ =	shalt  }
0x7c: {  	_ =	shalt  }
0x7d: {  	_ =	shalt  }
0x7e: {  	_ =	shalt  }
0x7f: {  	_ =	shalt  }
0x80: {  	_ =	shalt  }
0x81: {  	_ =	shalt  }
0x82: {  	_ =	shalt  }
0x83: {  	_ =	shalt  }
0x84: {  	_ =	shalt  }
0x85: {  	_ =	shalt  }
0x86: {  	_ =	shalt  }
0x87: {  	_ =	shalt  }
.Lfunc_end0:
.L_simem_size_0:
called_computation.2_lowered:
.L_overlay_start_0:
0x88: {  	s2 =	sld [smem:$0x3FD9]  }
0x89: {  	s3 =	sld [smem:$0x3FFE];
	_ =	sdelay $0x1  }
0x8a: {  	s1 =	srdreg.scid  }
0x8b: {  	s0 =	sand.u32 $0x1, s1  }
0x8c: {  	s14 =	sshll.u32 s0, $0xA;
	s2 =	sadd.s32 s3, s2  }
0x8d: {  	s2 =	sadd.s32 s2, s14  }
0x8e: {  	[smem:$0x3FB7] =	sst s2  }
0x8f: {  	_ = 	snop  }
0x90: {  	s2 =	sld [smem:$0x3FD0];
	_ =	sdelay $0x2  }
0x91: {  	s15 =	simm.s32 $0xA;
	s4 =	simm.s32 $0x10  }
0x92: {  	[smem:s4], [sflag:s15] =	dma.local [hbm:s2], $0x1  }
0x93: {  	_ =	swait.eq [sflag:s15], $0x1  }
0x94: {  	[sflag:s15] =	ssyncset.done $0x0  }
0x95: {  	[sflag:s15] =	ssyncadd.s32 $0xFFFFFFFF  }
0x96: {  	s16 =	sld [smem:$0x10];
	(tm) =	ssettm $0x1  }
0x97: {  	s17 =	sld [smem:$0x3FFB];
	_ =	sdelay $0x3  }
0x98: {  	_ =	strace s17  }
0x99: {  	s3 =	sld [smem:$0x3FFC];
	_ =	sdelay $0x3  }
0x9a: {  	_ =	strace s3  }
0x9b: {  	s3 =	sld [smem:$0x3FFD];
	_ =	sdelay $0x3  }
0x9c: {  	_ =	strace s3  }
0x9d: {  	_ =	strace $0x8FFFFFFF  }
0x9e: {  	s18 =	sld [smem:$0x3FDB];
	_ =	sdelay $0x1  }
0x9f: {  	s19 =	simm.s32 $_scs_section_size  }
0xa0: {  	s5 =	simm.s32 $_size__tile_overlayer_lowered;
	s6 =	simm.s32 $_tile_overlayer_lowered  }
0xa1: {  	s22 =	simm.s32 $0x1BFF;
	s21 =	sshll.u32 s6, $0x1;
	s3 =	sadd.s32 s19, s18  }
0xa2: {  	s7 =	simm.s32 $0x0;
	s20 =	sshll.u32 s5, $0x1;
	s5 =	sadd.s32 s21, s3  }
0xa3: {  	[timem:s7], [sflag:s22] =	dma.local [hbm:s5], s20  }
0xa4: {  	_ =	swait.ge [sflag:s22], s20  }
0xa5: {  	s4 =	ssub.s32 $0x0, s20;
	[sflag:s22] =	ssyncset.done $0x0  }
0xa6: {  	[sflag:s22] =	ssyncadd.s32 s4;
	_ =	sdelay $0x1  }
0xa7: {  	s23 =	simm.s32 $0x1B8B  }
0xa8: {  	_ =	swait.ge [sflag:s23], $0x1  }
0xa9: {  	[sflag:s23] =	ssyncset.done $0x0  }
0xaa: {  	s25 =	simm.s32 $0x1B8E;
	s24 =	sld [smem:$0x3FFE];
	[sflag:s23] =	ssyncadd.s32 $0xFFFFFFFF  }
0xab: {  	s26 =	simm.s32 $execute0_lowered;
	[smem:$0x3FD2] =	sst s25  }
0xac: {  	s5 =	sshll.u32 s26, $0x1;
	_ =	strace $0x8000004C;
	[dreg:$0x1] =	wrdreg $0xFFFFFFFF  }
0xad: {  	s28 =	simm.s32 $_size_execute0_lowered;
	s3 =	sadd.s32 s3, s5;
	[dreg:$0x0] =	wrdreg $0x0  }
0xae: {  	s5 =	sshll.u32 s28, $0x1;
	[dreg:$0x2] =	wrdreg s3  }
0xaf: {  	[dreg:$0x3] =	wrdreg s5  }
0xb0: {  	[dreg:$0x4] =	wrdreg $0xC0  }
0xb1: {  	_ =	task [dreg:s7], $0x5FFFF  }
0xb2: {  	[dreg:$0x1] =	wrdreg $0xFFFFFFFF  }
0xb3: {  	[dreg:$0x0] =	wrdreg $0x60  }
0xb4: {  	[dreg:$0x2] =	wrdreg s24  }
0xb5: {  	[dreg:$0x3] =	wrdreg s16  }
0xb6: {  	[dreg:$0x4] =	wrdreg $0xA2000  }
0xb7: {  	[dreg:$0x5] =	wrdreg $0x9  }
0xb8: {  	_ =	task.clear_ibuf [dreg:s7], $0x6FFFF;
	_ =	strace $0x9000004C  }
0xb9: {  	s29 =	simm.s32 $0x9;
	_ =	strace $0x8000004E  }
0xba: {  	_ =	swait.ge [sflag:s29], $0x1  }
0xbb: {  	[sflag:s29] =	ssyncadd.s32 $0xFFFFFFFF  }
0xbc: {  	_ =	strace $0x9000004E  }
0xbd: {  	_ =	sfence  }
0xbe: {  	s30 =	sld [smem:$0x0];
	_ =	sdelay $0x2  }
0xbf: {  	s31 =	sshll.u32 s1, $0xD;
	s1 =	sshrl.u32 s1, $0x2  }
0xc0: {  	s3 =	sand.u32 $0x4000, s31;
	s1 =	sadd.s32 s1, s30  }
0xc1: {  	s0 =	sor.u32 s3, s0;
	s1 =	sshll.u32 s1, $0x11  }
0xc2: {  	s0 =	sor.u32 s1, s0  }
0xc3: {  	s0 =	sadd.s32 $0x8F2B, s0  }
0xc4: {  	[sflag:s0] =	ssyncadd.remote.s32 $0x1  }
0xc5: {  	_ =	sfence.sel $0xFFFF  }
0xc6: {  	[dreg:$0x0] =	wrdreg $0xFFFFFFFF;
	(pc) =	sbr.abs _section_cstart, $3  }
0xc7: {  	[dreg:$0x1] =	wrdreg $0xFFFFFFFF  }
0xc8: {  	_ =	task.clear_ibuf [dreg:s7], $0x2FFFF;
	_ =	strace $0x9FFFFFFF  }
0xc9: {  	(tm) =	ssettm $0x7FFFFFFF  }
tec
execute0_lowered:
.L_overlay_start_1:
0x0: {  	(tag) =	ssettag $0x1  }
0x1: {  	s0 =	rddreg [dreg:$0x0];
	s1 =	srdreg.scid  }
0x2: {  	s3 =	rddreg [dreg:$0x2];
	s15 =	stileid.u32;
	s4 =	simm.s32 $0x0  }
0x3: {  	s28 =	simm.s32 $0x80;
	s29 =	simm.s32 $0x200;
	s5 =	smul.u32 $0x14000, s15  }
0x4: {  	s30 =	simm.s32 $0x1;
	s31 =	simm.s32 $0x2;
	s6 =	smul.u32 $0x50000, s15  }
0x5: {  	s1 =	sand.u32 $0x1, s1;
	[smem:$0x7FF] =	sst s4;
	s25 =	smul.u32 $0x5000, s15  }
0x6: {  	s7 =	sadd.s32 $0x4C00, s0;
	s2 =	smul.u32 $0x140000, s1;
	_ =	strace $0x8000004D  }
0x7: {  	s20 =	ssub.s32 $0x2, s1;
	s9 =	sshll.u32 s1, $0x4;
	s1 =	smul.u32 $0x50000, s1  }
0x8: {  	s8 =	sshrl.u32 s20, $0x1;
	s6 =	sshrl.u32 s6, $0x2;
	s21 =	sor.u32 s15, s9  }
0x9: {  	s2 =	sadd.s32 s5, s2;
	s5 =	sadd.s32 $0x18C00, s0;
	s6 =	sadd.s32 s6, s3  }
0xa: {  	s26 =	sadd.s32 s25, s1;
	s25 =	simm.s32 $0x3;
	s2 =	sshrl.u32 s2, $0x3  }
0xb: {  	s22 =	sadd.s32 $0x2000, s6;
	s23 =	sadd.s32 $0x4000, s6;
	s24 =	sadd.s32 $0x6000, s6  }
0xc: {  	s10 =	sadd.s32 $0x8000, s6;
	s11 =	sadd.s32 $0xA000, s6;
	s12 =	sadd.s32 $0xC000, s6  }
0xd: {  	s13 =	sadd.s32 $0xE000, s6;
	s15 =	sadd.s32 $0x10000, s6;
	s16 =	sadd.s32 $0x12000, s6  }
0xe: {  	s1 =	sor.u32 $0x200, s26;
	s0 =	sadd.s32 s2, s0;
	[dreg:$0x4] =	wrdreg s22  }
0xf: {  	s2 =	ssub.s32 s20, s8;
	[dreg:$0x5] =	wrdreg s23;
	s8 =	smul.u32 $0x5000, s21  }
0x10: {  	[dreg:$0x6] =	wrdreg s24;
	s1 =	sshrl.u32 s1, $0x3;
	s24 =	simm.s32 $0x8200  }
0x11: {  	s18 =	sadd.s32 $0x40C00, s0;
	s19 =	smax.u32 s2, $0x1;
	s0 =	sor.u32 $0x300, s26  }
0x12: {  	s22 =	sadd.s32 s1, s7;
	s26 =	simm.s32 $0x100;
	s2 =	simm.s32 $0x180  }
0x13: {  	s1 =	simm.s32 $0x0;
	s8 =	sshrl.u32 s8, $0x3;
	s0 =	sshrl.u32 s0, $0x3  }
0x14: {  	s14 =	sadd.s32 s7, s8;
	s23 =	sadd.s32 s0, s7;
	s0 =	simm.s32 $0x4200  }
0x15: {  	s17 =	sadd.s32 $0x20, s14;
	s20 =	sadd.s32 $0x9E0, s14;
	s21 =	sadd.s32 $0x9C0, s14  }
.LBB2_1:
0x16: {  	s7 =	rddreg [dreg:$0x1]  }
0x17: {  	[tilespmem:s24], [sflag:$0x3] =	stream.linear.gather [hbm4b:s7+s4], $0x2000, $0x38;
	[tilespmem:$0x1E200] =	vst v63  }
0x18: {  	_ =	swait.ge [sflag:s25], $0x2000  }
0x19: {  	[sflag:s25] =	ssyncset.done $0x0  }
0x1a: {  	[sflag:s25] =	ssyncadd.s32 $0xFFFFE000  }
0x1b: {  	[spmem:s6] =	stream.linear.scatter [tilespmem:s24], [sflag:$0x3], $0x2000, $0x38;
	[tilespmem:$0x1E200] =	vst v63  }
0x1c: {  	_ =	swait.ge [sflag:s25], $0x2000  }
0x1d: {  	[sflag:s25] =	ssyncset.done $0x0  }
0x1e: {  	s8 =	rddreg [dreg:$0x4];
	[sflag:s25] =	ssyncadd.s32 $0xFFFFE000  }
0x1f: {  	[spmem:s8] =	stream.linear.scatter [tilespmem:s24], [sflag:$0x3], $0x2000, $0x38;
	[tilespmem:$0x1E200] =	vst v63  }
0x20: {  	_ =	swait.ge [sflag:s25], $0x2000  }
0x21: {  	[sflag:s25] =	ssyncset.done $0x0  }
0x22: {  	s9 =	rddreg [dreg:$0x5];
	[sflag:s25] =	ssyncadd.s32 $0xFFFFE000  }
0x23: {  	[spmem:s9] =	stream.linear.scatter [tilespmem:s24], [sflag:$0x3], $0x2000, $0x38;
	[tilespmem:$0x1E200] =	vst v63  }
0x24: {  	_ =	swait.ge [sflag:s25], $0x2000  }
0x25: {  	[sflag:s25] =	ssyncset.done $0x0  }
0x26: {  	s8 =	rddreg [dreg:$0x6];
	[sflag:s25] =	ssyncadd.s32 $0xFFFFE000  }
0x27: {  	[spmem:s8] =	stream.linear.scatter [tilespmem:s24], [sflag:$0x3], $0x2000, $0x38;
	[tilespmem:$0x1E200] =	vst v63  }
0x28: {  	_ =	swait.ge [sflag:s25], $0x2000  }
0x29: {  	[sflag:s25] =	ssyncset.done $0x0  }
0x2a: {  	[sflag:s25] =	ssyncadd.s32 $0xFFFFE000  }
0x2b: {  	[spmem:s10] =	stream.linear.scatter [tilespmem:s24], [sflag:$0x3], $0x2000, $0x38;
	[tilespmem:$0x1E200] =	vst v63  }
0x2c: {  	_ =	swait.ge [sflag:s25], $0x2000  }
0x2d: {  	[sflag:s25] =	ssyncset.done $0x0  }
0x2e: {  	[sflag:s25] =	ssyncadd.s32 $0xFFFFE000  }
0x2f: {  	[spmem:s11] =	stream.linear.scatter [tilespmem:s24], [sflag:$0x3], $0x2000, $0x38;
	[tilespmem:$0x1E200] =	vst v63  }
0x30: {  	_ =	swait.ge [sflag:s25], $0x2000  }
0x31: {  	[sflag:s25] =	ssyncset.done $0x0  }
0x32: {  	[sflag:s25] =	ssyncadd.s32 $0xFFFFE000  }
0x33: {  	[spmem:s12] =	stream.linear.scatter [tilespmem:s24], [sflag:$0x3], $0x2000, $0x38;
	[tilespmem:$0x1E200] =	vst v63  }
0x34: {  	_ =	swait.ge [sflag:s25], $0x2000  }
0x35: {  	[sflag:s25] =	ssyncset.done $0x0  }
0x36: {  	[sflag:s25] =	ssyncadd.s32 $0xFFFFE000  }
0x37: {  	[spmem:s13] =	stream.linear.scatter [tilespmem:s24], [sflag:$0x3], $0x2000, $0x38;
	[tilespmem:$0x1E200] =	vst v63  }
0x38: {  	_ =	swait.ge [sflag:s25], $0x2000  }
0x39: {  	[sflag:s25] =	ssyncset.done $0x0  }
0x3a: {  	[sflag:s25] =	ssyncadd.s32 $0xFFFFE000  }
0x3b: {  	[spmem:s15] =	stream.linear.scatter [tilespmem:s24], [sflag:$0x3], $0x2000, $0x38;
	[tilespmem:$0x1E200] =	vst v63  }
0x3c: {  	_ =	swait.ge [sflag:s25], $0x2000  }
0x3d: {  	[sflag:s25] =	ssyncset.done $0x0  }
0x3e: {  	[sflag:s25] =	ssyncadd.s32 $0xFFFFE000  }
0x3f: {  	[spmem:s16] =	stream.linear.scatter [tilespmem:s24], [sflag:$0x3], $0x2000, $0x38;
	[tilespmem:$0x1E200] =	vst v63  }
0x40: {  	_ =	swait.ge [sflag:s25], $0x2000  }
0x41: {  	[sflag:s25] =	ssyncset.done $0x0  }
0x42: {  	[sflag:s25] =	ssyncadd.s32 $0xFFFFE000  }
0x43: {  	[tilespmem:s4], [sflag:$0x3] =	stream.linear.gather [hbm4b:s14+s4], $0x100, $0x38;
	[tilespmem:$0x1E200] =	vst v63  }
0x44: {  	_ =	swait.ge [sflag:s25], $0x100  }
0x45: {  	[sflag:s25] =	ssyncset.done $0x0  }
0x46: {  	[sflag:s25] =	ssyncadd.s32 $0xFFFFFF00  }
0x47: {  	[tilespmem:s26], [sflag:$0x2] =	stream.linear.gather [hbm4b:s17+s4], $0x100, $0x38;
	[tilespmem:$0x1E200] =	vst v63  }
0x48: {  	[bflag:$0x0] =	sbarrier.arrive $0xFFFF  }
0x49: {  	[tilespmem:s29], [sflag:$0x1] =	stream.indirect.gather [hbm4b:s5+s28], $0x80, s4, s28, $0xb8;
	[tilespmem:$0x1E200] =	vst v63  }
0x4a: {  	_ =	swait.ge [sflag:s30], $0x4000  }
0x4b: {  	[sflag:s30] =	ssyncset.done $0x0  }
0x4c: {  	[sflag:s30] =	ssyncadd.s32 $0xFFFFC000  }
0x4d: {  	_ =	swait.ge [sflag:s31], $0x100  }
0x4e: {  	[sflag:s31] =	ssyncset.done $0x0  }
0x4f: {  	[sflag:s31] =	ssyncadd.s32 $0xFFFFFF00  }
0x50: {  	[tilespmem:s0], [sflag:$0x1] =	stream.indirect.gather [hbm4b:s5+s28], $0x80, s26, s28, $0xb8;
	[tilespmem:$0x1E200] =	vst v63  }
0x51: {  	_ = 	snop  }
0x52: {  	[spmem:s3] =	stream.indirect.scatter.add.f32 [tilespmem:s29], [sflag:$0x3], $0x80, s28, s28, $0xb8;
	[tilespmem:$0x1E200] =	vst v63  }
0x53: {  	_ =	swait.ge [sflag:s25], $0x4000  }
0x54: {  	[sflag:s25] =	ssyncset.done $0x0  }
0x55: {  	s9 =	sadd.s32 $0x0, s22;
	[sflag:s25] =	ssyncadd.s32 $0xFFFFC000  }
0x56: {  	[tilespmem:s4], [sflag:$0x2] =	stream.linear.gather [hbm4b:s9+s4], $0x100, $0x38;
	[tilespmem:$0x1E200] =	vst v63  }
0x57: {  	_ =	swait.ge [sflag:s30], $0x4000  }
0x58: {  	[sflag:s30] =	ssyncset.done $0x0  }
0x59: {  	[sflag:s30] =	ssyncadd.s32 $0xFFFFC000  }
0x5a: {  	_ =	swait.ge [sflag:s31], $0x100  }
0x5b: {  	[sflag:s31] =	ssyncset.done $0x0  }
0x5c: {  	[sflag:s31] =	ssyncadd.s32 $0xFFFFFF00  }
0x5d: {  	[tilespmem:s29], [sflag:$0x1] =	stream.indirect.gather [hbm4b:s5+s28], $0x80, s4, s28, $0xb8;
	[tilespmem:$0x1E200] =	vst v63  }
0x5e: {  	_ = 	snop  }
0x5f: {  	[spmem:s3] =	stream.indirect.scatter.add.f32 [tilespmem:s0], [sflag:$0x3], $0x80, s2, s28, $0xb8;
	[tilespmem:$0x1E200] =	vst v63  }
0x60: {  	_ =	swait.ge [sflag:s25], $0x4000  }
0x61: {  	[sflag:s25] =	ssyncset.done $0x0  }
0x62: {  	s7 =	simm.s32 $0x40;
	s8 =	sadd.s32 $0x0, s23;
	[sflag:s25] =	ssyncadd.s32 $0xFFFFC000  }
.LBB2_2:
0x63: {  	[tilespmem:s26], [sflag:$0x2] =	stream.linear.gather [hbm4b:s8+s4], $0x100, $0x38;
	[tilespmem:$0x1E200] =	vst v63  }
0x64: {  	s8 =	smov.u32 s7  }
0x65: {  	p0 =	sne.s32 s7, $0x940;
	s7 =	sadd.s32 $0x40, s7;
	_ =	swait.ge [sflag:s30], $0x4000  }
0x66: {  	[sflag:s30] =	ssyncset.done $0x0  }
0x67: {  	[sflag:s30] =	ssyncadd.s32 $0xFFFFC000  }
0x68: {  	_ =	swait.ge [sflag:s31], $0x100  }
0x69: {  	[sflag:s31] =	ssyncset.done $0x0  }
0x6a: {  	[sflag:s31] =	ssyncadd.s32 $0xFFFFFF00  }
0x6b: {  	[tilespmem:s0], [sflag:$0x1] =	stream.indirect.gather [hbm4b:s5+s28], $0x80, s26, s28, $0xb8;
	[tilespmem:$0x1E200] =	vst v63  }
0x6c: {  	_ = 	snop  }
0x6d: {  	[spmem:s3] =	stream.indirect.scatter.add.f32 [tilespmem:s29], [sflag:$0x3], $0x80, s28, s28, $0xb8;
	[tilespmem:$0x1E200] =	vst v63  }
0x6e: {  	_ =	swait.ge [sflag:s25], $0x4000  }
0x6f: {  	[sflag:s25] =	ssyncset.done $0x0  }
0x70: {  	s9 =	sadd.s32 s8, s22;
	[sflag:s25] =	ssyncadd.s32 $0xFFFFC000  }
0x71: {  	[tilespmem:s4], [sflag:$0x2] =	stream.linear.gather [hbm4b:s9+s4], $0x100, $0x38;
	[tilespmem:$0x1E200] =	vst v63  }
0x72: {  	_ =	swait.ge [sflag:s30], $0x4000  }
0x73: {  	[sflag:s30] =	ssyncset.done $0x0  }
0x74: {  	[sflag:s30] =	ssyncadd.s32 $0xFFFFC000  }
0x75: {  	_ =	swait.ge [sflag:s31], $0x100  }
0x76: {  	[sflag:s31] =	ssyncset.done $0x0  }
0x77: {  	[sflag:s31] =	ssyncadd.s32 $0xFFFFFF00  }
0x78: {  	[tilespmem:s29], [sflag:$0x1] =	stream.indirect.gather [hbm4b:s5+s28], $0x80, s4, s28, $0xb8;
	[tilespmem:$0x1E200] =	vst v63  }
.Ltmp0:
0x79: {  	(pc) =	sbr.rel @p0 .LBB2_2-.Ltmp0, $4  }
0x7a: {  	[spmem:s3] =	stream.indirect.scatter.add.f32 [tilespmem:s0], [sflag:$0x3], $0x80, s2, s28, $0xb8;
	[tilespmem:$0x1E200] =	vst v63  }
0x7b: {  	_ =	swait.ge [sflag:s25], $0x4000  }
0x7c: {  	[sflag:s25] =	ssyncset.done $0x0  }
0x7d: {  	s8 =	sadd.s32 s8, s23;
	[sflag:s25] =	ssyncadd.s32 $0xFFFFC000  }
0x7e: {  	[tilespmem:s26], [sflag:$0x2] =	stream.linear.gather [hbm4b:s8+s4], $0x100, $0x38;
	[tilespmem:$0x1E200] =	vst v63  }
0x7f: {  	_ =	swait.ge [sflag:s30], $0x4000  }
0x80: {  	[sflag:s30] =	ssyncset.done $0x0  }
0x81: {  	[sflag:s30] =	ssyncadd.s32 $0xFFFFC000  }
0x82: {  	_ =	swait.ge [sflag:s31], $0x100  }
0x83: {  	[sflag:s31] =	ssyncset.done $0x0  }
0x84: {  	[sflag:s31] =	ssyncadd.s32 $0xFFFFFF00  }
0x85: {  	[tilespmem:s0], [sflag:$0x1] =	stream.indirect.gather [hbm4b:s5+s28], $0x80, s26, s28, $0xb8;
	[tilespmem:$0x1E200] =	vst v63  }
0x86: {  	_ = 	snop  }
0x87: {  	[spmem:s3] =	stream.indirect.scatter.add.f32 [tilespmem:s29], [sflag:$0x3], $0x80, s28, s28, $0xb8;
	[tilespmem:$0x1E200] =	vst v63  }
0x88: {  	_ =	swait.ge [sflag:s25], $0x4000  }
0x89: {  	[sflag:s25] =	ssyncset.done $0x0  }
0x8a: {  	[sflag:s25] =	ssyncadd.s32 $0xFFFFC000  }
0x8b: {  	[tilespmem:s4], [sflag:$0x2] =	stream.linear.gather [hbm4b:s21+s4], $0x100, $0x38;
	[tilespmem:$0x1E200] =	vst v63  }
0x8c: {  	_ =	swait.ge [sflag:s30], $0x4000  }
0x8d: {  	[sflag:s30] =	ssyncset.done $0x0  }
0x8e: {  	[sflag:s30] =	ssyncadd.s32 $0xFFFFC000  }
0x8f: {  	_ =	swait.ge [sflag:s31], $0x100  }
0x90: {  	[sflag:s31] =	ssyncset.done $0x0  }
0x91: {  	[sflag:s31] =	ssyncadd.s32 $0xFFFFFF00  }
0x92: {  	[tilespmem:s29], [sflag:$0x1] =	stream.indirect.gather [hbm4b:s5+s28], $0x80, s4, s28, $0xb8;
	[tilespmem:$0x1E200] =	vst v63  }
0x93: {  	_ = 	snop  }
0x94: {  	[spmem:s3] =	stream.indirect.scatter.add.f32 [tilespmem:s0], [sflag:$0x3], $0x80, s2, s28, $0xb8;
	[tilespmem:$0x1E200] =	vst v63  }
0x95: {  	_ =	swait.ge [sflag:s25], $0x4000  }
0x96: {  	[sflag:s25] =	ssyncset.done $0x0  }
0x97: {  	[sflag:s25] =	ssyncadd.s32 $0xFFFFC000  }
0x98: {  	[tilespmem:s26], [sflag:$0x2] =	stream.linear.gather [hbm4b:s20+s4], $0x100, $0x38;
	[tilespmem:$0x1E200] =	vst v63  }
0x99: {  	_ =	swait.ge [sflag:s30], $0x4000  }
0x9a: {  	[sflag:s30] =	ssyncset.done $0x0  }
0x9b: {  	[sflag:s30] =	ssyncadd.s32 $0xFFFFC000  }
0x9c: {  	_ =	swait.ge [sflag:s31], $0x100  }
0x9d: {  	[sflag:s31] =	ssyncset.done $0x0  }
0x9e: {  	[sflag:s31] =	ssyncadd.s32 $0xFFFFFF00  }
0x9f: {  	[tilespmem:s0], [sflag:$0x1] =	stream.indirect.gather [hbm4b:s5+s28], $0x80, s26, s28, $0xb8;
	[tilespmem:$0x1E200] =	vst v63  }
0xa0: {  	_ = 	snop  }
0xa1: {  	[spmem:s3] =	stream.indirect.scatter.add.f32 [tilespmem:s29], [sflag:$0x3], $0x80, s28, s28, $0xb8;
	[tilespmem:$0x1E200] =	vst v63  }
0xa2: {  	_ =	swait.ge [sflag:s25], $0x4000  }
0xa3: {  	[sflag:s25] =	ssyncset.done $0x0  }
0xa4: {  	[sflag:s25] =	ssyncadd.s32 $0xFFFFC000  }
0xa5: {  	[tilespmem:s4], [sflag:$0x2] =	stream.linear.gather [hbm4b:s20+s4], $0x100, $0x38;
	[tilespmem:$0x1E200] =	vst v63  }
0xa6: {  	_ =	swait.ge [sflag:s30], $0x4000  }
0xa7: {  	[sflag:s30] =	ssyncset.done $0x0  }
0xa8: {  	[sflag:s30] =	ssyncadd.s32 $0xFFFFC000  }
0xa9: {  	_ =	swait.ge [sflag:s31], $0x100  }
0xaa: {  	[sflag:s31] =	ssyncset.done $0x0  }
0xab: {  	[sflag:s31] =	ssyncadd.s32 $0xFFFFFF00  }
0xac: {  	[tilespmem:s29], [sflag:$0x1] =	stream.indirect.gather [hbm4b:s5+s28], $0x80, s4, s28, $0xb8;
	[tilespmem:$0x1E200] =	vst v63  }
0xad: {  	_ = 	snop  }
0xae: {  	[spmem:s3] =	stream.indirect.scatter.add.f32 [tilespmem:s0], [sflag:$0x3], $0x80, s2, s28, $0xb8;
	[tilespmem:$0x1E200] =	vst v63  }
0xaf: {  	_ =	swait.ge [sflag:s25], $0x4000  }
0xb0: {  	[sflag:s25] =	ssyncset.done $0x0  }
0xb1: {  	[sflag:s25] =	ssyncadd.s32 $0xFFFFC000  }
0xb2: {  	[tilespmem:s26], [sflag:$0x2] =	stream.linear.gather [hbm4b:s20+s4], $0x100, $0x38;
	[tilespmem:$0x1E200] =	vst v63  }
0xb3: {  	_ =	swait.ge [sflag:s30], $0x4000  }
0xb4: {  	[sflag:s30] =	ssyncset.done $0x0  }
0xb5: {  	[sflag:s30] =	ssyncadd.s32 $0xFFFFC000  }
0xb6: {  	s7 =	stileid.u32;
	_ =	swait.ge [sflag:s31], $0x100  }
0xb7: {  	s9 =	sshrl.u32 s6, $0x3;
	s1 =	sadd.s32 $0x1, s1;
	[sflag:s31] =	ssyncset.done $0x0  }
0xb8: {  	s7 =	sshll.u32 s7, $0x6;
	p0 =	sne.s32 s1, s19;
	[sflag:s31] =	ssyncadd.s32 $0xFFFFFF00  }
.Ltmp1:
0xb9: {  	s7 =	sor.u32 $0x1C03, s7;
	[bflag:$0x0] =	sbarrier.arrive $0xFFFF;
	(pc) =	sbr.rel @p0 .LBB2_1-.Ltmp1, $4  }
0xba: {  	[hbm:s18], [sflag:s7] =	dma.local [spmem:s9], $0x2800  }
0xbb: {  	_ =	swait.ge [sflag:s25], $0x2800  }
0xbc: {  	[sflag:s25] =	ssyncset.done $0x0  }
0xbd: {  	[sflag:s25] =	ssyncadd.s32 $0xFFFFD800  }
0xbe: {  	_ =	sfence.sel $0x180000  }
0xbf: {  	[bflag:$0x0] =	sbarrier.arrive $0xFFFF  }
0xc0: {  	_ =	strace $0x9000004D  }
0xc1: {  	s0 =	stileid.u32;
	[bflag:$0x2] =	sbarrier.arrive $0xFFFF  }
0xc2: {  	p0 =	sne.s32 s0, $0x0;
	s0 =	rddreg [dreg:$0x3]  }
0xc3: {  	s0 =	sadd.s32 @!p0 $0x100000, s0  }
0xc4: {  	[sflag:s0] =	ssyncadd.tile.s32 @!p0 $0x1;
	_ =	shalt  }
.Lfunc_end2:
_tile_overlayer_lowered:
.L_overlay_start_2:
0xc5: {  	(tag) =	ssettag $0x2  }
0xc6: {  	s0 =	rddreg [dreg:$0x0];
	s2 =	stileid.u32  }
0xc7: {  	s1 =	rddreg [dreg:$0x1];
	p0 =	sne.s32 s2, $0x0  }
0xc8: {  	s3 =	rddreg [dreg:$0x2];
	[bflag:$0x3] =	sbarrier.arrive $0xFFFF;
	s2 =	simm.s32 @!p0 $0x1C03  }
0xc9: {  	[timem:s3], [sflag:s2] =	dma.local @!p0 [hbm:s0], s1  }
0xca: {  	s0 =	simm.s32 @!p0 $0x3  }
0xcb: {  	_ =	swait.ge @!p0 [sflag:s0], s1  }
0xcc: {  	s1 =	ssub.s32 @!p0 $0x0, s1;
	[sflag:s0] =	ssyncset.done @!p0 $0x0  }
0xcd: {  	[sflag:s0] =	ssyncadd.s32 @!p0 s1  }
0xce: {  	[bflag:$0x3] =	sbarrier.arrive $0xFFFF  }
0xcf: {  	_ =	shalt  }

// kernel: kernel.19.cloned.1.call-start
scs
__scs_entry_jumppad:
0x0: {  	(pc) =	sbr.rel $0x88, $3  }
0x1: {  	(tag) =	ssettag $0x0;
	lr =	simm.s32 $0x1  }
0x2: {  	[smem:$0x3F90] =	sst lr;
	_ =	strace $0xD0000000  }
0x3: {  	_ = 	snop  }
0x4: {  	_ = 	snop  }
0x5: {  	_ = 	snop  }
0x6: {  	_ = 	snop  }
0x7: {  	_ = 	snop  }
__scs_overlays_trampoline_lowered:
0x8: {  	[smem:$0x3F9F] =	sst s0  }
0x9: {  	[smem:$0x3FA0] =	sst s1  }
0xa: {  	[smem:$0x3FA1] =	sst s2  }
0xb: {  	[smem:$0x3FA2] =	sst s3  }
0xc: {  	[smem:$0x3FA3] =	sst s4  }
0xd: {  	[smem:$0x3FA4] =	sst s5  }
0xe: {  	[smem:$0x3FA5] =	sst s6  }
0xf: {  	[smem:$0x3FA6] =	sst s7  }
0x10: {  	[smem:$0x3FA7] =	sst s8  }
0x11: {  	[smem:$0x3FA8] =	sst s9;
	s0 =	simm.s32 @!p0 $0x0  }
0x12: {  	s1 =	sld [smem:$0x3F8E];
	s0 =	simm.s32 @p0 $0x1  }
0x13: {  	[smem:$0x3FA9] =	sst s0;
	s0 =	simm.s32 @!p1 $0x0  }
0x14: {  	s2 =	sld [smem:$0x3F8D];
	s0 =	simm.s32 @p1 $0x1  }
0x15: {  	[smem:$0x3FAA] =	sst s0;
	s0 =	simm.s32 @!p2 $0x0  }
0x16: {  	s3 =	sld [smem:$0x3FDB];
	s0 =	simm.s32 @p2 $0x1  }
0x17: {  	s4 =	simm.s32 $0x1BF5;
	[smem:$0x3FAC] =	sst s0  }
0x18: {  	s0 =	sld [smem:$0x3F8F];
	_ =	swait.ge [sflag:s4], $0x0  }
0x19: {  	s7 =	sld [smem:$0x3F90]  }
0x1a: {  	s8 =	sadd.s32 $0xFFFFE003, lr  }
0x1b: {  	s9 =	sadd.s32 $0xFFFFFEF7, lr;
	s5 =	simm.s32 $0xFFFFFFFF;
	p2 =	slt.u32 s8, $0xFFFFF086  }
0x1c: {  	p1 =	slt.u32 s9, $0xF7A;
	s5 =	simm.s32 @!p2 $0x0  }
0x1d: {  	s5 =	simm.s32 @p1 $0x1;
	p0 =	seq.s32 s7, s2  }
0x1e: {  	s7 =	smul.u32 @!p0 $0xF7A, s2;
	p2 =	seq.s32 @!p0 s5, $0x0  }
0x1f: {  	s9 =	smul.u32 $0xF7A, s1;
	s8 =	simm.s32 @!p0 $0x1BF5;
	p2 =	por !p2, p0  }
0x20: {  	[sflag:s8] =	ssyncset.s32 @!p0 $0xFFFFF086;
	s6 =	sadd.s32 @!p0 s3, s7;
	s7 =	simm.s32 @!p0 $0x108  }
0x21: {  	s3 =	sadd.s32 s3, s9;
	s6 =	sadd.s32 @!p0 $0x88, s6;
	s7 =	simm.s32 @p2 $0x1082  }
0x22: {  	[simem:s7], [sflag:s8] =	dma.local @!p0 [hbm:s6], $0xF7A  }
0x23: {  	s9 =	sor.u32 $0xD0000000, s2;
	s6 =	simm.s32 $0x108;
	_ =	swait.ge @!p0 [sflag:s8], $0x0  }
0x24: {  	s3 =	sadd.s32 $0x88, s3;
	s6 =	simm.s32 @!p1 $0x1082;
	[sflag:s4] =	ssyncset.s32 $0xFFFFF086  }
0x25: {  	[simem:s6], [sflag:s4] =	dma.local [hbm:s3], $0xF7A  }
0x26: {  	[smem:$0x3F90] =	sst s1;
	(tag) =	ssettag s2;
	_ =	strace s9  }
0x27: {  	s1 =	sld [smem:$0x3FA0]  }
0x28: {  	s2 =	sld [smem:$0x3FA1]  }
0x29: {  	s4 =	sld [smem:$0x3FA3]  }
0x2a: {  	p0 =	seq.s32 s5, $0x0;
	s5 =	sld [smem:$0x3FA4]  }
0x2b: {  	s6 =	sld [smem:$0x3FA5]  }
0x2c: {  	s7 =	sld [smem:$0x3FA6]  }
0x2d: {  	s3 =	simm.s32 $0x108;
	s8 =	sld [smem:$0x3FA7]  }
0x2e: {  	s3 =	simm.s32 @!p0 $0x1082;
	s9 =	sld [smem:$0x3FA8]  }
0x2f: {  	lr =	sadd.s32 s0, s3;
	s0 =	sld [smem:$0x3F9F]  }
0x30: {  	s3 =	sld [smem:$0x3FA2]  }
0x31: {  	[smem:$0x3FAB] =	sst s10  }
0x32: {  	s10 =	sld [smem:$0x3FA9];
	_ =	sdelay $0x3  }
0x33: {  	p0 =	seq.s32 s10, $0x1;
	s10 =	sld [smem:$0x3FAB];
	_ =	sdelay $0x3  }
0x34: {  	[smem:$0x3FAB] =	sst s10  }
0x35: {  	s10 =	sld [smem:$0x3FAA];
	_ =	sdelay $0x3  }
0x36: {  	p1 =	seq.s32 s10, $0x1;
	s10 =	sld [smem:$0x3FAB];
	_ =	sdelay $0x3  }
0x37: {  	[smem:$0x3FAB] =	sst s10  }
0x38: {  	s10 =	sld [smem:$0x3FAC]  }
0x39: {  	_ = 	snop;
	(pc) =	sbr.ind lr, $3  }
0x3a: {  	_ = 	snop  }
0x3b: {  	_ = 	snop  }
0x3c: {  	p2 =	seq.s32 s10, $0x1;
	s10 =	sld [smem:$0x3FAB]  }
0x3d: {  	_ =	shalt  }
0x3e: {  	_ =	shalt  }
0x3f: {  	_ =	shalt  }
0x40: {  	_ =	shalt  }
0x41: {  	_ =	shalt  }
0x42: {  	_ =	shalt  }
0x43: {  	_ =	shalt  }
0x44: {  	_ =	shalt  }
0x45: {  	_ =	shalt  }
0x46: {  	_ =	shalt  }
0x47: {  	_ =	shalt  }
0x48: {  	_ =	shalt  }
0x49: {  	_ =	shalt  }
0x4a: {  	_ =	shalt  }
0x4b: {  	_ =	shalt  }
0x4c: {  	_ =	shalt  }
0x4d: {  	_ =	shalt  }
0x4e: {  	_ =	shalt  }
0x4f: {  	_ =	shalt  }
0x50: {  	_ =	shalt  }
0x51: {  	_ =	shalt  }
0x52: {  	_ =	shalt  }
0x53: {  	_ =	shalt  }
0x54: {  	_ =	shalt  }
0x55: {  	_ =	shalt  }
0x56: {  	_ =	shalt  }
0x57: {  	_ =	shalt  }
0x58: {  	_ =	shalt  }
0x59: {  	_ =	shalt  }
0x5a: {  	_ =	shalt  }
0x5b: {  	_ =	shalt  }
0x5c: {  	_ =	shalt  }
0x5d: {  	_ =	shalt  }
0x5e: {  	_ =	shalt  }
0x5f: {  	_ =	shalt  }
0x60: {  	_ =	shalt  }
0x61: {  	_ =	shalt  }
0x62: {  	_ =	shalt  }
0x63: {  	_ =	shalt  }
0x64: {  	_ =	shalt  }
0x65: {  	_ =	shalt  }
0x66: {  	_ =	shalt  }
0x67: {  	_ =	shalt  }
0x68: {  	_ =	shalt  }
0x69: {  	_ =	shalt  }
0x6a: {  	_ =	shalt  }
0x6b: {  	_ =	shalt  }
0x6c: {  	_ =	shalt  }
0x6d: {  	_ =	shalt  }
0x6e: {  	_ =	shalt  }
0x6f: {  	_ =	shalt  }
0x70: {  	_ =	shalt  }
0x71: {  	_ =	shalt  }
0x72: {  	_ =	shalt  }
0x73: {  	_ =	shalt  }
0x74: {  	_ =	shalt  }
0x75: {  	_ =	shalt  }
0x76: {  	_ =	shalt  }
0x77: {  	_ =	shalt  }
0x78: {  	_ =	shalt  }
0x79: {  	_ =	shalt  }
0x7a: {  	_ =	shalt  }
0x7b: {  	_ =	shalt  }
0x7c: {  	_ =	shalt  }
0x7d: {  	_ =	shalt  }
0x7e: {  	_ =	shalt  }
0x7f: {  	_ =	shalt  }
0x80: {  	_ =	shalt  }
0x81: {  	_ =	shalt  }
0x82: {  	_ =	shalt  }
0x83: {  	_ =	shalt  }
0x84: {  	_ =	shalt  }
0x85: {  	_ =	shalt  }
0x86: {  	_ =	shalt  }
0x87: {  	_ =	shalt  }
.Lfunc_end0:
.L_simem_size_0:
called_computation.3_lowered:
.L_overlay_start_0:
0x88: {  	s2 =	sld [smem:$0x3FD9]  }
0x89: {  	s3 =	sld [smem:$0x3FFE];
	_ =	sdelay $0x1  }
0x8a: {  	s1 =	srdreg.scid  }
0x8b: {  	s0 =	sand.u32 $0x1, s1  }
0x8c: {  	s14 =	sshll.u32 s0, $0xA;
	s2 =	sadd.s32 s3, s2  }
0x8d: {  	s2 =	sadd.s32 s2, s14  }
0x8e: {  	[smem:$0x3FB7] =	sst s2  }
0x8f: {  	_ = 	snop  }
0x90: {  	s2 =	sld [smem:$0x3FD0];
	_ =	sdelay $0x2  }
0x91: {  	s15 =	simm.s32 $0xA;
	s4 =	simm.s32 $0x10  }
0x92: {  	[smem:s4], [sflag:s15] =	dma.local [hbm:s2], $0x1  }
0x93: {  	_ =	swait.eq [sflag:s15], $0x1  }
0x94: {  	[sflag:s15] =	ssyncset.done $0x0  }
0x95: {  	[sflag:s15] =	ssyncadd.s32 $0xFFFFFFFF  }
0x96: {  	s16 =	sld [smem:$0x10];
	(tm) =	ssettm $0x1  }
0x97: {  	s17 =	sld [smem:$0x3FFB];
	_ =	sdelay $0x3  }
0x98: {  	_ =	strace s17  }
0x99: {  	s3 =	sld [smem:$0x3FFC];
	_ =	sdelay $0x3  }
0x9a: {  	_ =	strace s3  }
0x9b: {  	s3 =	sld [smem:$0x3FFD];
	_ =	sdelay $0x3  }
0x9c: {  	_ =	strace s3  }
0x9d: {  	_ =	strace $0x8FFFFFFF  }
0x9e: {  	s18 =	sld [smem:$0x3FDB];
	_ =	sdelay $0x1  }
0x9f: {  	s19 =	simm.s32 $_scs_section_size  }
0xa0: {  	s5 =	simm.s32 $_size__tile_overlayer_lowered;
	s6 =	simm.s32 $_tile_overlayer_lowered  }
0xa1: {  	s22 =	simm.s32 $0x1BFF;
	s21 =	sshll.u32 s6, $0x1;
	s3 =	sadd.s32 s19, s18  }
0xa2: {  	s7 =	simm.s32 $0x0;
	s20 =	sshll.u32 s5, $0x1;
	s5 =	sadd.s32 s21, s3  }
0xa3: {  	[timem:s7], [sflag:s22] =	dma.local [hbm:s5], s20  }
0xa4: {  	_ =	swait.ge [sflag:s22], s20  }
0xa5: {  	s4 =	ssub.s32 $0x0, s20;
	[sflag:s22] =	ssyncset.done $0x0  }
0xa6: {  	[sflag:s22] =	ssyncadd.s32 s4;
	_ =	sdelay $0x1  }
0xa7: {  	s23 =	simm.s32 $0x1B8B  }
0xa8: {  	_ =	swait.ge [sflag:s23], $0x1  }
0xa9: {  	[sflag:s23] =	ssyncset.done $0x0  }
0xaa: {  	s25 =	simm.s32 $0x1B8E;
	s24 =	sld [smem:$0x3FFE];
	[sflag:s23] =	ssyncadd.s32 $0xFFFFFFFF  }
0xab: {  	s26 =	simm.s32 $execute0_lowered;
	[smem:$0x3FD2] =	sst s25  }
0xac: {  	s5 =	sshll.u32 s26, $0x1;
	_ =	strace $0x8000004F;
	[dreg:$0x1] =	wrdreg $0xFFFFFFFF  }
0xad: {  	s28 =	simm.s32 $_size_execute0_lowered;
	s3 =	sadd.s32 s3, s5;
	[dreg:$0x0] =	wrdreg $0x0  }
0xae: {  	s5 =	sshll.u32 s28, $0x1;
	[dreg:$0x2] =	wrdreg s3  }
0xaf: {  	[dreg:$0x3] =	wrdreg s5  }
0xb0: {  	[dreg:$0x4] =	wrdreg $0xC0  }
0xb1: {  	_ =	task [dreg:s7], $0x5FFFF  }
0xb2: {  	[dreg:$0x1] =	wrdreg $0xFFFFFFFF  }
0xb3: {  	[dreg:$0x0] =	wrdreg $0x60  }
0xb4: {  	[dreg:$0x2] =	wrdreg s24  }
0xb5: {  	[dreg:$0x3] =	wrdreg s16  }
0xb6: {  	[dreg:$0x4] =	wrdreg $0xA2000  }
0xb7: {  	[dreg:$0x5] =	wrdreg $0x9  }
0xb8: {  	_ =	task.clear_ibuf [dreg:s7], $0x6FFFF;
	_ =	strace $0x9000004F  }
0xb9: {  	s29 =	simm.s32 $0x9;
	_ =	strace $0x80000051  }
0xba: {  	_ =	swait.ge [sflag:s29], $0x1  }
0xbb: {  	[sflag:s29] =	ssyncadd.s32 $0xFFFFFFFF  }
0xbc: {  	_ =	strace $0x90000051  }
0xbd: {  	_ =	sfence  }
0xbe: {  	s30 =	sld [smem:$0x0];
	_ =	sdelay $0x2  }
0xbf: {  	s31 =	sshll.u32 s1, $0xD;
	s1 =	sshrl.u32 s1, $0x2  }
0xc0: {  	s3 =	sand.u32 $0x4000, s31;
	s1 =	sadd.s32 s1, s30  }
0xc1: {  	s0 =	sor.u32 s3, s0;
	s1 =	sshll.u32 s1, $0x11  }
0xc2: {  	s0 =	sor.u32 s1, s0  }
0xc3: {  	s0 =	sadd.s32 $0x8F2B, s0  }
0xc4: {  	[sflag:s0] =	ssyncadd.remote.s32 $0x1  }
0xc5: {  	_ =	sfence.sel $0xFFFF  }
0xc6: {  	[dreg:$0x0] =	wrdreg $0xFFFFFFFF;
	(pc) =	sbr.abs _section_cstart, $3  }
0xc7: {  	[dreg:$0x1] =	wrdreg $0xFFFFFFFF  }
0xc8: {  	_ =	task.clear_ibuf [dreg:s7], $0x2FFFF;
	_ =	strace $0x9FFFFFFF  }
0xc9: {  	(tm) =	ssettm $0x7FFFFFFF  }
tec
execute0_lowered:
.L_overlay_start_1:
0x0: {  	(tag) =	ssettag $0x1  }
0x1: {  	s0 =	rddreg [dreg:$0x0];
	s1 =	srdreg.scid  }
0x2: {  	s3 =	rddreg [dreg:$0x2];
	s15 =	stileid.u32;
	s4 =	simm.s32 $0x0  }
0x3: {  	s28 =	simm.s32 $0x80;
	s29 =	simm.s32 $0x200;
	s5 =	smul.u32 $0x14000, s15  }
0x4: {  	s30 =	simm.s32 $0x1;
	s31 =	simm.s32 $0x2;
	s6 =	smul.u32 $0x50000, s15  }
0x5: {  	s1 =	sand.u32 $0x1, s1;
	[smem:$0x7FF] =	sst s4;
	s25 =	smul.u32 $0x5000, s15  }
0x6: {  	s7 =	sadd.s32 $0x4C00, s0;
	s2 =	smul.u32 $0x140000, s1;
	_ =	strace $0x80000050  }
0x7: {  	s20 =	ssub.s32 $0x2, s1;
	s9 =	sshll.u32 s1, $0x4;
	s1 =	smul.u32 $0x50000, s1  }
0x8: {  	s8 =	sshrl.u32 s20, $0x1;
	s6 =	sshrl.u32 s6, $0x2;
	s21 =	sor.u32 s15, s9  }
0x9: {  	s2 =	sadd.s32 s5, s2;
	s5 =	sadd.s32 $0x18C00, s0;
	s6 =	sadd.s32 s6, s3  }
0xa: {  	s26 =	sadd.s32 s25, s1;
	s25 =	simm.s32 $0x3;
	s2 =	sshrl.u32 s2, $0x3  }
0xb: {  	s22 =	sadd.s32 $0x2000, s6;
	s23 =	sadd.s32 $0x4000, s6;
	s24 =	sadd.s32 $0x6000, s6  }
0xc: {  	s10 =	sadd.s32 $0x8000, s6;
	s11 =	sadd.s32 $0xA000, s6;
	s12 =	sadd.s32 $0xC000, s6  }
0xd: {  	s13 =	sadd.s32 $0xE000, s6;
	s15 =	sadd.s32 $0x10000, s6;
	s16 =	sadd.s32 $0x12000, s6  }
0xe: {  	s1 =	sor.u32 $0x200, s26;
	s0 =	sadd.s32 s2, s0;
	[dreg:$0x4] =	wrdreg s22  }
0xf: {  	s2 =	ssub.s32 s20, s8;
	[dreg:$0x5] =	wrdreg s23;
	s8 =	smul.u32 $0x5000, s21  }
0x10: {  	[dreg:$0x6] =	wrdreg s24;
	s1 =	sshrl.u32 s1, $0x3;
	s24 =	simm.s32 $0x8200  }
0x11: {  	s18 =	sadd.s32 $0x40C00, s0;
	s19 =	smax.u32 s2, $0x1;
	s0 =	sor.u32 $0x300, s26  }
0x12: {  	s22 =	sadd.s32 s1, s7;
	s26 =	simm.s32 $0x100;
	s2 =	simm.s32 $0x180  }
0x13: {  	s1 =	simm.s32 $0x0;
	s8 =	sshrl.u32 s8, $0x3;
	s0 =	sshrl.u32 s0, $0x3  }
0x14: {  	s14 =	sadd.s32 s7, s8;
	s23 =	sadd.s32 s0, s7;
	s0 =	simm.s32 $0x4200  }
0x15: {  	s17 =	sadd.s32 $0x20, s14;
	s20 =	sadd.s32 $0x9E0, s14;
	s21 =	sadd.s32 $0x9C0, s14  }
.LBB2_1:
0x16: {  	s7 =	rddreg [dreg:$0x1]  }
0x17: {  	[tilespmem:s24], [sflag:$0x3] =	stream.linear.gather [hbm4b:s7+s4], $0x2000, $0x38;
	[tilespmem:$0x1E200] =	vst v63  }
0x18: {  	_ =	swait.ge [sflag:s25], $0x2000  }
0x19: {  	[sflag:s25] =	ssyncset.done $0x0  }
0x1a: {  	[sflag:s25] =	ssyncadd.s32 $0xFFFFE000  }
0x1b: {  	[spmem:s6] =	stream.linear.scatter [tilespmem:s24], [sflag:$0x3], $0x2000, $0x38;
	[tilespmem:$0x1E200] =	vst v63  }
0x1c: {  	_ =	swait.ge [sflag:s25], $0x2000  }
0x1d: {  	[sflag:s25] =	ssyncset.done $0x0  }
0x1e: {  	s8 =	rddreg [dreg:$0x4];
	[sflag:s25] =	ssyncadd.s32 $0xFFFFE000  }
0x1f: {  	[spmem:s8] =	stream.linear.scatter [tilespmem:s24], [sflag:$0x3], $0x2000, $0x38;
	[tilespmem:$0x1E200] =	vst v63  }
0x20: {  	_ =	swait.ge [sflag:s25], $0x2000  }
0x21: {  	[sflag:s25] =	ssyncset.done $0x0  }
0x22: {  	s9 =	rddreg [dreg:$0x5];
	[sflag:s25] =	ssyncadd.s32 $0xFFFFE000  }
0x23: {  	[spmem:s9] =	stream.linear.scatter [tilespmem:s24], [sflag:$0x3], $0x2000, $0x38;
	[tilespmem:$0x1E200] =	vst v63  }
0x24: {  	_ =	swait.ge [sflag:s25], $0x2000  }
0x25: {  	[sflag:s25] =	ssyncset.done $0x0  }
0x26: {  	s8 =	rddreg [dreg:$0x6];
	[sflag:s25] =	ssyncadd.s32 $0xFFFFE000  }
0x27: {  	[spmem:s8] =	stream.linear.scatter [tilespmem:s24], [sflag:$0x3], $0x2000, $0x38;
	[tilespmem:$0x1E200] =	vst v63  }
0x28: {  	_ =	swait.ge [sflag:s25], $0x2000  }
0x29: {  	[sflag:s25] =	ssyncset.done $0x0  }
0x2a: {  	[sflag:s25] =	ssyncadd.s32 $0xFFFFE000  }
0x2b: {  	[spmem:s10] =	stream.linear.scatter [tilespmem:s24], [sflag:$0x3], $0x2000, $0x38;
	[tilespmem:$0x1E200] =	vst v63  }
0x2c: {  	_ =	swait.ge [sflag:s25], $0x2000  }
0x2d: {  	[sflag:s25] =	ssyncset.done $0x0  }
0x2e: {  	[sflag:s25] =	ssyncadd.s32 $0xFFFFE000  }
0x2f: {  	[spmem:s11] =	stream.linear.scatter [tilespmem:s24], [sflag:$0x3], $0x2000, $0x38;
	[tilespmem:$0x1E200] =	vst v63  }
0x30: {  	_ =	swait.ge [sflag:s25], $0x2000  }
0x31: {  	[sflag:s25] =	ssyncset.done $0x0  }
0x32: {  	[sflag:s25] =	ssyncadd.s32 $0xFFFFE000  }
0x33: {  	[spmem:s12] =	stream.linear.scatter [tilespmem:s24], [sflag:$0x3], $0x2000, $0x38;
	[tilespmem:$0x1E200] =	vst v63  }
0x34: {  	_ =	swait.ge [sflag:s25], $0x2000  }
0x35: {  	[sflag:s25] =	ssyncset.done $0x0  }
0x36: {  	[sflag:s25] =	ssyncadd.s32 $0xFFFFE000  }
0x37: {  	[spmem:s13] =	stream.linear.scatter [tilespmem:s24], [sflag:$0x3], $0x2000, $0x38;
	[tilespmem:$0x1E200] =	vst v63  }
0x38: {  	_ =	swait.ge [sflag:s25], $0x2000  }
0x39: {  	[sflag:s25] =	ssyncset.done $0x0  }
0x3a: {  	[sflag:s25] =	ssyncadd.s32 $0xFFFFE000  }
0x3b: {  	[spmem:s15] =	stream.linear.scatter [tilespmem:s24], [sflag:$0x3], $0x2000, $0x38;
	[tilespmem:$0x1E200] =	vst v63  }
0x3c: {  	_ =	swait.ge [sflag:s25], $0x2000  }
0x3d: {  	[sflag:s25] =	ssyncset.done $0x0  }
0x3e: {  	[sflag:s25] =	ssyncadd.s32 $0xFFFFE000  }
0x3f: {  	[spmem:s16] =	stream.linear.scatter [tilespmem:s24], [sflag:$0x3], $0x2000, $0x38;
	[tilespmem:$0x1E200] =	vst v63  }
0x40: {  	_ =	swait.ge [sflag:s25], $0x2000  }
0x41: {  	[sflag:s25] =	ssyncset.done $0x0  }
0x42: {  	[sflag:s25] =	ssyncadd.s32 $0xFFFFE000  }
0x43: {  	[tilespmem:s4], [sflag:$0x3] =	stream.linear.gather [hbm4b:s14+s4], $0x100, $0x38;
	[tilespmem:$0x1E200] =	vst v63  }
0x44: {  	_ =	swait.ge [sflag:s25], $0x100  }
0x45: {  	[sflag:s25] =	ssyncset.done $0x0  }
0x46: {  	[sflag:s25] =	ssyncadd.s32 $0xFFFFFF00  }
0x47: {  	[tilespmem:s26], [sflag:$0x2] =	stream.linear.gather [hbm4b:s17+s4], $0x100, $0x38;
	[tilespmem:$0x1E200] =	vst v63  }
0x48: {  	[bflag:$0x0] =	sbarrier.arrive $0xFFFF  }
0x49: {  	[tilespmem:s29], [sflag:$0x1] =	stream.indirect.gather [hbm4b:s5+s28], $0x80, s4, s28, $0xb8;
	[tilespmem:$0x1E200] =	vst v63  }
0x4a: {  	_ =	swait.ge [sflag:s30], $0x4000  }
0x4b: {  	[sflag:s30] =	ssyncset.done $0x0  }
0x4c: {  	[sflag:s30] =	ssyncadd.s32 $0xFFFFC000  }
0x4d: {  	_ =	swait.ge [sflag:s31], $0x100  }
0x4e: {  	[sflag:s31] =	ssyncset.done $0x0  }
0x4f: {  	[sflag:s31] =	ssyncadd.s32 $0xFFFFFF00  }
0x50: {  	[tilespmem:s0], [sflag:$0x1] =	stream.indirect.gather [hbm4b:s5+s28], $0x80, s26, s28, $0xb8;
	[tilespmem:$0x1E200] =	vst v63  }
0x51: {  	_ = 	snop  }
0x52: {  	[spmem:s3] =	stream.indirect.scatter.add.f32 [tilespmem:s29], [sflag:$0x3], $0x80, s28, s28, $0xb8;
	[tilespmem:$0x1E200] =	vst v63  }
0x53: {  	_ =	swait.ge [sflag:s25], $0x4000  }
0x54: {  	[sflag:s25] =	ssyncset.done $0x0  }
0x55: {  	s9 =	sadd.s32 $0x0, s22;
	[sflag:s25] =	ssyncadd.s32 $0xFFFFC000  }
0x56: {  	[tilespmem:s4], [sflag:$0x2] =	stream.linear.gather [hbm4b:s9+s4], $0x100, $0x38;
	[tilespmem:$0x1E200] =	vst v63  }
0x57: {  	_ =	swait.ge [sflag:s30], $0x4000  }
0x58: {  	[sflag:s30] =	ssyncset.done $0x0  }
0x59: {  	[sflag:s30] =	ssyncadd.s32 $0xFFFFC000  }
0x5a: {  	_ =	swait.ge [sflag:s31], $0x100  }
0x5b: {  	[sflag:s31] =	ssyncset.done $0x0  }
0x5c: {  	[sflag:s31] =	ssyncadd.s32 $0xFFFFFF00  }
0x5d: {  	[tilespmem:s29], [sflag:$0x1] =	stream.indirect.gather [hbm4b:s5+s28], $0x80, s4, s28, $0xb8;
	[tilespmem:$0x1E200] =	vst v63  }
0x5e: {  	_ = 	snop  }
0x5f: {  	[spmem:s3] =	stream.indirect.scatter.add.f32 [tilespmem:s0], [sflag:$0x3], $0x80, s2, s28, $0xb8;
	[tilespmem:$0x1E200] =	vst v63  }
0x60: {  	_ =	swait.ge [sflag:s25], $0x4000  }
0x61: {  	[sflag:s25] =	ssyncset.done $0x0  }
0x62: {  	s7 =	simm.s32 $0x40;
	s8 =	sadd.s32 $0x0, s23;
	[sflag:s25] =	ssyncadd.s32 $0xFFFFC000  }
.LBB2_2:
0x63: {  	[tilespmem:s26], [sflag:$0x2] =	stream.linear.gather [hbm4b:s8+s4], $0x100, $0x38;
	[tilespmem:$0x1E200] =	vst v63  }
0x64: {  	s8 =	smov.u32 s7  }
0x65: {  	p0 =	sne.s32 s7, $0x940;
	s7 =	sadd.s32 $0x40, s7;
	_ =	swait.ge [sflag:s30], $0x4000  }
0x66: {  	[sflag:s30] =	ssyncset.done $0x0  }
0x67: {  	[sflag:s30] =	ssyncadd.s32 $0xFFFFC000  }
0x68: {  	_ =	swait.ge [sflag:s31], $0x100  }
0x69: {  	[sflag:s31] =	ssyncset.done $0x0  }
0x6a: {  	[sflag:s31] =	ssyncadd.s32 $0xFFFFFF00  }
0x6b: {  	[tilespmem:s0], [sflag:$0x1] =	stream.indirect.gather [hbm4b:s5+s28], $0x80, s26, s28, $0xb8;
	[tilespmem:$0x1E200] =	vst v63  }
0x6c: {  	_ = 	snop  }
0x6d: {  	[spmem:s3] =	stream.indirect.scatter.add.f32 [tilespmem:s29], [sflag:$0x3], $0x80, s28, s28, $0xb8;
	[tilespmem:$0x1E200] =	vst v63  }
0x6e: {  	_ =	swait.ge [sflag:s25], $0x4000  }
0x6f: {  	[sflag:s25] =	ssyncset.done $0x0  }
0x70: {  	s9 =	sadd.s32 s8, s22;
	[sflag:s25] =	ssyncadd.s32 $0xFFFFC000  }
0x71: {  	[tilespmem:s4], [sflag:$0x2] =	stream.linear.gather [hbm4b:s9+s4], $0x100, $0x38;
	[tilespmem:$0x1E200] =	vst v63  }
0x72: {  	_ =	swait.ge [sflag:s30], $0x4000  }
0x73: {  	[sflag:s30] =	ssyncset.done $0x0  }
0x74: {  	[sflag:s30] =	ssyncadd.s32 $0xFFFFC000  }
0x75: {  	_ =	swait.ge [sflag:s31], $0x100  }
0x76: {  	[sflag:s31] =	ssyncset.done $0x0  }
0x77: {  	[sflag:s31] =	ssyncadd.s32 $0xFFFFFF00  }
0x78: {  	[tilespmem:s29], [sflag:$0x1] =	stream.indirect.gather [hbm4b:s5+s28], $0x80, s4, s28, $0xb8;
	[tilespmem:$0x1E200] =	vst v63  }
.Ltmp0:
0x79: {  	(pc) =	sbr.rel @p0 .LBB2_2-.Ltmp0, $4  }
0x7a: {  	[spmem:s3] =	stream.indirect.scatter.add.f32 [tilespmem:s0], [sflag:$0x3], $0x80, s2, s28, $0xb8;
	[tilespmem:$0x1E200] =	vst v63  }
0x7b: {  	_ =	swait.ge [sflag:s25], $0x4000  }
0x7c: {  	[sflag:s25] =	ssyncset.done $0x0  }
0x7d: {  	s8 =	sadd.s32 s8, s23;
	[sflag:s25] =	ssyncadd.s32 $0xFFFFC000  }
0x7e: {  	[tilespmem:s26], [sflag:$0x2] =	stream.linear.gather [hbm4b:s8+s4], $0x100, $0x38;
	[tilespmem:$0x1E200] =	vst v63  }
0x7f: {  	_ =	swait.ge [sflag:s30], $0x4000  }
0x80: {  	[sflag:s30] =	ssyncset.done $0x0  }
0x81: {  	[sflag:s30] =	ssyncadd.s32 $0xFFFFC000  }
0x82: {  	_ =	swait.ge [sflag:s31], $0x100  }
0x83: {  	[sflag:s31] =	ssyncset.done $0x0  }
0x84: {  	[sflag:s31] =	ssyncadd.s32 $0xFFFFFF00  }
0x85: {  	[tilespmem:s0], [sflag:$0x1] =	stream.indirect.gather [hbm4b:s5+s28], $0x80, s26, s28, $0xb8;
	[tilespmem:$0x1E200] =	vst v63  }
0x86: {  	_ = 	snop  }
0x87: {  	[spmem:s3] =	stream.indirect.scatter.add.f32 [tilespmem:s29], [sflag:$0x3], $0x80, s28, s28, $0xb8;
	[tilespmem:$0x1E200] =	vst v63  }
0x88: {  	_ =	swait.ge [sflag:s25], $0x4000  }
0x89: {  	[sflag:s25] =	ssyncset.done $0x0  }
0x8a: {  	[sflag:s25] =	ssyncadd.s32 $0xFFFFC000  }
0x8b: {  	[tilespmem:s4], [sflag:$0x2] =	stream.linear.gather [hbm4b:s21+s4], $0x100, $0x38;
	[tilespmem:$0x1E200] =	vst v63  }
0x8c: {  	_ =	swait.ge [sflag:s30], $0x4000  }
0x8d: {  	[sflag:s30] =	ssyncset.done $0x0  }
0x8e: {  	[sflag:s30] =	ssyncadd.s32 $0xFFFFC000  }
0x8f: {  	_ =	swait.ge [sflag:s31], $0x100  }
0x90: {  	[sflag:s31] =	ssyncset.done $0x0  }
0x91: {  	[sflag:s31] =	ssyncadd.s32 $0xFFFFFF00  }
0x92: {  	[tilespmem:s29], [sflag:$0x1] =	stream.indirect.gather [hbm4b:s5+s28], $0x80, s4, s28, $0xb8;
	[tilespmem:$0x1E200] =	vst v63  }
0x93: {  	_ = 	snop  }
0x94: {  	[spmem:s3] =	stream.indirect.scatter.add.f32 [tilespmem:s0], [sflag:$0x3], $0x80, s2, s28, $0xb8;
	[tilespmem:$0x1E200] =	vst v63  }
0x95: {  	_ =	swait.ge [sflag:s25], $0x4000  }
0x96: {  	[sflag:s25] =	ssyncset.done $0x0  }
0x97: {  	[sflag:s25] =	ssyncadd.s32 $0xFFFFC000  }
0x98: {  	[tilespmem:s26], [sflag:$0x2] =	stream.linear.gather [hbm4b:s20+s4], $0x100, $0x38;
	[tilespmem:$0x1E200] =	vst v63  }
0x99: {  	_ =	swait.ge [sflag:s30], $0x4000  }
0x9a: {  	[sflag:s30] =	ssyncset.done $0x0  }
0x9b: {  	[sflag:s30] =	ssyncadd.s32 $0xFFFFC000  }
0x9c: {  	_ =	swait.ge [sflag:s31], $0x100  }
0x9d: {  	[sflag:s31] =	ssyncset.done $0x0  }
0x9e: {  	[sflag:s31] =	ssyncadd.s32 $0xFFFFFF00  }
0x9f: {  	[tilespmem:s0], [sflag:$0x1] =	stream.indirect.gather [hbm4b:s5+s28], $0x80, s26, s28, $0xb8;
	[tilespmem:$0x1E200] =	vst v63  }
0xa0: {  	_ = 	snop  }
0xa1: {  	[spmem:s3] =	stream.indirect.scatter.add.f32 [tilespmem:s29], [sflag:$0x3], $0x80, s28, s28, $0xb8;
	[tilespmem:$0x1E200] =	vst v63  }
0xa2: {  	_ =	swait.ge [sflag:s25], $0x4000  }
0xa3: {  	[sflag:s25] =	ssyncset.done $0x0  }
0xa4: {  	[sflag:s25] =	ssyncadd.s32 $0xFFFFC000  }
0xa5: {  	[tilespmem:s4], [sflag:$0x2] =	stream.linear.gather [hbm4b:s20+s4], $0x100, $0x38;
	[tilespmem:$0x1E200] =	vst v63  }
0xa6: {  	_ =	swait.ge [sflag:s30], $0x4000  }
0xa7: {  	[sflag:s30] =	ssyncset.done $0x0  }
0xa8: {  	[sflag:s30] =	ssyncadd.s32 $0xFFFFC000  }
0xa9: {  	_ =	swait.ge [sflag:s31], $0x100  }
0xaa: {  	[sflag:s31] =	ssyncset.done $0x0  }
0xab: {  	[sflag:s31] =	ssyncadd.s32 $0xFFFFFF00  }
0xac: {  	[tilespmem:s29], [sflag:$0x1] =	stream.indirect.gather [hbm4b:s5+s28], $0x80, s4, s28, $0xb8;
	[tilespmem:$0x1E200] =	vst v63  }
0xad: {  	_ = 	snop  }
0xae: {  	[spmem:s3] =	stream.indirect.scatter.add.f32 [tilespmem:s0], [sflag:$0x3], $0x80, s2, s28, $0xb8;
	[tilespmem:$0x1E200] =	vst v63  }
0xaf: {  	_ =	swait.ge [sflag:s25], $0x4000  }
0xb0: {  	[sflag:s25] =	ssyncset.done $0x0  }
0xb1: {  	[sflag:s25] =	ssyncadd.s32 $0xFFFFC000  }
0xb2: {  	[tilespmem:s26], [sflag:$0x2] =	stream.linear.gather [hbm4b:s20+s4], $0x100, $0x38;
	[tilespmem:$0x1E200] =	vst v63  }
0xb3: {  	_ =	swait.ge [sflag:s30], $0x4000  }
0xb4: {  	[sflag:s30] =	ssyncset.done $0x0  }
0xb5: {  	[sflag:s30] =	ssyncadd.s32 $0xFFFFC000  }
0xb6: {  	s7 =	stileid.u32;
	_ =	swait.ge [sflag:s31], $0x100  }
0xb7: {  	s9 =	sshrl.u32 s6, $0x3;
	s1 =	sadd.s32 $0x1, s1;
	[sflag:s31] =	ssyncset.done $0x0  }
0xb8: {  	s7 =	sshll.u32 s7, $0x6;
	p0 =	sne.s32 s1, s19;
	[sflag:s31] =	ssyncadd.s32 $0xFFFFFF00  }
.Ltmp1:
0xb9: {  	s7 =	sor.u32 $0x1C03, s7;
	[bflag:$0x0] =	sbarrier.arrive $0xFFFF;
	(pc) =	sbr.rel @p0 .LBB2_1-.Ltmp1, $4  }
0xba: {  	[hbm:s18], [sflag:s7] =	dma.local [spmem:s9], $0x2800  }
0xbb: {  	_ =	swait.ge [sflag:s25], $0x2800  }
0xbc: {  	[sflag:s25] =	ssyncset.done $0x0  }
0xbd: {  	[sflag:s25] =	ssyncadd.s32 $0xFFFFD800  }
0xbe: {  	_ =	sfence.sel $0x180000  }
0xbf: {  	[bflag:$0x0] =	sbarrier.arrive $0xFFFF  }
0xc0: {  	_ =	strace $0x90000050  }
0xc1: {  	s0 =	stileid.u32;
	[bflag:$0x2] =	sbarrier.arrive $0xFFFF  }
0xc2: {  	p0 =	sne.s32 s0, $0x0;
	s0 =	rddreg [dreg:$0x3]  }
0xc3: {  	s0 =	sadd.s32 @!p0 $0x100000, s0  }
0xc4: {  	[sflag:s0] =	ssyncadd.tile.s32 @!p0 $0x1;
	_ =	shalt  }
.Lfunc_end2:
_tile_overlayer_lowered:
.L_overlay_start_2:
0xc5: {  	(tag) =	ssettag $0x2  }
0xc6: {  	s0 =	rddreg [dreg:$0x0];
	s2 =	stileid.u32  }
0xc7: {  	s1 =	rddreg [dreg:$0x1];
	p0 =	sne.s32 s2, $0x0  }
0xc8: {  	s3 =	rddreg [dreg:$0x2];
	[bflag:$0x3] =	sbarrier.arrive $0xFFFF;
	s2 =	simm.s32 @!p0 $0x1C03  }
0xc9: {  	[timem:s3], [sflag:s2] =	dma.local @!p0 [hbm:s0], s1  }
0xca: {  	s0 =	simm.s32 @!p0 $0x3  }
0xcb: {  	_ =	swait.ge @!p0 [sflag:s0], s1  }
0xcc: {  	s1 =	ssub.s32 @!p0 $0x0, s1;
	[sflag:s0] =	ssyncset.done @!p0 $0x0  }
0xcd: {  	[sflag:s0] =	ssyncadd.s32 @!p0 s1  }
0xce: {  	[bflag:$0x3] =	sbarrier.arrive $0xFFFF  }
0xcf: {  	_ =	shalt  }

</sc_bundles>
